<compile_context>
chip_gen: v7x
topology: tpu7x:2x2x1
jax: 0.10.2.dev20260603
libtpu: 0.0.44.dev20260713+nightly
codegen_flags: <defaults>
</compile_context>

<pallas_src>
import functools
import jax
import jax.numpy as jnp
from jax import lax
from jax.experimental import pallas as pl
from jax.experimental.pallas import tpu as pltpu, tpu_sc as plsc

N = 1048576
OUT_F = 6
PED_F = 4
SPA_F = 2
G = 128
NG = N // G

_info = plsc.get_sparse_core_info()
NC = _info.num_cores
NS = _info.num_subcores
L = _info.num_lanes
NW = NC * NS

GPW = NG // NW
SG = 32
STEPS = GPW // SG
S = SG * G
BLOCKS = S // L
KPG = G // L
NBUF = 3


def _body(table_hbm, sp3_hbm, ped_hbm, out_hbm, tbl_v, *scratch):
    pv = scratch[0:NBUF]
    ov = scratch[NBUF:2 * NBUF]
    psem = scratch[2 * NBUF:3 * NBUF]
    ssem = scratch[3 * NBUF:4 * NBUF]
    osem = scratch[4 * NBUF:5 * NBUF]

    wid = lax.axis_index("s") * NC + lax.axis_index("c")
    base_g = wid * GPW

    def ped_cp(s):
        b = s % NBUF
        g0 = base_g + s * SG
        return pltpu.make_async_copy(ped_hbm.at[pl.ds(g0 * G, S)], pv[b], psem[b])

    def sp_cp(s):
        b = s % NBUF
        g0 = base_g + s * SG
        return pltpu.make_async_copy(
            sp3_hbm.at[pl.ds(g0, SG), :, :],
            ov[b].at[:, pl.ds(PED_F, SPA_F), :],
            ssem[b],
        )

    def out_cp(s):
        b = s % NBUF
        g0 = base_g + s * SG
        return pltpu.make_async_copy(ov[b], out_hbm.at[pl.ds(g0, SG), :, :], osem[b])

    ped_cp(0).start()
    ped_cp(1).start()
    sp_cp(0).start()
    pltpu.sync_copy(table_hbm, tbl_v)

    for s in range(STEPS):
        b = s % NBUF
        ped_cp(s).wait()
        if s + 1 < STEPS:
            if s - 2 >= 0:
                out_cp(s - 2).wait()
            sp_cp(s + 1).start()
        if s + 2 < STEPS:
            ped_cp(s + 2).start()

        ped_b = pv[b]
        out_b = ov[b]

        @plsc.parallel_loop(0, BLOCKS, unroll=4)
        def blk_fn(blk):
            sg = lax.shift_right_logical(blk, 3)
            k = jnp.bitwise_and(blk, KPG - 1)
            ped_vec = ped_b[pl.ds(blk * L, L)]
            for j in range(PED_F):
                cj = jnp.full((L,), j, jnp.int32)
                col = plsc.load_gather(tbl_v, [cj, ped_vec])
                out_b[sg, j, pl.ds(k * L, L)] = col

        sp_cp(s).wait()
        out_cp(s).start()

    for s in range(max(0, STEPS - NBUF), STEPS):
        out_cp(s).wait()


def kernel(pedestal_table, spatial_embeddings, pedestals):
    mesh = plsc.VectorSubcoreMesh(core_axis_name="c", subcore_axis_name="s")
    tblT = jnp.pad(pedestal_table.T, ((0, 0), (0, G - 16)))
    sp3 = spatial_embeddings.reshape(NG, G, SPA_F).transpose(0, 2, 1)
    scratch = (
        [pltpu.VMEM((PED_F, G), jnp.float32)]
        + [pltpu.VMEM((S,), jnp.int32) for _ in range(NBUF)]
        + [pltpu.VMEM((SG, 8, G), jnp.float32) for _ in range(NBUF)]
        + [pltpu.SemaphoreType.DMA for _ in range(3 * NBUF)]
    )
    k = functools.partial(
        pl.kernel,
        mesh=mesh,
        out_type=jax.ShapeDtypeStruct((NG, 8, G), jnp.float32),
        scratch_types=scratch,
        compiler_params=pltpu.CompilerParams(
            needs_layout_passes=False,
            use_tc_tiling_on_sc=False,
            skip_device_barrier=True,
            disable_bounds_checks=True,
            disable_semaphore_checks=True,
        ),
    )(_body)
    out3 = k(tblT, sp3, pedestals)
    return out3.transpose(0, 2, 1).reshape(N, 8)[:, :OUT_F]

# --- scband reference (transcript-rebuilt; emitter-appended) ---
"""Pipeline reference for scband-channel-embedding-31954556682365 (READ-ONLY COPY).

The authoritative reference and input builder live on the scoring server;
editing this copy changes nothing except your own understanding.
"""

import jax, jax.numpy as jnp
import numpy as np

N_CHANNELS = 1048576
NUM_PEDESTALS = 16
PEDESTAL_FEATS = 4
SPATIAL_FEATS = 2


def setup_inputs(seed: int = 0) -> dict:
    key = jax.random.key(seed)
    k1, k2, k3 = jax.random.split(key, 3)
    # learned pedestal embedding table (nn.Embedding(num_pedestals, PEDESTAL_FEATS))
    pedestal_table = jax.random.normal(k1, (NUM_PEDESTALS, PEDESTAL_FEATS), dtype=jnp.float32)
    # precomputed normalized spatial locations, roughly in [-0.5, 0.5] as produced by
    # get_channel_pedestal_and_location(..., normalize_space=True)
    spatial_embeddings = jax.random.uniform(k2, (N_CHANNELS, SPATIAL_FEATS), dtype=jnp.float32) - 0.5
    # pedestal id per channel (buffer registered in __init__)
    pedestals = jax.random.randint(k3, (N_CHANNELS,), 0, NUM_PEDESTALS, dtype=jnp.int32)
    return {
        'pedestal_table': pedestal_table,
        'spatial_embeddings': spatial_embeddings,
        'pedestals': pedestals,
    }


def reference(pedestal_table, spatial_embeddings, pedestals):
    # pedestal_embeddings = self.pedestal_embedder(self.pedestals)
    pedestal_embeddings = jnp.take(pedestal_table, pedestals, axis=0)
    # return torch.cat([pedestal_embeddings, self.spatial_embeddings], -1)
    return jnp.concatenate([pedestal_embeddings, spatial_embeddings], axis=-1)

if __name__ == "__main__":
    import jax
    _d = setup_inputs()
    print(jax.jit(kernel)(*tuple(_d.values())))

</pallas_src>

<mosaic_0001>
#map = affine_map<(d0, d1) -> (0, 0)>
#map1 = affine_map<(d0, d1) -> (0, 0, 0)>
#map2 = affine_map<(d0, d1) -> (0)>
module attributes {stable_mosaic.version = 14 : i64} {
  func.func @_body(%arg0: i32, %arg1: i32, %arg2: memref<4x128xf32, #tpu.memory_space<hbm>>, %arg3: memref<8192x2x128xf32, #tpu.memory_space<hbm>>, %arg4: memref<1048576xi32, #tpu.memory_space<hbm>>, %arg5: memref<8192x8x128xf32, #tpu.memory_space<hbm>>, %arg6: memref<4x128xf32, #tpu.memory_space<vmem>>, %arg7: memref<4096xi32, #tpu.memory_space<vmem>>, %arg8: memref<4096xi32, #tpu.memory_space<vmem>>, %arg9: memref<4096xi32, #tpu.memory_space<vmem>>, %arg10: memref<32x8x128xf32, #tpu.memory_space<vmem>>, %arg11: memref<32x8x128xf32, #tpu.memory_space<vmem>>, %arg12: memref<32x8x128xf32, #tpu.memory_space<vmem>>, %arg13: memref<!tpu.dma_semaphore, #tpu.memory_space<semaphore_mem>>, %arg14: memref<!tpu.dma_semaphore, #tpu.memory_space<semaphore_mem>>, %arg15: memref<!tpu.dma_semaphore, #tpu.memory_space<semaphore_mem>>, %arg16: memref<!tpu.dma_semaphore, #tpu.memory_space<semaphore_mem>>, %arg17: memref<!tpu.dma_semaphore, #tpu.memory_space<semaphore_mem>>, %arg18: memref<!tpu.dma_semaphore, #tpu.memory_space<semaphore_mem>>, %arg19: memref<!tpu.dma_semaphore, #tpu.memory_space<semaphore_mem>>, %arg20: memref<!tpu.dma_semaphore, #tpu.memory_space<semaphore_mem>>, %arg21: memref<!tpu.dma_semaphore, #tpu.memory_space<semaphore_mem>>) attributes {dimension_semantics = [#tpu.dimension_semantics<core_parallel>, #tpu.dimension_semantics<subcore_parallel>], iteration_bounds = array<i64: 2, 16>, scalar_prefetch = 0 : i64, scratch_operands = 16 : i64, tpu.core_type = #tpu.core_type<sc_vector_subcore>, window_params = [{transform_indices = #map}, {transform_indices = #map1}, {transform_indices = #map2}, {transform_indices = #map1}]} {
    %mul3A = arith.constant 2 : i32
    %mul3A_0 = arith.muli %arg1, %mul3A : i32
    %add3A = arith.addi %mul3A_0, %arg0 : i32
    %mul3A_1 = arith.constant 256 : i32
    %mul3A_2 = arith.muli %add3A, %mul3A_1 : i32
    %add3A_3 = arith.constant 0 : i32
    %add3A_4 = arith.addi %mul3A_2, %add3A_3 : i32
    %mul3A_5 = arith.constant 128 : i32
    %mul3A_6 = arith.muli %add3A_4, %mul3A_5 : i32
    %dma_start3A = tpu.memref_slice %arg4[%mul3A_6] : memref<1048576xi32, #tpu.memory_space<hbm>> -> memref<4096xi32, #tpu.memory_space<hbm>>
    %dma_start3A_7 = tpu.memref_slice %arg4[%mul3A_6] : memref<1048576xi32, #tpu.memory_space<hbm>> -> memref<4096xi32, #tpu.memory_space<hbm>>
    tpu.enqueue_dma source(%dma_start3A_7 : memref<4096xi32, #tpu.memory_space<hbm>>) target(%arg7 : memref<4096xi32, #tpu.memory_space<vmem>>) target_semaphore(%arg13 : memref<!tpu.dma_semaphore, #tpu.memory_space<semaphore_mem>>)
    %add3A_8 = arith.constant 32 : i32
    %add3A_9 = arith.addi %mul3A_2, %add3A_8 : i32
    %mul3A_10 = arith.constant 128 : i32
    %mul3A_11 = arith.muli %add3A_9, %mul3A_10 : i32
    %dma_start3A_12 = tpu.memref_slice %arg4[%mul3A_11] : memref<1048576xi32, #tpu.memory_space<hbm>> -> memref<4096xi32, #tpu.memory_space<hbm>>
    %dma_start3A_13 = tpu.memref_slice %arg4[%mul3A_11] : memref<1048576xi32, #tpu.memory_space<hbm>> -> memref<4096xi32, #tpu.memory_space<hbm>>
    tpu.enqueue_dma source(%dma_start3A_13 : memref<4096xi32, #tpu.memory_space<hbm>>) target(%arg8 : memref<4096xi32, #tpu.memory_space<vmem>>) target_semaphore(%arg14 : memref<!tpu.dma_semaphore, #tpu.memory_space<semaphore_mem>>)
    %add3A_14 = arith.constant 0 : i32
    %add3A_15 = arith.addi %mul3A_2, %add3A_14 : i32
    %dma_start3A_16 = arith.constant 0 : i32
    %dma_start3A_17 = arith.constant 4 : i32
    %dma_start3A_18 = arith.constant 0 : i32
    %dma_start3A_19 = tpu.memref_slice %arg10[%dma_start3A_16, %dma_start3A_17, %dma_start3A_18] : memref<32x8x128xf32, #tpu.memory_space<vmem>> -> memref<32x2x128xf32, #tpu.memory_space<vmem>>
    %dma_start3A_20 = arith.constant 0 : i32
    %dma_start3A_21 = arith.constant 0 : i32
    %dma_start3A_22 = tpu.memref_slice %arg3[%add3A_15, %dma_start3A_20, %dma_start3A_21] : memref<8192x2x128xf32, #tpu.memory_space<hbm>> -> memref<32x2x128xf32, #tpu.memory_space<hbm>>
    %dma_start3A_23 = arith.constant 0 : i32
    %dma_start3A_24 = arith.constant 4 : i32
    %dma_start3A_25 = arith.constant 0 : i32
    %dma_start3A_26 = tpu.memref_slice %arg10[%dma_start3A_23, %dma_start3A_24, %dma_start3A_25] : memref<32x8x128xf32, #tpu.memory_space<vmem>> -> memref<32x2x128xf32, #tpu.memory_space<vmem>>
    %dma_start3A_27 = arith.constant 0 : i32
    %dma_start3A_28 = arith.constant 0 : i32
    %dma_start3A_29 = tpu.memref_slice %arg3[%add3A_15, %dma_start3A_27, %dma_start3A_28] : memref<8192x2x128xf32, #tpu.memory_space<hbm>> -> memref<32x2x128xf32, #tpu.memory_space<hbm>>
    tpu.enqueue_dma source(%dma_start3A_29 : memref<32x2x128xf32, #tpu.memory_space<hbm>>) target(%dma_start3A_26 : memref<32x2x128xf32, #tpu.memory_space<vmem>>) target_semaphore(%arg16 : memref<!tpu.dma_semaphore, #tpu.memory_space<semaphore_mem>>)
    "tpu.region"() ({
      %run_scoped3A = tpu.sem_alloc : memref<!tpu.dma_semaphore, #tpu.memory_space<semaphore_mem>>
      tpu.enqueue_dma source(%arg2 : memref<4x128xf32, #tpu.memory_space<hbm>>) target(%arg6 : memref<4x128xf32, #tpu.memory_space<vmem>>) target_semaphore(%run_scoped3A : memref<!tpu.dma_semaphore, #tpu.memory_space<semaphore_mem>>)
      tpu.wait_dma2 semaphore(%run_scoped3A : memref<!tpu.dma_semaphore, #tpu.memory_space<semaphore_mem>>) src(%arg2 : memref<4x128xf32, #tpu.memory_space<hbm>>) dst(%arg6 : memref<4x128xf32, #tpu.memory_space<vmem>>)
      tpu.yield
    }) : () -> ()
    %add3A_30 = arith.constant 0 : i32
    %add3A_31 = arith.addi %mul3A_2, %add3A_30 : i32
    %mul3A_32 = arith.constant 128 : i32
    %mul3A_33 = arith.muli %add3A_31, %mul3A_32 : i32
    %dma_wait3A = tpu.memref_slice %arg4[%mul3A_33] : memref<1048576xi32, #tpu.memory_space<hbm>> -> memref<4096xi32, #tpu.memory_space<hbm>>
    %dma_wait3A_34 = tpu.memref_slice %arg4[%mul3A_33] : memref<1048576xi32, #tpu.memory_space<hbm>> -> memref<4096xi32, #tpu.memory_space<hbm>>
    tpu.wait_dma2 semaphore(%arg13 : memref<!tpu.dma_semaphore, #tpu.memory_space<semaphore_mem>>) src(%dma_wait3A_34 : memref<4096xi32, #tpu.memory_space<hbm>>) dst(%arg7 : memref<4096xi32, #tpu.memory_space<vmem>>)
    %add3A_35 = arith.constant 32 : i32
    %add3A_36 = arith.addi %mul3A_2, %add3A_35 : i32
    %dma_start3A_37 = arith.constant 0 : i32
    %dma_start3A_38 = arith.constant 4 : i32
    %dma_start3A_39 = arith.constant 0 : i32
    %dma_start3A_40 = tpu.memref_slice %arg11[%dma_start3A_37, %dma_start3A_38, %dma_start3A_39] : memref<32x8x128xf32, #tpu.memory_space<vmem>> -> memref<32x2x128xf32, #tpu.memory_space<vmem>>
    %dma_start3A_41 = arith.constant 0 : i32
    %dma_start3A_42 = arith.constant 0 : i32
    %dma_start3A_43 = tpu.memref_slice %arg3[%add3A_36, %dma_start3A_41, %dma_start3A_42] : memref<8192x2x128xf32, #tpu.memory_space<hbm>> -> memref<32x2x128xf32, #tpu.memory_space<hbm>>
    %dma_start3A_44 = arith.constant 0 : i32
    %dma_start3A_45 = arith.constant 4 : i32
    %dma_start3A_46 = arith.constant 0 : i32
    %dma_start3A_47 = tpu.memref_slice %arg11[%dma_start3A_44, %dma_start3A_45, %dma_start3A_46] : memref<32x8x128xf32, #tpu.memory_space<vmem>> -> memref<32x2x128xf32, #tpu.memory_space<vmem>>
    %dma_start3A_48 = arith.constant 0 : i32
    %dma_start3A_49 = arith.constant 0 : i32
    %dma_start3A_50 = tpu.memref_slice %arg3[%add3A_36, %dma_start3A_48, %dma_start3A_49] : memref<8192x2x128xf32, #tpu.memory_space<hbm>> -> memref<32x2x128xf32, #tpu.memory_space<hbm>>
    tpu.enqueue_dma source(%dma_start3A_50 : memref<32x2x128xf32, #tpu.memory_space<hbm>>) target(%dma_start3A_47 : memref<32x2x128xf32, #tpu.memory_space<vmem>>) target_semaphore(%arg17 : memref<!tpu.dma_semaphore, #tpu.memory_space<semaphore_mem>>)
    %add3A_51 = arith.constant 64 : i32
    %add3A_52 = arith.addi %mul3A_2, %add3A_51 : i32
    %mul3A_53 = arith.constant 128 : i32
    %mul3A_54 = arith.muli %add3A_52, %mul3A_53 : i32
    %dma_start3A_55 = tpu.memref_slice %arg4[%mul3A_54] : memref<1048576xi32, #tpu.memory_space<hbm>> -> memref<4096xi32, #tpu.memory_space<hbm>>
    %dma_start3A_56 = tpu.memref_slice %arg4[%mul3A_54] : memref<1048576xi32, #tpu.memory_space<hbm>> -> memref<4096xi32, #tpu.memory_space<hbm>>
    tpu.enqueue_dma source(%dma_start3A_56 : memref<4096xi32, #tpu.memory_space<hbm>>) target(%arg9 : memref<4096xi32, #tpu.memory_space<vmem>>) target_semaphore(%arg15 : memref<!tpu.dma_semaphore, #tpu.memory_space<semaphore_mem>>)
    %parallel_loop3A = arith.constant 0 : i32
    %parallel_loop3A_57 = arith.constant 256 : i32
    %parallel_loop3A_58 = arith.constant 1 : i32
    scf.for %parallel_loop3A_504 = %parallel_loop3A to %parallel_loop3A_57 step %parallel_loop3A_58  : i32 {
      %parallel_loop3A_505 = arith.constant 3 : i32
      %parallel_loop3A_506 = arith.shrui %parallel_loop3A_504, %parallel_loop3A_505 : i32
      %parallel_loop3A_507 = arith.constant 7 : i32
      %parallel_loop3A_508 = arith.andi %parallel_loop3A_504, %parallel_loop3A_507 : i32
      %parallel_loop3A_509 = arith.constant 16 : i32
      %parallel_loop3A_510 = arith.muli %parallel_loop3A_504, %parallel_loop3A_509 : i32
      %parallel_loop3A_511 = arith.index_cast %parallel_loop3A_510 : i32 to index
      %parallel_loop3A_512 = tpu.vector_load %arg7[%parallel_loop3A_511] {strides = array<i32>} : memref<4096xi32, #tpu.memory_space<vmem>>, vector<16xi32>,
      %parallel_loop3A_513 = arith.constant 0 : i32
      %parallel_loop3A_514 = vector.broadcast %parallel_loop3A_513 : i32 to vector<16xi32>
      %parallel_loop3A_515 = tpu.vector_load_idx %arg6[%parallel_loop3A_514, %parallel_loop3A_512] : memref<4x128xf32, #tpu.memory_space<vmem>>[vector<16xi32>, vector<16xi32>], vector<16xf32>,
      %parallel_loop3A_516 = arith.constant 16 : i32
      %parallel_loop3A_517 = arith.muli %parallel_loop3A_508, %parallel_loop3A_516 : i32
      %parallel_loop3A_518 = arith.constant 0 : i32
      %parallel_loop3A_519 = arith.index_cast %parallel_loop3A_506 : i32 to index
      %parallel_loop3A_520 = arith.index_cast %parallel_loop3A_518 : i32 to index
      %parallel_loop3A_521 = arith.index_cast %parallel_loop3A_517 : i32 to index
      %parallel_loop3A_522 = tpu.vector_load %arg10[%parallel_loop3A_519, %parallel_loop3A_520, %parallel_loop3A_521] {strides = array<i32>} : memref<32x8x128xf32, #tpu.memory_space<vmem>>, vector<16xf32>,
      tpu.vector_store %arg10[%parallel_loop3A_519, %parallel_loop3A_520, %parallel_loop3A_521], %parallel_loop3A_515 {strides = array<i32>} : memref<32x8x128xf32, #tpu.memory_space<vmem>>, vector<16xf32>,
      %parallel_loop3A_523 = arith.constant 1 : i32
      %parallel_loop3A_524 = vector.broadcast %parallel_loop3A_523 : i32 to vector<16xi32>
      %parallel_loop3A_525 = tpu.vector_load_idx %arg6[%parallel_loop3A_524, %parallel_loop3A_512] : memref<4x128xf32, #tpu.memory_space<vmem>>[vector<16xi32>, vector<16xi32>], vector<16xf32>,
      %parallel_loop3A_526 = arith.constant 16 : i32
      %parallel_loop3A_527 = arith.muli %parallel_loop3A_508, %parallel_loop3A_526 : i32
      %parallel_loop3A_528 = arith.constant 1 : i32
      %parallel_loop3A_529 = arith.index_cast %parallel_loop3A_506 : i32 to index
      %parallel_loop3A_530 = arith.index_cast %parallel_loop3A_528 : i32 to index
      %parallel_loop3A_531 = arith.index_cast %parallel_loop3A_527 : i32 to index
      %parallel_loop3A_532 = tpu.vector_load %arg10[%parallel_loop3A_529, %parallel_loop3A_530, %parallel_loop3A_531] {strides = array<i32>} : memref<32x8x128xf32, #tpu.memory_space<vmem>>, vector<16xf32>,
      tpu.vector_store %arg10[%parallel_loop3A_529, %parallel_loop3A_530, %parallel_loop3A_531], %parallel_loop3A_525 {strides = array<i32>} : memref<32x8x128xf32, #tpu.memory_space<vmem>>, vector<16xf32>,
      %parallel_loop3A_533 = arith.constant 2 : i32
      %parallel_loop3A_534 = vector.broadcast %parallel_loop3A_533 : i32 to vector<16xi32>
      %parallel_loop3A_535 = tpu.vector_load_idx %arg6[%parallel_loop3A_534, %parallel_loop3A_512] : memref<4x128xf32, #tpu.memory_space<vmem>>[vector<16xi32>, vector<16xi32>], vector<16xf32>,
      %parallel_loop3A_536 = arith.constant 16 : i32
      %parallel_loop3A_537 = arith.muli %parallel_loop3A_508, %parallel_loop3A_536 : i32
      %parallel_loop3A_538 = arith.constant 2 : i32
      %parallel_loop3A_539 = arith.index_cast %parallel_loop3A_506 : i32 to index
      %parallel_loop3A_540 = arith.index_cast %parallel_loop3A_538 : i32 to index
      %parallel_loop3A_541 = arith.index_cast %parallel_loop3A_537 : i32 to index
      %parallel_loop3A_542 = tpu.vector_load %arg10[%parallel_loop3A_539, %parallel_loop3A_540, %parallel_loop3A_541] {strides = array<i32>} : memref<32x8x128xf32, #tpu.memory_space<vmem>>, vector<16xf32>,
      tpu.vector_store %arg10[%parallel_loop3A_539, %parallel_loop3A_540, %parallel_loop3A_541], %parallel_loop3A_535 {strides = array<i32>} : memref<32x8x128xf32, #tpu.memory_space<vmem>>, vector<16xf32>,
      %parallel_loop3A_543 = arith.constant 3 : i32
      %parallel_loop3A_544 = vector.broadcast %parallel_loop3A_543 : i32 to vector<16xi32>
      %parallel_loop3A_545 = tpu.vector_load_idx %arg6[%parallel_loop3A_544, %parallel_loop3A_512] : memref<4x128xf32, #tpu.memory_space<vmem>>[vector<16xi32>, vector<16xi32>], vector<16xf32>,
      %parallel_loop3A_546 = arith.constant 16 : i32
      %parallel_loop3A_547 = arith.muli %parallel_loop3A_508, %parallel_loop3A_546 : i32
      %parallel_loop3A_548 = arith.constant 3 : i32
      %parallel_loop3A_549 = arith.index_cast %parallel_loop3A_506 : i32 to index
      %parallel_loop3A_550 = arith.index_cast %parallel_loop3A_548 : i32 to index
      %parallel_loop3A_551 = arith.index_cast %parallel_loop3A_547 : i32 to index
      %parallel_loop3A_552 = tpu.vector_load %arg10[%parallel_loop3A_549, %parallel_loop3A_550, %parallel_loop3A_551] {strides = array<i32>} : memref<32x8x128xf32, #tpu.memory_space<vmem>>, vector<16xf32>,
      tpu.vector_store %arg10[%parallel_loop3A_549, %parallel_loop3A_550, %parallel_loop3A_551], %parallel_loop3A_545 {strides = array<i32>} : memref<32x8x128xf32, #tpu.memory_space<vmem>>, vector<16xf32>,
    } {sc.loop_unroll_factor = 4 : i64, sc.parallel_access}
    %add3A_59 = arith.constant 0 : i32
    %add3A_60 = arith.addi %mul3A_2, %add3A_59 : i32
    %dma_wait3A_61 = arith.constant 0 : i32
    %dma_wait3A_62 = arith.constant 4 : i32
    %dma_wait3A_63 = arith.constant 0 : i32
    %dma_wait3A_64 = tpu.memref_slice %arg10[%dma_wait3A_61, %dma_wait3A_62, %dma_wait3A_63] : memref<32x8x128xf32, #tpu.memory_space<vmem>> -> memref<32x2x128xf32, #tpu.memory_space<vmem>>
    %dma_wait3A_65 = arith.constant 0 : i32
    %dma_wait3A_66 = arith.constant 0 : i32
    %dma_wait3A_67 = tpu.memref_slice %arg3[%add3A_60, %dma_wait3A_65, %dma_wait3A_66] : memref<8192x2x128xf32, #tpu.memory_space<hbm>> -> memref<32x2x128xf32, #tpu.memory_space<hbm>>
    %dma_wait3A_68 = arith.constant 0 : i32
    %dma_wait3A_69 = arith.constant 4 : i32
    %dma_wait3A_70 = arith.constant 0 : i32
    %dma_wait3A_71 = tpu.memref_slice %arg10[%dma_wait3A_68, %dma_wait3A_69, %dma_wait3A_70] : memref<32x8x128xf32, #tpu.memory_space<vmem>> -> memref<32x2x128xf32, #tpu.memory_space<vmem>>
    %dma_wait3A_72 = arith.constant 0 : i32
    %dma_wait3A_73 = arith.constant 0 : i32
    %dma_wait3A_74 = tpu.memref_slice %arg3[%add3A_60, %dma_wait3A_72, %dma_wait3A_73] : memref<8192x2x128xf32, #tpu.memory_space<hbm>> -> memref<32x2x128xf32, #tpu.memory_space<hbm>>
    tpu.wait_dma2 semaphore(%arg16 : memref<!tpu.dma_semaphore, #tpu.memory_space<semaphore_mem>>) src(%dma_wait3A_74 : memref<32x2x128xf32, #tpu.memory_space<hbm>>) dst(%dma_wait3A_71 : memref<32x2x128xf32, #tpu.memory_space<vmem>>)
    %add3A_75 = arith.constant 0 : i32
    %add3A_76 = arith.addi %mul3A_2, %add3A_75 : i32
    %dma_start3A_77 = arith.constant 0 : i32
    %dma_start3A_78 = arith.constant 0 : i32
    %dma_start3A_79 = tpu.memref_slice %arg5[%add3A_76, %dma_start3A_77, %dma_start3A_78] : memref<8192x8x128xf32, #tpu.memory_space<hbm>> -> memref<32x8x128xf32, #tpu.memory_space<hbm>>
    %dma_start3A_80 = arith.constant 0 : i32
    %dma_start3A_81 = arith.constant 0 : i32
    %dma_start3A_82 = tpu.memref_slice %arg5[%add3A_76, %dma_start3A_80, %dma_start3A_81] : memref<8192x8x128xf32, #tpu.memory_space<hbm>> -> memref<32x8x128xf32, #tpu.memory_space<hbm>>
    tpu.enqueue_dma source(%arg10 : memref<32x8x128xf32, #tpu.memory_space<vmem>>) target(%dma_start3A_82 : memref<32x8x128xf32, #tpu.memory_space<hbm>>) target_semaphore(%arg19 : memref<!tpu.dma_semaphore, #tpu.memory_space<semaphore_mem>>)
    %add3A_83 = arith.constant 32 : i32
    %add3A_84 = arith.addi %mul3A_2, %add3A_83 : i32
    %mul3A_85 = arith.constant 128 : i32
    %mul3A_86 = arith.muli %add3A_84, %mul3A_85 : i32
    %dma_wait3A_87 = tpu.memref_slice %arg4[%mul3A_86] : memref<1048576xi32, #tpu.memory_space<hbm>> -> memref<4096xi32, #tpu.memory_space<hbm>>
    %dma_wait3A_88 = tpu.memref_slice %arg4[%mul3A_86] : memref<1048576xi32, #tpu.memory_space<hbm>> -> memref<4096xi32, #tpu.memory_space<hbm>>
    tpu.wait_dma2 semaphore(%arg14 : memref<!tpu.dma_semaphore, #tpu.memory_space<semaphore_mem>>) src(%dma_wait3A_88 : memref<4096xi32, #tpu.memory_space<hbm>>) dst(%arg8 : memref<4096xi32, #tpu.memory_space<vmem>>)
    %add3A_89 = arith.constant 64 : i32
    %add3A_90 = arith.addi %mul3A_2, %add3A_89 : i32
    %dma_start3A_91 = arith.constant 0 : i32
    %dma_start3A_92 = arith.constant 4 : i32
    %dma_start3A_93 = arith.constant 0 : i32
    %dma_start3A_94 = tpu.memref_slice %arg12[%dma_start3A_91, %dma_start3A_92, %dma_start3A_93] : memref<32x8x128xf32, #tpu.memory_space<vmem>> -> memref<32x2x128xf32, #tpu.memory_space<vmem>>
    %dma_start3A_95 = arith.constant 0 : i32
    %dma_start3A_96 = arith.constant 0 : i32
    %dma_start3A_97 = tpu.memref_slice %arg3[%add3A_90, %dma_start3A_95, %dma_start3A_96] : memref<8192x2x128xf32, #tpu.memory_space<hbm>> -> memref<32x2x128xf32, #tpu.memory_space<hbm>>
    %dma_start3A_98 = arith.constant 0 : i32
    %dma_start3A_99 = arith.constant 4 : i32
    %dma_start3A_100 = arith.constant 0 : i32
    %dma_start3A_101 = tpu.memref_slice %arg12[%dma_start3A_98, %dma_start3A_99, %dma_start3A_100] : memref<32x8x128xf32, #tpu.memory_space<vmem>> -> memref<32x2x128xf32, #tpu.memory_space<vmem>>
    %dma_start3A_102 = arith.constant 0 : i32
    %dma_start3A_103 = arith.constant 0 : i32
    %dma_start3A_104 = tpu.memref_slice %arg3[%add3A_90, %dma_start3A_102, %dma_start3A_103] : memref<8192x2x128xf32, #tpu.memory_space<hbm>> -> memref<32x2x128xf32, #tpu.memory_space<hbm>>
    tpu.enqueue_dma source(%dma_start3A_104 : memref<32x2x128xf32, #tpu.memory_space<hbm>>) target(%dma_start3A_101 : memref<32x2x128xf32, #tpu.memory_space<vmem>>) target_semaphore(%arg18 : memref<!tpu.dma_semaphore, #tpu.memory_space<semaphore_mem>>)
    %add3A_105 = arith.constant 96 : i32
    %add3A_106 = arith.addi %mul3A_2, %add3A_105 : i32
    %mul3A_107 = arith.constant 128 : i32
    %mul3A_108 = arith.muli %add3A_106, %mul3A_107 : i32
    %dma_start3A_109 = tpu.memref_slice %arg4[%mul3A_108] : memref<1048576xi32, #tpu.memory_space<hbm>> -> memref<4096xi32, #tpu.memory_space<hbm>>
    %dma_start3A_110 = tpu.memref_slice %arg4[%mul3A_108] : memref<1048576xi32, #tpu.memory_space<hbm>> -> memref<4096xi32, #tpu.memory_space<hbm>>
    tpu.enqueue_dma source(%dma_start3A_110 : memref<4096xi32, #tpu.memory_space<hbm>>) target(%arg7 : memref<4096xi32, #tpu.memory_space<vmem>>) target_semaphore(%arg13 : memref<!tpu.dma_semaphore, #tpu.memory_space<semaphore_mem>>)
    %parallel_loop3A_111 = arith.constant 0 : i32
    %parallel_loop3A_112 = arith.constant 256 : i32
    %parallel_loop3A_113 = arith.constant 1 : i32
    scf.for %parallel_loop3A_504 = %parallel_loop3A_111 to %parallel_loop3A_112 step %parallel_loop3A_113  : i32 {
      %parallel_loop3A_505 = arith.constant 3 : i32
      %parallel_loop3A_506 = arith.shrui %parallel_loop3A_504, %parallel_loop3A_505 : i32
      %parallel_loop3A_507 = arith.constant 7 : i32
      %parallel_loop3A_508 = arith.andi %parallel_loop3A_504, %parallel_loop3A_507 : i32
      %parallel_loop3A_509 = arith.constant 16 : i32
      %parallel_loop3A_510 = arith.muli %parallel_loop3A_504, %parallel_loop3A_509 : i32
      %parallel_loop3A_511 = arith.index_cast %parallel_loop3A_510 : i32 to index
      %parallel_loop3A_512 = tpu.vector_load %arg8[%parallel_loop3A_511] {strides = array<i32>} : memref<4096xi32, #tpu.memory_space<vmem>>, vector<16xi32>,
      %parallel_loop3A_513 = arith.constant 0 : i32
      %parallel_loop3A_514 = vector.broadcast %parallel_loop3A_513 : i32 to vector<16xi32>
      %parallel_loop3A_515 = tpu.vector_load_idx %arg6[%parallel_loop3A_514, %parallel_loop3A_512] : memref<4x128xf32, #tpu.memory_space<vmem>>[vector<16xi32>, vector<16xi32>], vector<16xf32>,
      %parallel_loop3A_516 = arith.constant 16 : i32
      %parallel_loop3A_517 = arith.muli %parallel_loop3A_508, %parallel_loop3A_516 : i32
      %parallel_loop3A_518 = arith.constant 0 : i32
      %parallel_loop3A_519 = arith.index_cast %parallel_loop3A_506 : i32 to index
      %parallel_loop3A_520 = arith.index_cast %parallel_loop3A_518 : i32 to index
      %parallel_loop3A_521 = arith.index_cast %parallel_loop3A_517 : i32 to index
      %parallel_loop3A_522 = tpu.vector_load %arg11[%parallel_loop3A_519, %parallel_loop3A_520, %parallel_loop3A_521] {strides = array<i32>} : memref<32x8x128xf32, #tpu.memory_space<vmem>>, vector<16xf32>,
      tpu.vector_store %arg11[%parallel_loop3A_519, %parallel_loop3A_520, %parallel_loop3A_521], %parallel_loop3A_515 {strides = array<i32>} : memref<32x8x128xf32, #tpu.memory_space<vmem>>, vector<16xf32>,
      %parallel_loop3A_523 = arith.constant 1 : i32
      %parallel_loop3A_524 = vector.broadcast %parallel_loop3A_523 : i32 to vector<16xi32>
      %parallel_loop3A_525 = tpu.vector_load_idx %arg6[%parallel_loop3A_524, %parallel_loop3A_512] : memref<4x128xf32, #tpu.memory_space<vmem>>[vector<16xi32>, vector<16xi32>], vector<16xf32>,
      %parallel_loop3A_526 = arith.constant 16 : i32
      %parallel_loop3A_527 = arith.muli %parallel_loop3A_508, %parallel_loop3A_526 : i32
      %parallel_loop3A_528 = arith.constant 1 : i32
      %parallel_loop3A_529 = arith.index_cast %parallel_loop3A_506 : i32 to index
      %parallel_loop3A_530 = arith.index_cast %parallel_loop3A_528 : i32 to index
      %parallel_loop3A_531 = arith.index_cast %parallel_loop3A_527 : i32 to index
      %parallel_loop3A_532 = tpu.vector_load %arg11[%parallel_loop3A_529, %parallel_loop3A_530, %parallel_loop3A_531] {strides = array<i32>} : memref<32x8x128xf32, #tpu.memory_space<vmem>>, vector<16xf32>,
      tpu.vector_store %arg11[%parallel_loop3A_529, %parallel_loop3A_530, %parallel_loop3A_531], %parallel_loop3A_525 {strides = array<i32>} : memref<32x8x128xf32, #tpu.memory_space<vmem>>, vector<16xf32>,
      %parallel_loop3A_533 = arith.constant 2 : i32
      %parallel_loop3A_534 = vector.broadcast %parallel_loop3A_533 : i32 to vector<16xi32>
      %parallel_loop3A_535 = tpu.vector_load_idx %arg6[%parallel_loop3A_534, %parallel_loop3A_512] : memref<4x128xf32, #tpu.memory_space<vmem>>[vector<16xi32>, vector<16xi32>], vector<16xf32>,
      %parallel_loop3A_536 = arith.constant 16 : i32
      %parallel_loop3A_537 = arith.muli %parallel_loop3A_508, %parallel_loop3A_536 : i32
      %parallel_loop3A_538 = arith.constant 2 : i32
      %parallel_loop3A_539 = arith.index_cast %parallel_loop3A_506 : i32 to index
      %parallel_loop3A_540 = arith.index_cast %parallel_loop3A_538 : i32 to index
      %parallel_loop3A_541 = arith.index_cast %parallel_loop3A_537 : i32 to index
      %parallel_loop3A_542 = tpu.vector_load %arg11[%parallel_loop3A_539, %parallel_loop3A_540, %parallel_loop3A_541] {strides = array<i32>} : memref<32x8x128xf32, #tpu.memory_space<vmem>>, vector<16xf32>,
      tpu.vector_store %arg11[%parallel_loop3A_539, %parallel_loop3A_540, %parallel_loop3A_541], %parallel_loop3A_535 {strides = array<i32>} : memref<32x8x128xf32, #tpu.memory_space<vmem>>, vector<16xf32>,
      %parallel_loop3A_543 = arith.constant 3 : i32
      %parallel_loop3A_544 = vector.broadcast %parallel_loop3A_543 : i32 to vector<16xi32>
      %parallel_loop3A_545 = tpu.vector_load_idx %arg6[%parallel_loop3A_544, %parallel_loop3A_512] : memref<4x128xf32, #tpu.memory_space<vmem>>[vector<16xi32>, vector<16xi32>], vector<16xf32>,
      %parallel_loop3A_546 = arith.constant 16 : i32
      %parallel_loop3A_547 = arith.muli %parallel_loop3A_508, %parallel_loop3A_546 : i32
      %parallel_loop3A_548 = arith.constant 3 : i32
      %parallel_loop3A_549 = arith.index_cast %parallel_loop3A_506 : i32 to index
      %parallel_loop3A_550 = arith.index_cast %parallel_loop3A_548 : i32 to index
      %parallel_loop3A_551 = arith.index_cast %parallel_loop3A_547 : i32 to index
      %parallel_loop3A_552 = tpu.vector_load %arg11[%parallel_loop3A_549, %parallel_loop3A_550, %parallel_loop3A_551] {strides = array<i32>} : memref<32x8x128xf32, #tpu.memory_space<vmem>>, vector<16xf32>,
      tpu.vector_store %arg11[%parallel_loop3A_549, %parallel_loop3A_550, %parallel_loop3A_551], %parallel_loop3A_545 {strides = array<i32>} : memref<32x8x128xf32, #tpu.memory_space<vmem>>, vector<16xf32>,
    } {sc.loop_unroll_factor = 4 : i64, sc.parallel_access}
    %add3A_114 = arith.constant 32 : i32
    %add3A_115 = arith.addi %mul3A_2, %add3A_114 : i32
    %dma_wait3A_116 = arith.constant 0 : i32
    %dma_wait3A_117 = arith.constant 4 : i32
    %dma_wait3A_118 = arith.constant 0 : i32
    %dma_wait3A_119 = tpu.memref_slice %arg11[%dma_wait3A_116, %dma_wait3A_117, %dma_wait3A_118] : memref<32x8x128xf32, #tpu.memory_space<vmem>> -> memref<32x2x128xf32, #tpu.memory_space<vmem>>
    %dma_wait3A_120 = arith.constant 0 : i32
    %dma_wait3A_121 = arith.constant 0 : i32
    %dma_wait3A_122 = tpu.memref_slice %arg3[%add3A_115, %dma_wait3A_120, %dma_wait3A_121] : memref<8192x2x128xf32, #tpu.memory_space<hbm>> -> memref<32x2x128xf32, #tpu.memory_space<hbm>>
    %dma_wait3A_123 = arith.constant 0 : i32
    %dma_wait3A_124 = arith.constant 4 : i32
    %dma_wait3A_125 = arith.constant 0 : i32
    %dma_wait3A_126 = tpu.memref_slice %arg11[%dma_wait3A_123, %dma_wait3A_124, %dma_wait3A_125] : memref<32x8x128xf32, #tpu.memory_space<vmem>> -> memref<32x2x128xf32, #tpu.memory_space<vmem>>
    %dma_wait3A_127 = arith.constant 0 : i32
    %dma_wait3A_128 = arith.constant 0 : i32
    %dma_wait3A_129 = tpu.memref_slice %arg3[%add3A_115, %dma_wait3A_127, %dma_wait3A_128] : memref<8192x2x128xf32, #tpu.memory_space<hbm>> -> memref<32x2x128xf32, #tpu.memory_space<hbm>>
    tpu.wait_dma2 semaphore(%arg17 : memref<!tpu.dma_semaphore, #tpu.memory_space<semaphore_mem>>) src(%dma_wait3A_129 : memref<32x2x128xf32, #tpu.memory_space<hbm>>) dst(%dma_wait3A_126 : memref<32x2x128xf32, #tpu.memory_space<vmem>>)
    %add3A_130 = arith.constant 32 : i32
    %add3A_131 = arith.addi %mul3A_2, %add3A_130 : i32
    %dma_start3A_132 = arith.constant 0 : i32
    %dma_start3A_133 = arith.constant 0 : i32
    %dma_start3A_134 = tpu.memref_slice %arg5[%add3A_131, %dma_start3A_132, %dma_start3A_133] : memref<8192x8x128xf32, #tpu.memory_space<hbm>> -> memref<32x8x128xf32, #tpu.memory_space<hbm>>
    %dma_start3A_135 = arith.constant 0 : i32
    %dma_start3A_136 = arith.constant 0 : i32
    %dma_start3A_137 = tpu.memref_slice %arg5[%add3A_131, %dma_start3A_135, %dma_start3A_136] : memref<8192x8x128xf32, #tpu.memory_space<hbm>> -> memref<32x8x128xf32, #tpu.memory_space<hbm>>
    tpu.enqueue_dma source(%arg11 : memref<32x8x128xf32, #tpu.memory_space<vmem>>) target(%dma_start3A_137 : memref<32x8x128xf32, #tpu.memory_space<hbm>>) target_semaphore(%arg20 : memref<!tpu.dma_semaphore, #tpu.memory_space<semaphore_mem>>)
    %add3A_138 = arith.constant 64 : i32
    %add3A_139 = arith.addi %mul3A_2, %add3A_138 : i32
    %mul3A_140 = arith.constant 128 : i32
    %mul3A_141 = arith.muli %add3A_139, %mul3A_140 : i32
    %dma_wait3A_142 = tpu.memref_slice %arg4[%mul3A_141] : memref<1048576xi32, #tpu.memory_space<hbm>> -> memref<4096xi32, #tpu.memory_space<hbm>>
    %dma_wait3A_143 = tpu.memref_slice %arg4[%mul3A_141] : memref<1048576xi32, #tpu.memory_space<hbm>> -> memref<4096xi32, #tpu.memory_space<hbm>>
    tpu.wait_dma2 semaphore(%arg15 : memref<!tpu.dma_semaphore, #tpu.memory_space<semaphore_mem>>) src(%dma_wait3A_143 : memref<4096xi32, #tpu.memory_space<hbm>>) dst(%arg9 : memref<4096xi32, #tpu.memory_space<vmem>>)
    %add3A_144 = arith.constant 0 : i32
    %add3A_145 = arith.addi %mul3A_2, %add3A_144 : i32
    %dma_wait3A_146 = arith.constant 0 : i32
    %dma_wait3A_147 = arith.constant 0 : i32
    %dma_wait3A_148 = tpu.memref_slice %arg5[%add3A_145, %dma_wait3A_146, %dma_wait3A_147] : memref<8192x8x128xf32, #tpu.memory_space<hbm>> -> memref<32x8x128xf32, #tpu.memory_space<hbm>>
    %dma_wait3A_149 = arith.constant 0 : i32
    %dma_wait3A_150 = arith.constant 0 : i32
    %dma_wait3A_151 = tpu.memref_slice %arg5[%add3A_145, %dma_wait3A_149, %dma_wait3A_150] : memref<8192x8x128xf32, #tpu.memory_space<hbm>> -> memref<32x8x128xf32, #tpu.memory_space<hbm>>
    tpu.wait_dma2 semaphore(%arg19 : memref<!tpu.dma_semaphore, #tpu.memory_space<semaphore_mem>>) src(%arg10 : memref<32x8x128xf32, #tpu.memory_space<vmem>>) dst(%dma_wait3A_151 : memref<32x8x128xf32, #tpu.memory_space<hbm>>)
    %add3A_152 = arith.constant 96 : i32
    %add3A_153 = arith.addi %mul3A_2, %add3A_152 : i32
    %dma_start3A_154 = arith.constant 0 : i32
    %dma_start3A_155 = arith.constant 4 : i32
    %dma_start3A_156 = arith.constant 0 : i32
    %dma_start3A_157 = tpu.memref_slice %arg10[%dma_start3A_154, %dma_start3A_155, %dma_start3A_156] : memref<32x8x128xf32, #tpu.memory_space<vmem>> -> memref<32x2x128xf32, #tpu.memory_space<vmem>>
    %dma_start3A_158 = arith.constant 0 : i32
    %dma_start3A_159 = arith.constant 0 : i32
    %dma_start3A_160 = tpu.memref_slice %arg3[%add3A_153, %dma_start3A_158, %dma_start3A_159] : memref<8192x2x128xf32, #tpu.memory_space<hbm>> -> memref<32x2x128xf32, #tpu.memory_space<hbm>>
    %dma_start3A_161 = arith.constant 0 : i32
    %dma_start3A_162 = arith.constant 4 : i32
    %dma_start3A_163 = arith.constant 0 : i32
    %dma_start3A_164 = tpu.memref_slice %arg10[%dma_start3A_161, %dma_start3A_162, %dma_start3A_163] : memref<32x8x128xf32, #tpu.memory_space<vmem>> -> memref<32x2x128xf32, #tpu.memory_space<vmem>>
    %dma_start3A_165 = arith.constant 0 : i32
    %dma_start3A_166 = arith.constant 0 : i32
    %dma_start3A_167 = tpu.memref_slice %arg3[%add3A_153, %dma_start3A_165, %dma_start3A_166] : memref<8192x2x128xf32, #tpu.memory_space<hbm>> -> memref<32x2x128xf32, #tpu.memory_space<hbm>>
    tpu.enqueue_dma source(%dma_start3A_167 : memref<32x2x128xf32, #tpu.memory_space<hbm>>) target(%dma_start3A_164 : memref<32x2x128xf32, #tpu.memory_space<vmem>>) target_semaphore(%arg16 : memref<!tpu.dma_semaphore, #tpu.memory_space<semaphore_mem>>)
    %add3A_168 = arith.constant 128 : i32
    %add3A_169 = arith.addi %mul3A_2, %add3A_168 : i32
    %mul3A_170 = arith.constant 128 : i32
    %mul3A_171 = arith.muli %add3A_169, %mul3A_170 : i32
    %dma_start3A_172 = tpu.memref_slice %arg4[%mul3A_171] : memref<1048576xi32, #tpu.memory_space<hbm>> -> memref<4096xi32, #tpu.memory_space<hbm>>
    %dma_start3A_173 = tpu.memref_slice %arg4[%mul3A_171] : memref<1048576xi32, #tpu.memory_space<hbm>> -> memref<4096xi32, #tpu.memory_space<hbm>>
    tpu.enqueue_dma source(%dma_start3A_173 : memref<4096xi32, #tpu.memory_space<hbm>>) target(%arg8 : memref<4096xi32, #tpu.memory_space<vmem>>) target_semaphore(%arg14 : memref<!tpu.dma_semaphore, #tpu.memory_space<semaphore_mem>>)
    %parallel_loop3A_174 = arith.constant 0 : i32
    %parallel_loop3A_175 = arith.constant 256 : i32
    %parallel_loop3A_176 = arith.constant 1 : i32
    scf.for %parallel_loop3A_504 = %parallel_loop3A_174 to %parallel_loop3A_175 step %parallel_loop3A_176  : i32 {
      %parallel_loop3A_505 = arith.constant 3 : i32
      %parallel_loop3A_506 = arith.shrui %parallel_loop3A_504, %parallel_loop3A_505 : i32
      %parallel_loop3A_507 = arith.constant 7 : i32
      %parallel_loop3A_508 = arith.andi %parallel_loop3A_504, %parallel_loop3A_507 : i32
      %parallel_loop3A_509 = arith.constant 16 : i32
      %parallel_loop3A_510 = arith.muli %parallel_loop3A_504, %parallel_loop3A_509 : i32
      %parallel_loop3A_511 = arith.index_cast %parallel_loop3A_510 : i32 to index
      %parallel_loop3A_512 = tpu.vector_load %arg9[%parallel_loop3A_511] {strides = array<i32>} : memref<4096xi32, #tpu.memory_space<vmem>>, vector<16xi32>,
      %parallel_loop3A_513 = arith.constant 0 : i32
      %parallel_loop3A_514 = vector.broadcast %parallel_loop3A_513 : i32 to vector<16xi32>
      %parallel_loop3A_515 = tpu.vector_load_idx %arg6[%parallel_loop3A_514, %parallel_loop3A_512] : memref<4x128xf32, #tpu.memory_space<vmem>>[vector<16xi32>, vector<16xi32>], vector<16xf32>,
      %parallel_loop3A_516 = arith.constant 16 : i32
      %parallel_loop3A_517 = arith.muli %parallel_loop3A_508, %parallel_loop3A_516 : i32
      %parallel_loop3A_518 = arith.constant 0 : i32
      %parallel_loop3A_519 = arith.index_cast %parallel_loop3A_506 : i32 to index
      %parallel_loop3A_520 = arith.index_cast %parallel_loop3A_518 : i32 to index
      %parallel_loop3A_521 = arith.index_cast %parallel_loop3A_517 : i32 to index
      %parallel_loop3A_522 = tpu.vector_load %arg12[%parallel_loop3A_519, %parallel_loop3A_520, %parallel_loop3A_521] {strides = array<i32>} : memref<32x8x128xf32, #tpu.memory_space<vmem>>, vector<16xf32>,
      tpu.vector_store %arg12[%parallel_loop3A_519, %parallel_loop3A_520, %parallel_loop3A_521], %parallel_loop3A_515 {strides = array<i32>} : memref<32x8x128xf32, #tpu.memory_space<vmem>>, vector<16xf32>,
      %parallel_loop3A_523 = arith.constant 1 : i32
      %parallel_loop3A_524 = vector.broadcast %parallel_loop3A_523 : i32 to vector<16xi32>
      %parallel_loop3A_525 = tpu.vector_load_idx %arg6[%parallel_loop3A_524, %parallel_loop3A_512] : memref<4x128xf32, #tpu.memory_space<vmem>>[vector<16xi32>, vector<16xi32>], vector<16xf32>,
      %parallel_loop3A_526 = arith.constant 16 : i32
      %parallel_loop3A_527 = arith.muli %parallel_loop3A_508, %parallel_loop3A_526 : i32
      %parallel_loop3A_528 = arith.constant 1 : i32
      %parallel_loop3A_529 = arith.index_cast %parallel_loop3A_506 : i32 to index
      %parallel_loop3A_530 = arith.index_cast %parallel_loop3A_528 : i32 to index
      %parallel_loop3A_531 = arith.index_cast %parallel_loop3A_527 : i32 to index
      %parallel_loop3A_532 = tpu.vector_load %arg12[%parallel_loop3A_529, %parallel_loop3A_530, %parallel_loop3A_531] {strides = array<i32>} : memref<32x8x128xf32, #tpu.memory_space<vmem>>, vector<16xf32>,
      tpu.vector_store %arg12[%parallel_loop3A_529, %parallel_loop3A_530, %parallel_loop3A_531], %parallel_loop3A_525 {strides = array<i32>} : memref<32x8x128xf32, #tpu.memory_space<vmem>>, vector<16xf32>,
      %parallel_loop3A_533 = arith.constant 2 : i32
      %parallel_loop3A_534 = vector.broadcast %parallel_loop3A_533 : i32 to vector<16xi32>
      %parallel_loop3A_535 = tpu.vector_load_idx %arg6[%parallel_loop3A_534, %parallel_loop3A_512] : memref<4x128xf32, #tpu.memory_space<vmem>>[vector<16xi32>, vector<16xi32>], vector<16xf32>,
      %parallel_loop3A_536 = arith.constant 16 : i32
      %parallel_loop3A_537 = arith.muli %parallel_loop3A_508, %parallel_loop3A_536 : i32
      %parallel_loop3A_538 = arith.constant 2 : i32
      %parallel_loop3A_539 = arith.index_cast %parallel_loop3A_506 : i32 to index
      %parallel_loop3A_540 = arith.index_cast %parallel_loop3A_538 : i32 to index
      %parallel_loop3A_541 = arith.index_cast %parallel_loop3A_537 : i32 to index
      %parallel_loop3A_542 = tpu.vector_load %arg12[%parallel_loop3A_539, %parallel_loop3A_540, %parallel_loop3A_541] {strides = array<i32>} : memref<32x8x128xf32, #tpu.memory_space<vmem>>, vector<16xf32>,
      tpu.vector_store %arg12[%parallel_loop3A_539, %parallel_loop3A_540, %parallel_loop3A_541], %parallel_loop3A_535 {strides = array<i32>} : memref<32x8x128xf32, #tpu.memory_space<vmem>>, vector<16xf32>,
      %parallel_loop3A_543 = arith.constant 3 : i32
      %parallel_loop3A_544 = vector.broadcast %parallel_loop3A_543 : i32 to vector<16xi32>
      %parallel_loop3A_545 = tpu.vector_load_idx %arg6[%parallel_loop3A_544, %parallel_loop3A_512] : memref<4x128xf32, #tpu.memory_space<vmem>>[vector<16xi32>, vector<16xi32>], vector<16xf32>,
      %parallel_loop3A_546 = arith.constant 16 : i32
      %parallel_loop3A_547 = arith.muli %parallel_loop3A_508, %parallel_loop3A_546 : i32
      %parallel_loop3A_548 = arith.constant 3 : i32
      %parallel_loop3A_549 = arith.index_cast %parallel_loop3A_506 : i32 to index
      %parallel_loop3A_550 = arith.index_cast %parallel_loop3A_548 : i32 to index
      %parallel_loop3A_551 = arith.index_cast %parallel_loop3A_547 : i32 to index
      %parallel_loop3A_552 = tpu.vector_load %arg12[%parallel_loop3A_549, %parallel_loop3A_550, %parallel_loop3A_551] {strides = array<i32>} : memref<32x8x128xf32, #tpu.memory_space<vmem>>, vector<16xf32>,
      tpu.vector_store %arg12[%parallel_loop3A_549, %parallel_loop3A_550, %parallel_loop3A_551], %parallel_loop3A_545 {strides = array<i32>} : memref<32x8x128xf32, #tpu.memory_space<vmem>>, vector<16xf32>,
    } {sc.loop_unroll_factor = 4 : i64, sc.parallel_access}
    %add3A_177 = arith.constant 64 : i32
    %add3A_178 = arith.addi %mul3A_2, %add3A_177 : i32
    %dma_wait3A_179 = arith.constant 0 : i32
    %dma_wait3A_180 = arith.constant 4 : i32
    %dma_wait3A_181 = arith.constant 0 : i32
    %dma_wait3A_182 = tpu.memref_slice %arg12[%dma_wait3A_179, %dma_wait3A_180, %dma_wait3A_181] : memref<32x8x128xf32, #tpu.memory_space<vmem>> -> memref<32x2x128xf32, #tpu.memory_space<vmem>>
    %dma_wait3A_183 = arith.constant 0 : i32
    %dma_wait3A_184 = arith.constant 0 : i32
    %dma_wait3A_185 = tpu.memref_slice %arg3[%add3A_178, %dma_wait3A_183, %dma_wait3A_184] : memref<8192x2x128xf32, #tpu.memory_space<hbm>> -> memref<32x2x128xf32, #tpu.memory_space<hbm>>
    %dma_wait3A_186 = arith.constant 0 : i32
    %dma_wait3A_187 = arith.constant 4 : i32
    %dma_wait3A_188 = arith.constant 0 : i32
    %dma_wait3A_189 = tpu.memref_slice %arg12[%dma_wait3A_186, %dma_wait3A_187, %dma_wait3A_188] : memref<32x8x128xf32, #tpu.memory_space<vmem>> -> memref<32x2x128xf32, #tpu.memory_space<vmem>>
    %dma_wait3A_190 = arith.constant 0 : i32
    %dma_wait3A_191 = arith.constant 0 : i32
    %dma_wait3A_192 = tpu.memref_slice %arg3[%add3A_178, %dma_wait3A_190, %dma_wait3A_191] : memref<8192x2x128xf32, #tpu.memory_space<hbm>> -> memref<32x2x128xf32, #tpu.memory_space<hbm>>
    tpu.wait_dma2 semaphore(%arg18 : memref<!tpu.dma_semaphore, #tpu.memory_space<semaphore_mem>>) src(%dma_wait3A_192 : memref<32x2x128xf32, #tpu.memory_space<hbm>>) dst(%dma_wait3A_189 : memref<32x2x128xf32, #tpu.memory_space<vmem>>)
    %add3A_193 = arith.constant 64 : i32
    %add3A_194 = arith.addi %mul3A_2, %add3A_193 : i32
    %dma_start3A_195 = arith.constant 0 : i32
    %dma_start3A_196 = arith.constant 0 : i32
    %dma_start3A_197 = tpu.memref_slice %arg5[%add3A_194, %dma_start3A_195, %dma_start3A_196] : memref<8192x8x128xf32, #tpu.memory_space<hbm>> -> memref<32x8x128xf32, #tpu.memory_space<hbm>>
    %dma_start3A_198 = arith.constant 0 : i32
    %dma_start3A_199 = arith.constant 0 : i32
    %dma_start3A_200 = tpu.memref_slice %arg5[%add3A_194, %dma_start3A_198, %dma_start3A_199] : memref<8192x8x128xf32, #tpu.memory_space<hbm>> -> memref<32x8x128xf32, #tpu.memory_space<hbm>>
    tpu.enqueue_dma source(%arg12 : memref<32x8x128xf32, #tpu.memory_space<vmem>>) target(%dma_start3A_200 : memref<32x8x128xf32, #tpu.memory_space<hbm>>) target_semaphore(%arg21 : memref<!tpu.dma_semaphore, #tpu.memory_space<semaphore_mem>>)
    %add3A_201 = arith.constant 96 : i32
    %add3A_202 = arith.addi %mul3A_2, %add3A_201 : i32
    %mul3A_203 = arith.constant 128 : i32
    %mul3A_204 = arith.muli %add3A_202, %mul3A_203 : i32
    %dma_wait3A_205 = tpu.memref_slice %arg4[%mul3A_204] : memref<1048576xi32, #tpu.memory_space<hbm>> -> memref<4096xi32, #tpu.memory_space<hbm>>
    %dma_wait3A_206 = tpu.memref_slice %arg4[%mul3A_204] : memref<1048576xi32, #tpu.memory_space<hbm>> -> memref<4096xi32, #tpu.memory_space<hbm>>
    tpu.wait_dma2 semaphore(%arg13 : memref<!tpu.dma_semaphore, #tpu.memory_space<semaphore_mem>>) src(%dma_wait3A_206 : memref<4096xi32, #tpu.memory_space<hbm>>) dst(%arg7 : memref<4096xi32, #tpu.memory_space<vmem>>)
    %add3A_207 = arith.constant 32 : i32
    %add3A_208 = arith.addi %mul3A_2, %add3A_207 : i32
    %dma_wait3A_209 = arith.constant 0 : i32
    %dma_wait3A_210 = arith.constant 0 : i32
    %dma_wait3A_211 = tpu.memref_slice %arg5[%add3A_208, %dma_wait3A_209, %dma_wait3A_210] : memref<8192x8x128xf32, #tpu.memory_space<hbm>> -> memref<32x8x128xf32, #tpu.memory_space<hbm>>
    %dma_wait3A_212 = arith.constant 0 : i32
    %dma_wait3A_213 = arith.constant 0 : i32
    %dma_wait3A_214 = tpu.memref_slice %arg5[%add3A_208, %dma_wait3A_212, %dma_wait3A_213] : memref<8192x8x128xf32, #tpu.memory_space<hbm>> -> memref<32x8x128xf32, #tpu.memory_space<hbm>>
    tpu.wait_dma2 semaphore(%arg20 : memref<!tpu.dma_semaphore, #tpu.memory_space<semaphore_mem>>) src(%arg11 : memref<32x8x128xf32, #tpu.memory_space<vmem>>) dst(%dma_wait3A_214 : memref<32x8x128xf32, #tpu.memory_space<hbm>>)
    %add3A_215 = arith.constant 128 : i32
    %add3A_216 = arith.addi %mul3A_2, %add3A_215 : i32
    %dma_start3A_217 = arith.constant 0 : i32
    %dma_start3A_218 = arith.constant 4 : i32
    %dma_start3A_219 = arith.constant 0 : i32
    %dma_start3A_220 = tpu.memref_slice %arg11[%dma_start3A_217, %dma_start3A_218, %dma_start3A_219] : memref<32x8x128xf32, #tpu.memory_space<vmem>> -> memref<32x2x128xf32, #tpu.memory_space<vmem>>
    %dma_start3A_221 = arith.constant 0 : i32
    %dma_start3A_222 = arith.constant 0 : i32
    %dma_start3A_223 = tpu.memref_slice %arg3[%add3A_216, %dma_start3A_221, %dma_start3A_222] : memref<8192x2x128xf32, #tpu.memory_space<hbm>> -> memref<32x2x128xf32, #tpu.memory_space<hbm>>
    %dma_start3A_224 = arith.constant 0 : i32
    %dma_start3A_225 = arith.constant 4 : i32
    %dma_start3A_226 = arith.constant 0 : i32
    %dma_start3A_227 = tpu.memref_slice %arg11[%dma_start3A_224, %dma_start3A_225, %dma_start3A_226] : memref<32x8x128xf32, #tpu.memory_space<vmem>> -> memref<32x2x128xf32, #tpu.memory_space<vmem>>
    %dma_start3A_228 = arith.constant 0 : i32
    %dma_start3A_229 = arith.constant 0 : i32
    %dma_start3A_230 = tpu.memref_slice %arg3[%add3A_216, %dma_start3A_228, %dma_start3A_229] : memref<8192x2x128xf32, #tpu.memory_space<hbm>> -> memref<32x2x128xf32, #tpu.memory_space<hbm>>
    tpu.enqueue_dma source(%dma_start3A_230 : memref<32x2x128xf32, #tpu.memory_space<hbm>>) target(%dma_start3A_227 : memref<32x2x128xf32, #tpu.memory_space<vmem>>) target_semaphore(%arg17 : memref<!tpu.dma_semaphore, #tpu.memory_space<semaphore_mem>>)
    %add3A_231 = arith.constant 160 : i32
    %add3A_232 = arith.addi %mul3A_2, %add3A_231 : i32
    %mul3A_233 = arith.constant 128 : i32
    %mul3A_234 = arith.muli %add3A_232, %mul3A_233 : i32
    %dma_start3A_235 = tpu.memref_slice %arg4[%mul3A_234] : memref<1048576xi32, #tpu.memory_space<hbm>> -> memref<4096xi32, #tpu.memory_space<hbm>>
    %dma_start3A_236 = tpu.memref_slice %arg4[%mul3A_234] : memref<1048576xi32, #tpu.memory_space<hbm>> -> memref<4096xi32, #tpu.memory_space<hbm>>
    tpu.enqueue_dma source(%dma_start3A_236 : memref<4096xi32, #tpu.memory_space<hbm>>) target(%arg9 : memref<4096xi32, #tpu.memory_space<vmem>>) target_semaphore(%arg15 : memref<!tpu.dma_semaphore, #tpu.memory_space<semaphore_mem>>)
    %parallel_loop3A_237 = arith.constant 0 : i32
    %parallel_loop3A_238 = arith.constant 256 : i32
    %parallel_loop3A_239 = arith.constant 1 : i32
    scf.for %parallel_loop3A_504 = %parallel_loop3A_237 to %parallel_loop3A_238 step %parallel_loop3A_239  : i32 {
      %parallel_loop3A_505 = arith.constant 3 : i32
      %parallel_loop3A_506 = arith.shrui %parallel_loop3A_504, %parallel_loop3A_505 : i32
      %parallel_loop3A_507 = arith.constant 7 : i32
      %parallel_loop3A_508 = arith.andi %parallel_loop3A_504, %parallel_loop3A_507 : i32
      %parallel_loop3A_509 = arith.constant 16 : i32
      %parallel_loop3A_510 = arith.muli %parallel_loop3A_504, %parallel_loop3A_509 : i32
      %parallel_loop3A_511 = arith.index_cast %parallel_loop3A_510 : i32 to index
      %parallel_loop3A_512 = tpu.vector_load %arg7[%parallel_loop3A_511] {strides = array<i32>} : memref<4096xi32, #tpu.memory_space<vmem>>, vector<16xi32>,
      %parallel_loop3A_513 = arith.constant 0 : i32
      %parallel_loop3A_514 = vector.broadcast %parallel_loop3A_513 : i32 to vector<16xi32>
      %parallel_loop3A_515 = tpu.vector_load_idx %arg6[%parallel_loop3A_514, %parallel_loop3A_512] : memref<4x128xf32, #tpu.memory_space<vmem>>[vector<16xi32>, vector<16xi32>], vector<16xf32>,
      %parallel_loop3A_516 = arith.constant 16 : i32
      %parallel_loop3A_517 = arith.muli %parallel_loop3A_508, %parallel_loop3A_516 : i32
      %parallel_loop3A_518 = arith.constant 0 : i32
      %parallel_loop3A_519 = arith.index_cast %parallel_loop3A_506 : i32 to index
      %parallel_loop3A_520 = arith.index_cast %parallel_loop3A_518 : i32 to index
      %parallel_loop3A_521 = arith.index_cast %parallel_loop3A_517 : i32 to index
      %parallel_loop3A_522 = tpu.vector_load %arg10[%parallel_loop3A_519, %parallel_loop3A_520, %parallel_loop3A_521] {strides = array<i32>} : memref<32x8x128xf32, #tpu.memory_space<vmem>>, vector<16xf32>,
      tpu.vector_store %arg10[%parallel_loop3A_519, %parallel_loop3A_520, %parallel_loop3A_521], %parallel_loop3A_515 {strides = array<i32>} : memref<32x8x128xf32, #tpu.memory_space<vmem>>, vector<16xf32>,
      %parallel_loop3A_523 = arith.constant 1 : i32
      %parallel_loop3A_524 = vector.broadcast %parallel_loop3A_523 : i32 to vector<16xi32>
      %parallel_loop3A_525 = tpu.vector_load_idx %arg6[%parallel_loop3A_524, %parallel_loop3A_512] : memref<4x128xf32, #tpu.memory_space<vmem>>[vector<16xi32>, vector<16xi32>], vector<16xf32>,
      %parallel_loop3A_526 = arith.constant 16 : i32
      %parallel_loop3A_527 = arith.muli %parallel_loop3A_508, %parallel_loop3A_526 : i32
      %parallel_loop3A_528 = arith.constant 1 : i32
      %parallel_loop3A_529 = arith.index_cast %parallel_loop3A_506 : i32 to index
      %parallel_loop3A_530 = arith.index_cast %parallel_loop3A_528 : i32 to index
      %parallel_loop3A_531 = arith.index_cast %parallel_loop3A_527 : i32 to index
      %parallel_loop3A_532 = tpu.vector_load %arg10[%parallel_loop3A_529, %parallel_loop3A_530, %parallel_loop3A_531] {strides = array<i32>} : memref<32x8x128xf32, #tpu.memory_space<vmem>>, vector<16xf32>,
      tpu.vector_store %arg10[%parallel_loop3A_529, %parallel_loop3A_530, %parallel_loop3A_531], %parallel_loop3A_525 {strides = array<i32>} : memref<32x8x128xf32, #tpu.memory_space<vmem>>, vector<16xf32>,
      %parallel_loop3A_533 = arith.constant 2 : i32
      %parallel_loop3A_534 = vector.broadcast %parallel_loop3A_533 : i32 to vector<16xi32>
      %parallel_loop3A_535 = tpu.vector_load_idx %arg6[%parallel_loop3A_534, %parallel_loop3A_512] : memref<4x128xf32, #tpu.memory_space<vmem>>[vector<16xi32>, vector<16xi32>], vector<16xf32>,
      %parallel_loop3A_536 = arith.constant 16 : i32
      %parallel_loop3A_537 = arith.muli %parallel_loop3A_508, %parallel_loop3A_536 : i32
      %parallel_loop3A_538 = arith.constant 2 : i32
      %parallel_loop3A_539 = arith.index_cast %parallel_loop3A_506 : i32 to index
      %parallel_loop3A_540 = arith.index_cast %parallel_loop3A_538 : i32 to index
      %parallel_loop3A_541 = arith.index_cast %parallel_loop3A_537 : i32 to index
      %parallel_loop3A_542 = tpu.vector_load %arg10[%parallel_loop3A_539, %parallel_loop3A_540, %parallel_loop3A_541] {strides = array<i32>} : memref<32x8x128xf32, #tpu.memory_space<vmem>>, vector<16xf32>,
      tpu.vector_store %arg10[%parallel_loop3A_539, %parallel_loop3A_540, %parallel_loop3A_541], %parallel_loop3A_535 {strides = array<i32>} : memref<32x8x128xf32, #tpu.memory_space<vmem>>, vector<16xf32>,
      %parallel_loop3A_543 = arith.constant 3 : i32
      %parallel_loop3A_544 = vector.broadcast %parallel_loop3A_543 : i32 to vector<16xi32>
      %parallel_loop3A_545 = tpu.vector_load_idx %arg6[%parallel_loop3A_544, %parallel_loop3A_512] : memref<4x128xf32, #tpu.memory_space<vmem>>[vector<16xi32>, vector<16xi32>], vector<16xf32>,
      %parallel_loop3A_546 = arith.constant 16 : i32
      %parallel_loop3A_547 = arith.muli %parallel_loop3A_508, %parallel_loop3A_546 : i32
      %parallel_loop3A_548 = arith.constant 3 : i32
      %parallel_loop3A_549 = arith.index_cast %parallel_loop3A_506 : i32 to index
      %parallel_loop3A_550 = arith.index_cast %parallel_loop3A_548 : i32 to index
      %parallel_loop3A_551 = arith.index_cast %parallel_loop3A_547 : i32 to index
      %parallel_loop3A_552 = tpu.vector_load %arg10[%parallel_loop3A_549, %parallel_loop3A_550, %parallel_loop3A_551] {strides = array<i32>} : memref<32x8x128xf32, #tpu.memory_space<vmem>>, vector<16xf32>,
      tpu.vector_store %arg10[%parallel_loop3A_549, %parallel_loop3A_550, %parallel_loop3A_551], %parallel_loop3A_545 {strides = array<i32>} : memref<32x8x128xf32, #tpu.memory_space<vmem>>, vector<16xf32>,
    } {sc.loop_unroll_factor = 4 : i64, sc.parallel_access}
    %add3A_240 = arith.constant 96 : i32
    %add3A_241 = arith.addi %mul3A_2, %add3A_240 : i32
    %dma_wait3A_242 = arith.constant 0 : i32
    %dma_wait3A_243 = arith.constant 4 : i32
    %dma_wait3A_244 = arith.constant 0 : i32
    %dma_wait3A_245 = tpu.memref_slice %arg10[%dma_wait3A_242, %dma_wait3A_243, %dma_wait3A_244] : memref<32x8x128xf32, #tpu.memory_space<vmem>> -> memref<32x2x128xf32, #tpu.memory_space<vmem>>
    %dma_wait3A_246 = arith.constant 0 : i32
    %dma_wait3A_247 = arith.constant 0 : i32
    %dma_wait3A_248 = tpu.memref_slice %arg3[%add3A_241, %dma_wait3A_246, %dma_wait3A_247] : memref<8192x2x128xf32, #tpu.memory_space<hbm>> -> memref<32x2x128xf32, #tpu.memory_space<hbm>>
    %dma_wait3A_249 = arith.constant 0 : i32
    %dma_wait3A_250 = arith.constant 4 : i32
    %dma_wait3A_251 = arith.constant 0 : i32
    %dma_wait3A_252 = tpu.memref_slice %arg10[%dma_wait3A_249, %dma_wait3A_250, %dma_wait3A_251] : memref<32x8x128xf32, #tpu.memory_space<vmem>> -> memref<32x2x128xf32, #tpu.memory_space<vmem>>
    %dma_wait3A_253 = arith.constant 0 : i32
    %dma_wait3A_254 = arith.constant 0 : i32
    %dma_wait3A_255 = tpu.memref_slice %arg3[%add3A_241, %dma_wait3A_253, %dma_wait3A_254] : memref<8192x2x128xf32, #tpu.memory_space<hbm>> -> memref<32x2x128xf32, #tpu.memory_space<hbm>>
    tpu.wait_dma2 semaphore(%arg16 : memref<!tpu.dma_semaphore, #tpu.memory_space<semaphore_mem>>) src(%dma_wait3A_255 : memref<32x2x128xf32, #tpu.memory_space<hbm>>) dst(%dma_wait3A_252 : memref<32x2x128xf32, #tpu.memory_space<vmem>>)
    %add3A_256 = arith.constant 96 : i32
    %add3A_257 = arith.addi %mul3A_2, %add3A_256 : i32
    %dma_start3A_258 = arith.constant 0 : i32
    %dma_start3A_259 = arith.constant 0 : i32
    %dma_start3A_260 = tpu.memref_slice %arg5[%add3A_257, %dma_start3A_258, %dma_start3A_259] : memref<8192x8x128xf32, #tpu.memory_space<hbm>> -> memref<32x8x128xf32, #tpu.memory_space<hbm>>
    %dma_start3A_261 = arith.constant 0 : i32
    %dma_start3A_262 = arith.constant 0 : i32
    %dma_start3A_263 = tpu.memref_slice %arg5[%add3A_257, %dma_start3A_261, %dma_start3A_262] : memref<8192x8x128xf32, #tpu.memory_space<hbm>> -> memref<32x8x128xf32, #tpu.memory_space<hbm>>
    tpu.enqueue_dma source(%arg10 : memref<32x8x128xf32, #tpu.memory_space<vmem>>) target(%dma_start3A_263 : memref<32x8x128xf32, #tpu.memory_space<hbm>>) target_semaphore(%arg19 : memref<!tpu.dma_semaphore, #tpu.memory_space<semaphore_mem>>)
    %add3A_264 = arith.constant 128 : i32
    %add3A_265 = arith.addi %mul3A_2, %add3A_264 : i32
    %mul3A_266 = arith.constant 128 : i32
    %mul3A_267 = arith.muli %add3A_265, %mul3A_266 : i32
    %dma_wait3A_268 = tpu.memref_slice %arg4[%mul3A_267] : memref<1048576xi32, #tpu.memory_space<hbm>> -> memref<4096xi32, #tpu.memory_space<hbm>>
    %dma_wait3A_269 = tpu.memref_slice %arg4[%mul3A_267] : memref<1048576xi32, #tpu.memory_space<hbm>> -> memref<4096xi32, #tpu.memory_space<hbm>>
    tpu.wait_dma2 semaphore(%arg14 : memref<!tpu.dma_semaphore, #tpu.memory_space<semaphore_mem>>) src(%dma_wait3A_269 : memref<4096xi32, #tpu.memory_space<hbm>>) dst(%arg8 : memref<4096xi32, #tpu.memory_space<vmem>>)
    %add3A_270 = arith.constant 64 : i32
    %add3A_271 = arith.addi %mul3A_2, %add3A_270 : i32
    %dma_wait3A_272 = arith.constant 0 : i32
    %dma_wait3A_273 = arith.constant 0 : i32
    %dma_wait3A_274 = tpu.memref_slice %arg5[%add3A_271, %dma_wait3A_272, %dma_wait3A_273] : memref<8192x8x128xf32, #tpu.memory_space<hbm>> -> memref<32x8x128xf32, #tpu.memory_space<hbm>>
    %dma_wait3A_275 = arith.constant 0 : i32
    %dma_wait3A_276 = arith.constant 0 : i32
    %dma_wait3A_277 = tpu.memref_slice %arg5[%add3A_271, %dma_wait3A_275, %dma_wait3A_276] : memref<8192x8x128xf32, #tpu.memory_space<hbm>> -> memref<32x8x128xf32, #tpu.memory_space<hbm>>
    tpu.wait_dma2 semaphore(%arg21 : memref<!tpu.dma_semaphore, #tpu.memory_space<semaphore_mem>>) src(%arg12 : memref<32x8x128xf32, #tpu.memory_space<vmem>>) dst(%dma_wait3A_277 : memref<32x8x128xf32, #tpu.memory_space<hbm>>)
    %add3A_278 = arith.constant 160 : i32
    %add3A_279 = arith.addi %mul3A_2, %add3A_278 : i32
    %dma_start3A_280 = arith.constant 0 : i32
    %dma_start3A_281 = arith.constant 4 : i32
    %dma_start3A_282 = arith.constant 0 : i32
    %dma_start3A_283 = tpu.memref_slice %arg12[%dma_start3A_280, %dma_start3A_281, %dma_start3A_282] : memref<32x8x128xf32, #tpu.memory_space<vmem>> -> memref<32x2x128xf32, #tpu.memory_space<vmem>>
    %dma_start3A_284 = arith.constant 0 : i32
    %dma_start3A_285 = arith.constant 0 : i32
    %dma_start3A_286 = tpu.memref_slice %arg3[%add3A_279, %dma_start3A_284, %dma_start3A_285] : memref<8192x2x128xf32, #tpu.memory_space<hbm>> -> memref<32x2x128xf32, #tpu.memory_space<hbm>>
    %dma_start3A_287 = arith.constant 0 : i32
    %dma_start3A_288 = arith.constant 4 : i32
    %dma_start3A_289 = arith.constant 0 : i32
    %dma_start3A_290 = tpu.memref_slice %arg12[%dma_start3A_287, %dma_start3A_288, %dma_start3A_289] : memref<32x8x128xf32, #tpu.memory_space<vmem>> -> memref<32x2x128xf32, #tpu.memory_space<vmem>>
    %dma_start3A_291 = arith.constant 0 : i32
    %dma_start3A_292 = arith.constant 0 : i32
    %dma_start3A_293 = tpu.memref_slice %arg3[%add3A_279, %dma_start3A_291, %dma_start3A_292] : memref<8192x2x128xf32, #tpu.memory_space<hbm>> -> memref<32x2x128xf32, #tpu.memory_space<hbm>>
    tpu.enqueue_dma source(%dma_start3A_293 : memref<32x2x128xf32, #tpu.memory_space<hbm>>) target(%dma_start3A_290 : memref<32x2x128xf32, #tpu.memory_space<vmem>>) target_semaphore(%arg18 : memref<!tpu.dma_semaphore, #tpu.memory_space<semaphore_mem>>)
    %add3A_294 = arith.constant 192 : i32
    %add3A_295 = arith.addi %mul3A_2, %add3A_294 : i32
    %mul3A_296 = arith.constant 128 : i32
    %mul3A_297 = arith.muli %add3A_295, %mul3A_296 : i32
    %dma_start3A_298 = tpu.memref_slice %arg4[%mul3A_297] : memref<1048576xi32, #tpu.memory_space<hbm>> -> memref<4096xi32, #tpu.memory_space<hbm>>
    %dma_start3A_299 = tpu.memref_slice %arg4[%mul3A_297] : memref<1048576xi32, #tpu.memory_space<hbm>> -> memref<4096xi32, #tpu.memory_space<hbm>>
    tpu.enqueue_dma source(%dma_start3A_299 : memref<4096xi32, #tpu.memory_space<hbm>>) target(%arg7 : memref<4096xi32, #tpu.memory_space<vmem>>) target_semaphore(%arg13 : memref<!tpu.dma_semaphore, #tpu.memory_space<semaphore_mem>>)
    %parallel_loop3A_300 = arith.constant 0 : i32
    %parallel_loop3A_301 = arith.constant 256 : i32
    %parallel_loop3A_302 = arith.constant 1 : i32
    scf.for %parallel_loop3A_504 = %parallel_loop3A_300 to %parallel_loop3A_301 step %parallel_loop3A_302  : i32 {
      %parallel_loop3A_505 = arith.constant 3 : i32
      %parallel_loop3A_506 = arith.shrui %parallel_loop3A_504, %parallel_loop3A_505 : i32
      %parallel_loop3A_507 = arith.constant 7 : i32
      %parallel_loop3A_508 = arith.andi %parallel_loop3A_504, %parallel_loop3A_507 : i32
      %parallel_loop3A_509 = arith.constant 16 : i32
      %parallel_loop3A_510 = arith.muli %parallel_loop3A_504, %parallel_loop3A_509 : i32
      %parallel_loop3A_511 = arith.index_cast %parallel_loop3A_510 : i32 to index
      %parallel_loop3A_512 = tpu.vector_load %arg8[%parallel_loop3A_511] {strides = array<i32>} : memref<4096xi32, #tpu.memory_space<vmem>>, vector<16xi32>,
      %parallel_loop3A_513 = arith.constant 0 : i32
      %parallel_loop3A_514 = vector.broadcast %parallel_loop3A_513 : i32 to vector<16xi32>
      %parallel_loop3A_515 = tpu.vector_load_idx %arg6[%parallel_loop3A_514, %parallel_loop3A_512] : memref<4x128xf32, #tpu.memory_space<vmem>>[vector<16xi32>, vector<16xi32>], vector<16xf32>,
      %parallel_loop3A_516 = arith.constant 16 : i32
      %parallel_loop3A_517 = arith.muli %parallel_loop3A_508, %parallel_loop3A_516 : i32
      %parallel_loop3A_518 = arith.constant 0 : i32
      %parallel_loop3A_519 = arith.index_cast %parallel_loop3A_506 : i32 to index
      %parallel_loop3A_520 = arith.index_cast %parallel_loop3A_518 : i32 to index
      %parallel_loop3A_521 = arith.index_cast %parallel_loop3A_517 : i32 to index
      %parallel_loop3A_522 = tpu.vector_load %arg11[%parallel_loop3A_519, %parallel_loop3A_520, %parallel_loop3A_521] {strides = array<i32>} : memref<32x8x128xf32, #tpu.memory_space<vmem>>, vector<16xf32>,
      tpu.vector_store %arg11[%parallel_loop3A_519, %parallel_loop3A_520, %parallel_loop3A_521], %parallel_loop3A_515 {strides = array<i32>} : memref<32x8x128xf32, #tpu.memory_space<vmem>>, vector<16xf32>,
      %parallel_loop3A_523 = arith.constant 1 : i32
      %parallel_loop3A_524 = vector.broadcast %parallel_loop3A_523 : i32 to vector<16xi32>
      %parallel_loop3A_525 = tpu.vector_load_idx %arg6[%parallel_loop3A_524, %parallel_loop3A_512] : memref<4x128xf32, #tpu.memory_space<vmem>>[vector<16xi32>, vector<16xi32>], vector<16xf32>,
      %parallel_loop3A_526 = arith.constant 16 : i32
      %parallel_loop3A_527 = arith.muli %parallel_loop3A_508, %parallel_loop3A_526 : i32
      %parallel_loop3A_528 = arith.constant 1 : i32
      %parallel_loop3A_529 = arith.index_cast %parallel_loop3A_506 : i32 to index
      %parallel_loop3A_530 = arith.index_cast %parallel_loop3A_528 : i32 to index
      %parallel_loop3A_531 = arith.index_cast %parallel_loop3A_527 : i32 to index
      %parallel_loop3A_532 = tpu.vector_load %arg11[%parallel_loop3A_529, %parallel_loop3A_530, %parallel_loop3A_531] {strides = array<i32>} : memref<32x8x128xf32, #tpu.memory_space<vmem>>, vector<16xf32>,
      tpu.vector_store %arg11[%parallel_loop3A_529, %parallel_loop3A_530, %parallel_loop3A_531], %parallel_loop3A_525 {strides = array<i32>} : memref<32x8x128xf32, #tpu.memory_space<vmem>>, vector<16xf32>,
      %parallel_loop3A_533 = arith.constant 2 : i32
      %parallel_loop3A_534 = vector.broadcast %parallel_loop3A_533 : i32 to vector<16xi32>
      %parallel_loop3A_535 = tpu.vector_load_idx %arg6[%parallel_loop3A_534, %parallel_loop3A_512] : memref<4x128xf32, #tpu.memory_space<vmem>>[vector<16xi32>, vector<16xi32>], vector<16xf32>,
      %parallel_loop3A_536 = arith.constant 16 : i32
      %parallel_loop3A_537 = arith.muli %parallel_loop3A_508, %parallel_loop3A_536 : i32
      %parallel_loop3A_538 = arith.constant 2 : i32
      %parallel_loop3A_539 = arith.index_cast %parallel_loop3A_506 : i32 to index
      %parallel_loop3A_540 = arith.index_cast %parallel_loop3A_538 : i32 to index
      %parallel_loop3A_541 = arith.index_cast %parallel_loop3A_537 : i32 to index
      %parallel_loop3A_542 = tpu.vector_load %arg11[%parallel_loop3A_539, %parallel_loop3A_540, %parallel_loop3A_541] {strides = array<i32>} : memref<32x8x128xf32, #tpu.memory_space<vmem>>, vector<16xf32>,
      tpu.vector_store %arg11[%parallel_loop3A_539, %parallel_loop3A_540, %parallel_loop3A_541], %parallel_loop3A_535 {strides = array<i32>} : memref<32x8x128xf32, #tpu.memory_space<vmem>>, vector<16xf32>,
      %parallel_loop3A_543 = arith.constant 3 : i32
      %parallel_loop3A_544 = vector.broadcast %parallel_loop3A_543 : i32 to vector<16xi32>
      %parallel_loop3A_545 = tpu.vector_load_idx %arg6[%parallel_loop3A_544, %parallel_loop3A_512] : memref<4x128xf32, #tpu.memory_space<vmem>>[vector<16xi32>, vector<16xi32>], vector<16xf32>,
      %parallel_loop3A_546 = arith.constant 16 : i32
      %parallel_loop3A_547 = arith.muli %parallel_loop3A_508, %parallel_loop3A_546 : i32
      %parallel_loop3A_548 = arith.constant 3 : i32
      %parallel_loop3A_549 = arith.index_cast %parallel_loop3A_506 : i32 to index
      %parallel_loop3A_550 = arith.index_cast %parallel_loop3A_548 : i32 to index
      %parallel_loop3A_551 = arith.index_cast %parallel_loop3A_547 : i32 to index
      %parallel_loop3A_552 = tpu.vector_load %arg11[%parallel_loop3A_549, %parallel_loop3A_550, %parallel_loop3A_551] {strides = array<i32>} : memref<32x8x128xf32, #tpu.memory_space<vmem>>, vector<16xf32>,
      tpu.vector_store %arg11[%parallel_loop3A_549, %parallel_loop3A_550, %parallel_loop3A_551], %parallel_loop3A_545 {strides = array<i32>} : memref<32x8x128xf32, #tpu.memory_space<vmem>>, vector<16xf32>,
    } {sc.loop_unroll_factor = 4 : i64, sc.parallel_access}
    %add3A_303 = arith.constant 128 : i32
    %add3A_304 = arith.addi %mul3A_2, %add3A_303 : i32
    %dma_wait3A_305 = arith.constant 0 : i32
    %dma_wait3A_306 = arith.constant 4 : i32
    %dma_wait3A_307 = arith.constant 0 : i32
    %dma_wait3A_308 = tpu.memref_slice %arg11[%dma_wait3A_305, %dma_wait3A_306, %dma_wait3A_307] : memref<32x8x128xf32, #tpu.memory_space<vmem>> -> memref<32x2x128xf32, #tpu.memory_space<vmem>>
    %dma_wait3A_309 = arith.constant 0 : i32
    %dma_wait3A_310 = arith.constant 0 : i32
    %dma_wait3A_311 = tpu.memref_slice %arg3[%add3A_304, %dma_wait3A_309, %dma_wait3A_310] : memref<8192x2x128xf32, #tpu.memory_space<hbm>> -> memref<32x2x128xf32, #tpu.memory_space<hbm>>
    %dma_wait3A_312 = arith.constant 0 : i32
    %dma_wait3A_313 = arith.constant 4 : i32
    %dma_wait3A_314 = arith.constant 0 : i32
    %dma_wait3A_315 = tpu.memref_slice %arg11[%dma_wait3A_312, %dma_wait3A_313, %dma_wait3A_314] : memref<32x8x128xf32, #tpu.memory_space<vmem>> -> memref<32x2x128xf32, #tpu.memory_space<vmem>>
    %dma_wait3A_316 = arith.constant 0 : i32
    %dma_wait3A_317 = arith.constant 0 : i32
    %dma_wait3A_318 = tpu.memref_slice %arg3[%add3A_304, %dma_wait3A_316, %dma_wait3A_317] : memref<8192x2x128xf32, #tpu.memory_space<hbm>> -> memref<32x2x128xf32, #tpu.memory_space<hbm>>
    tpu.wait_dma2 semaphore(%arg17 : memref<!tpu.dma_semaphore, #tpu.memory_space<semaphore_mem>>) src(%dma_wait3A_318 : memref<32x2x128xf32, #tpu.memory_space<hbm>>) dst(%dma_wait3A_315 : memref<32x2x128xf32, #tpu.memory_space<vmem>>)
    %add3A_319 = arith.constant 128 : i32
    %add3A_320 = arith.addi %mul3A_2, %add3A_319 : i32
    %dma_start3A_321 = arith.constant 0 : i32
    %dma_start3A_322 = arith.constant 0 : i32
    %dma_start3A_323 = tpu.memref_slice %arg5[%add3A_320, %dma_start3A_321, %dma_start3A_322] : memref<8192x8x128xf32, #tpu.memory_space<hbm>> -> memref<32x8x128xf32, #tpu.memory_space<hbm>>
    %dma_start3A_324 = arith.constant 0 : i32
    %dma_start3A_325 = arith.constant 0 : i32
    %dma_start3A_326 = tpu.memref_slice %arg5[%add3A_320, %dma_start3A_324, %dma_start3A_325] : memref<8192x8x128xf32, #tpu.memory_space<hbm>> -> memref<32x8x128xf32, #tpu.memory_space<hbm>>
    tpu.enqueue_dma source(%arg11 : memref<32x8x128xf32, #tpu.memory_space<vmem>>) target(%dma_start3A_326 : memref<32x8x128xf32, #tpu.memory_space<hbm>>) target_semaphore(%arg20 : memref<!tpu.dma_semaphore, #tpu.memory_space<semaphore_mem>>)
    %add3A_327 = arith.constant 160 : i32
    %add3A_328 = arith.addi %mul3A_2, %add3A_327 : i32
    %mul3A_329 = arith.constant 128 : i32
    %mul3A_330 = arith.muli %add3A_328, %mul3A_329 : i32
    %dma_wait3A_331 = tpu.memref_slice %arg4[%mul3A_330] : memref<1048576xi32, #tpu.memory_space<hbm>> -> memref<4096xi32, #tpu.memory_space<hbm>>
    %dma_wait3A_332 = tpu.memref_slice %arg4[%mul3A_330] : memref<1048576xi32, #tpu.memory_space<hbm>> -> memref<4096xi32, #tpu.memory_space<hbm>>
    tpu.wait_dma2 semaphore(%arg15 : memref<!tpu.dma_semaphore, #tpu.memory_space<semaphore_mem>>) src(%dma_wait3A_332 : memref<4096xi32, #tpu.memory_space<hbm>>) dst(%arg9 : memref<4096xi32, #tpu.memory_space<vmem>>)
    %add3A_333 = arith.constant 96 : i32
    %add3A_334 = arith.addi %mul3A_2, %add3A_333 : i32
    %dma_wait3A_335 = arith.constant 0 : i32
    %dma_wait3A_336 = arith.constant 0 : i32
    %dma_wait3A_337 = tpu.memref_slice %arg5[%add3A_334, %dma_wait3A_335, %dma_wait3A_336] : memref<8192x8x128xf32, #tpu.memory_space<hbm>> -> memref<32x8x128xf32, #tpu.memory_space<hbm>>
    %dma_wait3A_338 = arith.constant 0 : i32
    %dma_wait3A_339 = arith.constant 0 : i32
    %dma_wait3A_340 = tpu.memref_slice %arg5[%add3A_334, %dma_wait3A_338, %dma_wait3A_339] : memref<8192x8x128xf32, #tpu.memory_space<hbm>> -> memref<32x8x128xf32, #tpu.memory_space<hbm>>
    tpu.wait_dma2 semaphore(%arg19 : memref<!tpu.dma_semaphore, #tpu.memory_space<semaphore_mem>>) src(%arg10 : memref<32x8x128xf32, #tpu.memory_space<vmem>>) dst(%dma_wait3A_340 : memref<32x8x128xf32, #tpu.memory_space<hbm>>)
    %add3A_341 = arith.constant 192 : i32
    %add3A_342 = arith.addi %mul3A_2, %add3A_341 : i32
    %dma_start3A_343 = arith.constant 0 : i32
    %dma_start3A_344 = arith.constant 4 : i32
    %dma_start3A_345 = arith.constant 0 : i32
    %dma_start3A_346 = tpu.memref_slice %arg10[%dma_start3A_343, %dma_start3A_344, %dma_start3A_345] : memref<32x8x128xf32, #tpu.memory_space<vmem>> -> memref<32x2x128xf32, #tpu.memory_space<vmem>>
    %dma_start3A_347 = arith.constant 0 : i32
    %dma_start3A_348 = arith.constant 0 : i32
    %dma_start3A_349 = tpu.memref_slice %arg3[%add3A_342, %dma_start3A_347, %dma_start3A_348] : memref<8192x2x128xf32, #tpu.memory_space<hbm>> -> memref<32x2x128xf32, #tpu.memory_space<hbm>>
    %dma_start3A_350 = arith.constant 0 : i32
    %dma_start3A_351 = arith.constant 4 : i32
    %dma_start3A_352 = arith.constant 0 : i32
    %dma_start3A_353 = tpu.memref_slice %arg10[%dma_start3A_350, %dma_start3A_351, %dma_start3A_352] : memref<32x8x128xf32, #tpu.memory_space<vmem>> -> memref<32x2x128xf32, #tpu.memory_space<vmem>>
    %dma_start3A_354 = arith.constant 0 : i32
    %dma_start3A_355 = arith.constant 0 : i32
    %dma_start3A_356 = tpu.memref_slice %arg3[%add3A_342, %dma_start3A_354, %dma_start3A_355] : memref<8192x2x128xf32, #tpu.memory_space<hbm>> -> memref<32x2x128xf32, #tpu.memory_space<hbm>>
    tpu.enqueue_dma source(%dma_start3A_356 : memref<32x2x128xf32, #tpu.memory_space<hbm>>) target(%dma_start3A_353 : memref<32x2x128xf32, #tpu.memory_space<vmem>>) target_semaphore(%arg16 : memref<!tpu.dma_semaphore, #tpu.memory_space<semaphore_mem>>)
    %add3A_357 = arith.constant 224 : i32
    %add3A_358 = arith.addi %mul3A_2, %add3A_357 : i32
    %mul3A_359 = arith.constant 128 : i32
    %mul3A_360 = arith.muli %add3A_358, %mul3A_359 : i32
    %dma_start3A_361 = tpu.memref_slice %arg4[%mul3A_360] : memref<1048576xi32, #tpu.memory_space<hbm>> -> memref<4096xi32, #tpu.memory_space<hbm>>
    %dma_start3A_362 = tpu.memref_slice %arg4[%mul3A_360] : memref<1048576xi32, #tpu.memory_space<hbm>> -> memref<4096xi32, #tpu.memory_space<hbm>>
    tpu.enqueue_dma source(%dma_start3A_362 : memref<4096xi32, #tpu.memory_space<hbm>>) target(%arg8 : memref<4096xi32, #tpu.memory_space<vmem>>) target_semaphore(%arg14 : memref<!tpu.dma_semaphore, #tpu.memory_space<semaphore_mem>>)
    %parallel_loop3A_363 = arith.constant 0 : i32
    %parallel_loop3A_364 = arith.constant 256 : i32
    %parallel_loop3A_365 = arith.constant 1 : i32
    scf.for %parallel_loop3A_504 = %parallel_loop3A_363 to %parallel_loop3A_364 step %parallel_loop3A_365  : i32 {
      %parallel_loop3A_505 = arith.constant 3 : i32
      %parallel_loop3A_506 = arith.shrui %parallel_loop3A_504, %parallel_loop3A_505 : i32
      %parallel_loop3A_507 = arith.constant 7 : i32
      %parallel_loop3A_508 = arith.andi %parallel_loop3A_504, %parallel_loop3A_507 : i32
      %parallel_loop3A_509 = arith.constant 16 : i32
      %parallel_loop3A_510 = arith.muli %parallel_loop3A_504, %parallel_loop3A_509 : i32
      %parallel_loop3A_511 = arith.index_cast %parallel_loop3A_510 : i32 to index
      %parallel_loop3A_512 = tpu.vector_load %arg9[%parallel_loop3A_511] {strides = array<i32>} : memref<4096xi32, #tpu.memory_space<vmem>>, vector<16xi32>,
      %parallel_loop3A_513 = arith.constant 0 : i32
      %parallel_loop3A_514 = vector.broadcast %parallel_loop3A_513 : i32 to vector<16xi32>
      %parallel_loop3A_515 = tpu.vector_load_idx %arg6[%parallel_loop3A_514, %parallel_loop3A_512] : memref<4x128xf32, #tpu.memory_space<vmem>>[vector<16xi32>, vector<16xi32>], vector<16xf32>,
      %parallel_loop3A_516 = arith.constant 16 : i32
      %parallel_loop3A_517 = arith.muli %parallel_loop3A_508, %parallel_loop3A_516 : i32
      %parallel_loop3A_518 = arith.constant 0 : i32
      %parallel_loop3A_519 = arith.index_cast %parallel_loop3A_506 : i32 to index
      %parallel_loop3A_520 = arith.index_cast %parallel_loop3A_518 : i32 to index
      %parallel_loop3A_521 = arith.index_cast %parallel_loop3A_517 : i32 to index
      %parallel_loop3A_522 = tpu.vector_load %arg12[%parallel_loop3A_519, %parallel_loop3A_520, %parallel_loop3A_521] {strides = array<i32>} : memref<32x8x128xf32, #tpu.memory_space<vmem>>, vector<16xf32>,
      tpu.vector_store %arg12[%parallel_loop3A_519, %parallel_loop3A_520, %parallel_loop3A_521], %parallel_loop3A_515 {strides = array<i32>} : memref<32x8x128xf32, #tpu.memory_space<vmem>>, vector<16xf32>,
      %parallel_loop3A_523 = arith.constant 1 : i32
      %parallel_loop3A_524 = vector.broadcast %parallel_loop3A_523 : i32 to vector<16xi32>
      %parallel_loop3A_525 = tpu.vector_load_idx %arg6[%parallel_loop3A_524, %parallel_loop3A_512] : memref<4x128xf32, #tpu.memory_space<vmem>>[vector<16xi32>, vector<16xi32>], vector<16xf32>,
      %parallel_loop3A_526 = arith.constant 16 : i32
      %parallel_loop3A_527 = arith.muli %parallel_loop3A_508, %parallel_loop3A_526 : i32
      %parallel_loop3A_528 = arith.constant 1 : i32
      %parallel_loop3A_529 = arith.index_cast %parallel_loop3A_506 : i32 to index
      %parallel_loop3A_530 = arith.index_cast %parallel_loop3A_528 : i32 to index
      %parallel_loop3A_531 = arith.index_cast %parallel_loop3A_527 : i32 to index
      %parallel_loop3A_532 = tpu.vector_load %arg12[%parallel_loop3A_529, %parallel_loop3A_530, %parallel_loop3A_531] {strides = array<i32>} : memref<32x8x128xf32, #tpu.memory_space<vmem>>, vector<16xf32>,
      tpu.vector_store %arg12[%parallel_loop3A_529, %parallel_loop3A_530, %parallel_loop3A_531], %parallel_loop3A_525 {strides = array<i32>} : memref<32x8x128xf32, #tpu.memory_space<vmem>>, vector<16xf32>,
      %parallel_loop3A_533 = arith.constant 2 : i32
      %parallel_loop3A_534 = vector.broadcast %parallel_loop3A_533 : i32 to vector<16xi32>
      %parallel_loop3A_535 = tpu.vector_load_idx %arg6[%parallel_loop3A_534, %parallel_loop3A_512] : memref<4x128xf32, #tpu.memory_space<vmem>>[vector<16xi32>, vector<16xi32>], vector<16xf32>,
      %parallel_loop3A_536 = arith.constant 16 : i32
      %parallel_loop3A_537 = arith.muli %parallel_loop3A_508, %parallel_loop3A_536 : i32
      %parallel_loop3A_538 = arith.constant 2 : i32
      %parallel_loop3A_539 = arith.index_cast %parallel_loop3A_506 : i32 to index
      %parallel_loop3A_540 = arith.index_cast %parallel_loop3A_538 : i32 to index
      %parallel_loop3A_541 = arith.index_cast %parallel_loop3A_537 : i32 to index
      %parallel_loop3A_542 = tpu.vector_load %arg12[%parallel_loop3A_539, %parallel_loop3A_540, %parallel_loop3A_541] {strides = array<i32>} : memref<32x8x128xf32, #tpu.memory_space<vmem>>, vector<16xf32>,
      tpu.vector_store %arg12[%parallel_loop3A_539, %parallel_loop3A_540, %parallel_loop3A_541], %parallel_loop3A_535 {strides = array<i32>} : memref<32x8x128xf32, #tpu.memory_space<vmem>>, vector<16xf32>,
      %parallel_loop3A_543 = arith.constant 3 : i32
      %parallel_loop3A_544 = vector.broadcast %parallel_loop3A_543 : i32 to vector<16xi32>
      %parallel_loop3A_545 = tpu.vector_load_idx %arg6[%parallel_loop3A_544, %parallel_loop3A_512] : memref<4x128xf32, #tpu.memory_space<vmem>>[vector<16xi32>, vector<16xi32>], vector<16xf32>,
      %parallel_loop3A_546 = arith.constant 16 : i32
      %parallel_loop3A_547 = arith.muli %parallel_loop3A_508, %parallel_loop3A_546 : i32
      %parallel_loop3A_548 = arith.constant 3 : i32
      %parallel_loop3A_549 = arith.index_cast %parallel_loop3A_506 : i32 to index
      %parallel_loop3A_550 = arith.index_cast %parallel_loop3A_548 : i32 to index
      %parallel_loop3A_551 = arith.index_cast %parallel_loop3A_547 : i32 to index
      %parallel_loop3A_552 = tpu.vector_load %arg12[%parallel_loop3A_549, %parallel_loop3A_550, %parallel_loop3A_551] {strides = array<i32>} : memref<32x8x128xf32, #tpu.memory_space<vmem>>, vector<16xf32>,
      tpu.vector_store %arg12[%parallel_loop3A_549, %parallel_loop3A_550, %parallel_loop3A_551], %parallel_loop3A_545 {strides = array<i32>} : memref<32x8x128xf32, #tpu.memory_space<vmem>>, vector<16xf32>,
    } {sc.loop_unroll_factor = 4 : i64, sc.parallel_access}
    %add3A_366 = arith.constant 160 : i32
    %add3A_367 = arith.addi %mul3A_2, %add3A_366 : i32
    %dma_wait3A_368 = arith.constant 0 : i32
    %dma_wait3A_369 = arith.constant 4 : i32
    %dma_wait3A_370 = arith.constant 0 : i32
    %dma_wait3A_371 = tpu.memref_slice %arg12[%dma_wait3A_368, %dma_wait3A_369, %dma_wait3A_370] : memref<32x8x128xf32, #tpu.memory_space<vmem>> -> memref<32x2x128xf32, #tpu.memory_space<vmem>>
    %dma_wait3A_372 = arith.constant 0 : i32
    %dma_wait3A_373 = arith.constant 0 : i32
    %dma_wait3A_374 = tpu.memref_slice %arg3[%add3A_367, %dma_wait3A_372, %dma_wait3A_373] : memref<8192x2x128xf32, #tpu.memory_space<hbm>> -> memref<32x2x128xf32, #tpu.memory_space<hbm>>
    %dma_wait3A_375 = arith.constant 0 : i32
    %dma_wait3A_376 = arith.constant 4 : i32
    %dma_wait3A_377 = arith.constant 0 : i32
    %dma_wait3A_378 = tpu.memref_slice %arg12[%dma_wait3A_375, %dma_wait3A_376, %dma_wait3A_377] : memref<32x8x128xf32, #tpu.memory_space<vmem>> -> memref<32x2x128xf32, #tpu.memory_space<vmem>>
    %dma_wait3A_379 = arith.constant 0 : i32
    %dma_wait3A_380 = arith.constant 0 : i32
    %dma_wait3A_381 = tpu.memref_slice %arg3[%add3A_367, %dma_wait3A_379, %dma_wait3A_380] : memref<8192x2x128xf32, #tpu.memory_space<hbm>> -> memref<32x2x128xf32, #tpu.memory_space<hbm>>
    tpu.wait_dma2 semaphore(%arg18 : memref<!tpu.dma_semaphore, #tpu.memory_space<semaphore_mem>>) src(%dma_wait3A_381 : memref<32x2x128xf32, #tpu.memory_space<hbm>>) dst(%dma_wait3A_378 : memref<32x2x128xf32, #tpu.memory_space<vmem>>)
    %add3A_382 = arith.constant 160 : i32
    %add3A_383 = arith.addi %mul3A_2, %add3A_382 : i32
    %dma_start3A_384 = arith.constant 0 : i32
    %dma_start3A_385 = arith.constant 0 : i32
    %dma_start3A_386 = tpu.memref_slice %arg5[%add3A_383, %dma_start3A_384, %dma_start3A_385] : memref<8192x8x128xf32, #tpu.memory_space<hbm>> -> memref<32x8x128xf32, #tpu.memory_space<hbm>>
    %dma_start3A_387 = arith.constant 0 : i32
    %dma_start3A_388 = arith.constant 0 : i32
    %dma_start3A_389 = tpu.memref_slice %arg5[%add3A_383, %dma_start3A_387, %dma_start3A_388] : memref<8192x8x128xf32, #tpu.memory_space<hbm>> -> memref<32x8x128xf32, #tpu.memory_space<hbm>>
    tpu.enqueue_dma source(%arg12 : memref<32x8x128xf32, #tpu.memory_space<vmem>>) target(%dma_start3A_389 : memref<32x8x128xf32, #tpu.memory_space<hbm>>) target_semaphore(%arg21 : memref<!tpu.dma_semaphore, #tpu.memory_space<semaphore_mem>>)
    %add3A_390 = arith.constant 192 : i32
    %add3A_391 = arith.addi %mul3A_2, %add3A_390 : i32
    %mul3A_392 = arith.constant 128 : i32
    %mul3A_393 = arith.muli %add3A_391, %mul3A_392 : i32
    %dma_wait3A_394 = tpu.memref_slice %arg4[%mul3A_393] : memref<1048576xi32, #tpu.memory_space<hbm>> -> memref<4096xi32, #tpu.memory_space<hbm>>
    %dma_wait3A_395 = tpu.memref_slice %arg4[%mul3A_393] : memref<1048576xi32, #tpu.memory_space<hbm>> -> memref<4096xi32, #tpu.memory_space<hbm>>
    tpu.wait_dma2 semaphore(%arg13 : memref<!tpu.dma_semaphore, #tpu.memory_space<semaphore_mem>>) src(%dma_wait3A_395 : memref<4096xi32, #tpu.memory_space<hbm>>) dst(%arg7 : memref<4096xi32, #tpu.memory_space<vmem>>)
    %add3A_396 = arith.constant 128 : i32
    %add3A_397 = arith.addi %mul3A_2, %add3A_396 : i32
    %dma_wait3A_398 = arith.constant 0 : i32
    %dma_wait3A_399 = arith.constant 0 : i32
    %dma_wait3A_400 = tpu.memref_slice %arg5[%add3A_397, %dma_wait3A_398, %dma_wait3A_399] : memref<8192x8x128xf32, #tpu.memory_space<hbm>> -> memref<32x8x128xf32, #tpu.memory_space<hbm>>
    %dma_wait3A_401 = arith.constant 0 : i32
    %dma_wait3A_402 = arith.constant 0 : i32
    %dma_wait3A_403 = tpu.memref_slice %arg5[%add3A_397, %dma_wait3A_401, %dma_wait3A_402] : memref<8192x8x128xf32, #tpu.memory_space<hbm>> -> memref<32x8x128xf32, #tpu.memory_space<hbm>>
    tpu.wait_dma2 semaphore(%arg20 : memref<!tpu.dma_semaphore, #tpu.memory_space<semaphore_mem>>) src(%arg11 : memref<32x8x128xf32, #tpu.memory_space<vmem>>) dst(%dma_wait3A_403 : memref<32x8x128xf32, #tpu.memory_space<hbm>>)
    %add3A_404 = arith.constant 224 : i32
    %add3A_405 = arith.addi %mul3A_2, %add3A_404 : i32
    %dma_start3A_406 = arith.constant 0 : i32
    %dma_start3A_407 = arith.constant 4 : i32
    %dma_start3A_408 = arith.constant 0 : i32
    %dma_start3A_409 = tpu.memref_slice %arg11[%dma_start3A_406, %dma_start3A_407, %dma_start3A_408] : memref<32x8x128xf32, #tpu.memory_space<vmem>> -> memref<32x2x128xf32, #tpu.memory_space<vmem>>
    %dma_start3A_410 = arith.constant 0 : i32
    %dma_start3A_411 = arith.constant 0 : i32
    %dma_start3A_412 = tpu.memref_slice %arg3[%add3A_405, %dma_start3A_410, %dma_start3A_411] : memref<8192x2x128xf32, #tpu.memory_space<hbm>> -> memref<32x2x128xf32, #tpu.memory_space<hbm>>
    %dma_start3A_413 = arith.constant 0 : i32
    %dma_start3A_414 = arith.constant 4 : i32
    %dma_start3A_415 = arith.constant 0 : i32
    %dma_start3A_416 = tpu.memref_slice %arg11[%dma_start3A_413, %dma_start3A_414, %dma_start3A_415] : memref<32x8x128xf32, #tpu.memory_space<vmem>> -> memref<32x2x128xf32, #tpu.memory_space<vmem>>
    %dma_start3A_417 = arith.constant 0 : i32
    %dma_start3A_418 = arith.constant 0 : i32
    %dma_start3A_419 = tpu.memref_slice %arg3[%add3A_405, %dma_start3A_417, %dma_start3A_418] : memref<8192x2x128xf32, #tpu.memory_space<hbm>> -> memref<32x2x128xf32, #tpu.memory_space<hbm>>
    tpu.enqueue_dma source(%dma_start3A_419 : memref<32x2x128xf32, #tpu.memory_space<hbm>>) target(%dma_start3A_416 : memref<32x2x128xf32, #tpu.memory_space<vmem>>) target_semaphore(%arg17 : memref<!tpu.dma_semaphore, #tpu.memory_space<semaphore_mem>>)
    %parallel_loop3A_420 = arith.constant 0 : i32
    %parallel_loop3A_421 = arith.constant 256 : i32
    %parallel_loop3A_422 = arith.constant 1 : i32
    scf.for %parallel_loop3A_504 = %parallel_loop3A_420 to %parallel_loop3A_421 step %parallel_loop3A_422  : i32 {
      %parallel_loop3A_505 = arith.constant 3 : i32
      %parallel_loop3A_506 = arith.shrui %parallel_loop3A_504, %parallel_loop3A_505 : i32
      %parallel_loop3A_507 = arith.constant 7 : i32
      %parallel_loop3A_508 = arith.andi %parallel_loop3A_504, %parallel_loop3A_507 : i32
      %parallel_loop3A_509 = arith.constant 16 : i32
      %parallel_loop3A_510 = arith.muli %parallel_loop3A_504, %parallel_loop3A_509 : i32
      %parallel_loop3A_511 = arith.index_cast %parallel_loop3A_510 : i32 to index
      %parallel_loop3A_512 = tpu.vector_load %arg7[%parallel_loop3A_511] {strides = array<i32>} : memref<4096xi32, #tpu.memory_space<vmem>>, vector<16xi32>,
      %parallel_loop3A_513 = arith.constant 0 : i32
      %parallel_loop3A_514 = vector.broadcast %parallel_loop3A_513 : i32 to vector<16xi32>
      %parallel_loop3A_515 = tpu.vector_load_idx %arg6[%parallel_loop3A_514, %parallel_loop3A_512] : memref<4x128xf32, #tpu.memory_space<vmem>>[vector<16xi32>, vector<16xi32>], vector<16xf32>,
      %parallel_loop3A_516 = arith.constant 16 : i32
      %parallel_loop3A_517 = arith.muli %parallel_loop3A_508, %parallel_loop3A_516 : i32
      %parallel_loop3A_518 = arith.constant 0 : i32
      %parallel_loop3A_519 = arith.index_cast %parallel_loop3A_506 : i32 to index
      %parallel_loop3A_520 = arith.index_cast %parallel_loop3A_518 : i32 to index
      %parallel_loop3A_521 = arith.index_cast %parallel_loop3A_517 : i32 to index
      %parallel_loop3A_522 = tpu.vector_load %arg10[%parallel_loop3A_519, %parallel_loop3A_520, %parallel_loop3A_521] {strides = array<i32>} : memref<32x8x128xf32, #tpu.memory_space<vmem>>, vector<16xf32>,
      tpu.vector_store %arg10[%parallel_loop3A_519, %parallel_loop3A_520, %parallel_loop3A_521], %parallel_loop3A_515 {strides = array<i32>} : memref<32x8x128xf32, #tpu.memory_space<vmem>>, vector<16xf32>,
      %parallel_loop3A_523 = arith.constant 1 : i32
      %parallel_loop3A_524 = vector.broadcast %parallel_loop3A_523 : i32 to vector<16xi32>
      %parallel_loop3A_525 = tpu.vector_load_idx %arg6[%parallel_loop3A_524, %parallel_loop3A_512] : memref<4x128xf32, #tpu.memory_space<vmem>>[vector<16xi32>, vector<16xi32>], vector<16xf32>,
      %parallel_loop3A_526 = arith.constant 16 : i32
      %parallel_loop3A_527 = arith.muli %parallel_loop3A_508, %parallel_loop3A_526 : i32
      %parallel_loop3A_528 = arith.constant 1 : i32
      %parallel_loop3A_529 = arith.index_cast %parallel_loop3A_506 : i32 to index
      %parallel_loop3A_530 = arith.index_cast %parallel_loop3A_528 : i32 to index
      %parallel_loop3A_531 = arith.index_cast %parallel_loop3A_527 : i32 to index
      %parallel_loop3A_532 = tpu.vector_load %arg10[%parallel_loop3A_529, %parallel_loop3A_530, %parallel_loop3A_531] {strides = array<i32>} : memref<32x8x128xf32, #tpu.memory_space<vmem>>, vector<16xf32>,
      tpu.vector_store %arg10[%parallel_loop3A_529, %parallel_loop3A_530, %parallel_loop3A_531], %parallel_loop3A_525 {strides = array<i32>} : memref<32x8x128xf32, #tpu.memory_space<vmem>>, vector<16xf32>,
      %parallel_loop3A_533 = arith.constant 2 : i32
      %parallel_loop3A_534 = vector.broadcast %parallel_loop3A_533 : i32 to vector<16xi32>
      %parallel_loop3A_535 = tpu.vector_load_idx %arg6[%parallel_loop3A_534, %parallel_loop3A_512] : memref<4x128xf32, #tpu.memory_space<vmem>>[vector<16xi32>, vector<16xi32>], vector<16xf32>,
      %parallel_loop3A_536 = arith.constant 16 : i32
      %parallel_loop3A_537 = arith.muli %parallel_loop3A_508, %parallel_loop3A_536 : i32
      %parallel_loop3A_538 = arith.constant 2 : i32
      %parallel_loop3A_539 = arith.index_cast %parallel_loop3A_506 : i32 to index
      %parallel_loop3A_540 = arith.index_cast %parallel_loop3A_538 : i32 to index
      %parallel_loop3A_541 = arith.index_cast %parallel_loop3A_537 : i32 to index
      %parallel_loop3A_542 = tpu.vector_load %arg10[%parallel_loop3A_539, %parallel_loop3A_540, %parallel_loop3A_541] {strides = array<i32>} : memref<32x8x128xf32, #tpu.memory_space<vmem>>, vector<16xf32>,
      tpu.vector_store %arg10[%parallel_loop3A_539, %parallel_loop3A_540, %parallel_loop3A_541], %parallel_loop3A_535 {strides = array<i32>} : memref<32x8x128xf32, #tpu.memory_space<vmem>>, vector<16xf32>,
      %parallel_loop3A_543 = arith.constant 3 : i32
      %parallel_loop3A_544 = vector.broadcast %parallel_loop3A_543 : i32 to vector<16xi32>
      %parallel_loop3A_545 = tpu.vector_load_idx %arg6[%parallel_loop3A_544, %parallel_loop3A_512] : memref<4x128xf32, #tpu.memory_space<vmem>>[vector<16xi32>, vector<16xi32>], vector<16xf32>,
      %parallel_loop3A_546 = arith.constant 16 : i32
      %parallel_loop3A_547 = arith.muli %parallel_loop3A_508, %parallel_loop3A_546 : i32
      %parallel_loop3A_548 = arith.constant 3 : i32
      %parallel_loop3A_549 = arith.index_cast %parallel_loop3A_506 : i32 to index
      %parallel_loop3A_550 = arith.index_cast %parallel_loop3A_548 : i32 to index
      %parallel_loop3A_551 = arith.index_cast %parallel_loop3A_547 : i32 to index
      %parallel_loop3A_552 = tpu.vector_load %arg10[%parallel_loop3A_549, %parallel_loop3A_550, %parallel_loop3A_551] {strides = array<i32>} : memref<32x8x128xf32, #tpu.memory_space<vmem>>, vector<16xf32>,
      tpu.vector_store %arg10[%parallel_loop3A_549, %parallel_loop3A_550, %parallel_loop3A_551], %parallel_loop3A_545 {strides = array<i32>} : memref<32x8x128xf32, #tpu.memory_space<vmem>>, vector<16xf32>,
    } {sc.loop_unroll_factor = 4 : i64, sc.parallel_access}
    %add3A_423 = arith.constant 192 : i32
    %add3A_424 = arith.addi %mul3A_2, %add3A_423 : i32
    %dma_wait3A_425 = arith.constant 0 : i32
    %dma_wait3A_426 = arith.constant 4 : i32
    %dma_wait3A_427 = arith.constant 0 : i32
    %dma_wait3A_428 = tpu.memref_slice %arg10[%dma_wait3A_425, %dma_wait3A_426, %dma_wait3A_427] : memref<32x8x128xf32, #tpu.memory_space<vmem>> -> memref<32x2x128xf32, #tpu.memory_space<vmem>>
    %dma_wait3A_429 = arith.constant 0 : i32
    %dma_wait3A_430 = arith.constant 0 : i32
    %dma_wait3A_431 = tpu.memref_slice %arg3[%add3A_424, %dma_wait3A_429, %dma_wait3A_430] : memref<8192x2x128xf32, #tpu.memory_space<hbm>> -> memref<32x2x128xf32, #tpu.memory_space<hbm>>
    %dma_wait3A_432 = arith.constant 0 : i32
    %dma_wait3A_433 = arith.constant 4 : i32
    %dma_wait3A_434 = arith.constant 0 : i32
    %dma_wait3A_435 = tpu.memref_slice %arg10[%dma_wait3A_432, %dma_wait3A_433, %dma_wait3A_434] : memref<32x8x128xf32, #tpu.memory_space<vmem>> -> memref<32x2x128xf32, #tpu.memory_space<vmem>>
    %dma_wait3A_436 = arith.constant 0 : i32
    %dma_wait3A_437 = arith.constant 0 : i32
    %dma_wait3A_438 = tpu.memref_slice %arg3[%add3A_424, %dma_wait3A_436, %dma_wait3A_437] : memref<8192x2x128xf32, #tpu.memory_space<hbm>> -> memref<32x2x128xf32, #tpu.memory_space<hbm>>
    tpu.wait_dma2 semaphore(%arg16 : memref<!tpu.dma_semaphore, #tpu.memory_space<semaphore_mem>>) src(%dma_wait3A_438 : memref<32x2x128xf32, #tpu.memory_space<hbm>>) dst(%dma_wait3A_435 : memref<32x2x128xf32, #tpu.memory_space<vmem>>)
    %add3A_439 = arith.constant 192 : i32
    %add3A_440 = arith.addi %mul3A_2, %add3A_439 : i32
    %dma_start3A_441 = arith.constant 0 : i32
    %dma_start3A_442 = arith.constant 0 : i32
    %dma_start3A_443 = tpu.memref_slice %arg5[%add3A_440, %dma_start3A_441, %dma_start3A_442] : memref<8192x8x128xf32, #tpu.memory_space<hbm>> -> memref<32x8x128xf32, #tpu.memory_space<hbm>>
    %dma_start3A_444 = arith.constant 0 : i32
    %dma_start3A_445 = arith.constant 0 : i32
    %dma_start3A_446 = tpu.memref_slice %arg5[%add3A_440, %dma_start3A_444, %dma_start3A_445] : memref<8192x8x128xf32, #tpu.memory_space<hbm>> -> memref<32x8x128xf32, #tpu.memory_space<hbm>>
    tpu.enqueue_dma source(%arg10 : memref<32x8x128xf32, #tpu.memory_space<vmem>>) target(%dma_start3A_446 : memref<32x8x128xf32, #tpu.memory_space<hbm>>) target_semaphore(%arg19 : memref<!tpu.dma_semaphore, #tpu.memory_space<semaphore_mem>>)
    %add3A_447 = arith.constant 224 : i32
    %add3A_448 = arith.addi %mul3A_2, %add3A_447 : i32
    %mul3A_449 = arith.constant 128 : i32
    %mul3A_450 = arith.muli %add3A_448, %mul3A_449 : i32
    %dma_wait3A_451 = tpu.memref_slice %arg4[%mul3A_450] : memref<1048576xi32, #tpu.memory_space<hbm>> -> memref<4096xi32, #tpu.memory_space<hbm>>
    %dma_wait3A_452 = tpu.memref_slice %arg4[%mul3A_450] : memref<1048576xi32, #tpu.memory_space<hbm>> -> memref<4096xi32, #tpu.memory_space<hbm>>
    tpu.wait_dma2 semaphore(%arg14 : memref<!tpu.dma_semaphore, #tpu.memory_space<semaphore_mem>>) src(%dma_wait3A_452 : memref<4096xi32, #tpu.memory_space<hbm>>) dst(%arg8 : memref<4096xi32, #tpu.memory_space<vmem>>)
    %parallel_loop3A_453 = arith.constant 0 : i32
    %parallel_loop3A_454 = arith.constant 256 : i32
    %parallel_loop3A_455 = arith.constant 1 : i32
    scf.for %parallel_loop3A_504 = %parallel_loop3A_453 to %parallel_loop3A_454 step %parallel_loop3A_455  : i32 {
      %parallel_loop3A_505 = arith.constant 3 : i32
      %parallel_loop3A_506 = arith.shrui %parallel_loop3A_504, %parallel_loop3A_505 : i32
      %parallel_loop3A_507 = arith.constant 7 : i32
      %parallel_loop3A_508 = arith.andi %parallel_loop3A_504, %parallel_loop3A_507 : i32
      %parallel_loop3A_509 = arith.constant 16 : i32
      %parallel_loop3A_510 = arith.muli %parallel_loop3A_504, %parallel_loop3A_509 : i32
      %parallel_loop3A_511 = arith.index_cast %parallel_loop3A_510 : i32 to index
      %parallel_loop3A_512 = tpu.vector_load %arg8[%parallel_loop3A_511] {strides = array<i32>} : memref<4096xi32, #tpu.memory_space<vmem>>, vector<16xi32>,
      %parallel_loop3A_513 = arith.constant 0 : i32
      %parallel_loop3A_514 = vector.broadcast %parallel_loop3A_513 : i32 to vector<16xi32>
      %parallel_loop3A_515 = tpu.vector_load_idx %arg6[%parallel_loop3A_514, %parallel_loop3A_512] : memref<4x128xf32, #tpu.memory_space<vmem>>[vector<16xi32>, vector<16xi32>], vector<16xf32>,
      %parallel_loop3A_516 = arith.constant 16 : i32
      %parallel_loop3A_517 = arith.muli %parallel_loop3A_508, %parallel_loop3A_516 : i32
      %parallel_loop3A_518 = arith.constant 0 : i32
      %parallel_loop3A_519 = arith.index_cast %parallel_loop3A_506 : i32 to index
      %parallel_loop3A_520 = arith.index_cast %parallel_loop3A_518 : i32 to index
      %parallel_loop3A_521 = arith.index_cast %parallel_loop3A_517 : i32 to index
      %parallel_loop3A_522 = tpu.vector_load %arg11[%parallel_loop3A_519, %parallel_loop3A_520, %parallel_loop3A_521] {strides = array<i32>} : memref<32x8x128xf32, #tpu.memory_space<vmem>>, vector<16xf32>,
      tpu.vector_store %arg11[%parallel_loop3A_519, %parallel_loop3A_520, %parallel_loop3A_521], %parallel_loop3A_515 {strides = array<i32>} : memref<32x8x128xf32, #tpu.memory_space<vmem>>, vector<16xf32>,
      %parallel_loop3A_523 = arith.constant 1 : i32
      %parallel_loop3A_524 = vector.broadcast %parallel_loop3A_523 : i32 to vector<16xi32>
      %parallel_loop3A_525 = tpu.vector_load_idx %arg6[%parallel_loop3A_524, %parallel_loop3A_512] : memref<4x128xf32, #tpu.memory_space<vmem>>[vector<16xi32>, vector<16xi32>], vector<16xf32>,
      %parallel_loop3A_526 = arith.constant 16 : i32
      %parallel_loop3A_527 = arith.muli %parallel_loop3A_508, %parallel_loop3A_526 : i32
      %parallel_loop3A_528 = arith.constant 1 : i32
      %parallel_loop3A_529 = arith.index_cast %parallel_loop3A_506 : i32 to index
      %parallel_loop3A_530 = arith.index_cast %parallel_loop3A_528 : i32 to index
      %parallel_loop3A_531 = arith.index_cast %parallel_loop3A_527 : i32 to index
      %parallel_loop3A_532 = tpu.vector_load %arg11[%parallel_loop3A_529, %parallel_loop3A_530, %parallel_loop3A_531] {strides = array<i32>} : memref<32x8x128xf32, #tpu.memory_space<vmem>>, vector<16xf32>,
      tpu.vector_store %arg11[%parallel_loop3A_529, %parallel_loop3A_530, %parallel_loop3A_531], %parallel_loop3A_525 {strides = array<i32>} : memref<32x8x128xf32, #tpu.memory_space<vmem>>, vector<16xf32>,
      %parallel_loop3A_533 = arith.constant 2 : i32
      %parallel_loop3A_534 = vector.broadcast %parallel_loop3A_533 : i32 to vector<16xi32>
      %parallel_loop3A_535 = tpu.vector_load_idx %arg6[%parallel_loop3A_534, %parallel_loop3A_512] : memref<4x128xf32, #tpu.memory_space<vmem>>[vector<16xi32>, vector<16xi32>], vector<16xf32>,
      %parallel_loop3A_536 = arith.constant 16 : i32
      %parallel_loop3A_537 = arith.muli %parallel_loop3A_508, %parallel_loop3A_536 : i32
      %parallel_loop3A_538 = arith.constant 2 : i32
      %parallel_loop3A_539 = arith.index_cast %parallel_loop3A_506 : i32 to index
      %parallel_loop3A_540 = arith.index_cast %parallel_loop3A_538 : i32 to index
      %parallel_loop3A_541 = arith.index_cast %parallel_loop3A_537 : i32 to index
      %parallel_loop3A_542 = tpu.vector_load %arg11[%parallel_loop3A_539, %parallel_loop3A_540, %parallel_loop3A_541] {strides = array<i32>} : memref<32x8x128xf32, #tpu.memory_space<vmem>>, vector<16xf32>,
      tpu.vector_store %arg11[%parallel_loop3A_539, %parallel_loop3A_540, %parallel_loop3A_541], %parallel_loop3A_535 {strides = array<i32>} : memref<32x8x128xf32, #tpu.memory_space<vmem>>, vector<16xf32>,
      %parallel_loop3A_543 = arith.constant 3 : i32
      %parallel_loop3A_544 = vector.broadcast %parallel_loop3A_543 : i32 to vector<16xi32>
      %parallel_loop3A_545 = tpu.vector_load_idx %arg6[%parallel_loop3A_544, %parallel_loop3A_512] : memref<4x128xf32, #tpu.memory_space<vmem>>[vector<16xi32>, vector<16xi32>], vector<16xf32>,
      %parallel_loop3A_546 = arith.constant 16 : i32
      %parallel_loop3A_547 = arith.muli %parallel_loop3A_508, %parallel_loop3A_546 : i32
      %parallel_loop3A_548 = arith.constant 3 : i32
      %parallel_loop3A_549 = arith.index_cast %parallel_loop3A_506 : i32 to index
      %parallel_loop3A_550 = arith.index_cast %parallel_loop3A_548 : i32 to index
      %parallel_loop3A_551 = arith.index_cast %parallel_loop3A_547 : i32 to index
      %parallel_loop3A_552 = tpu.vector_load %arg11[%parallel_loop3A_549, %parallel_loop3A_550, %parallel_loop3A_551] {strides = array<i32>} : memref<32x8x128xf32, #tpu.memory_space<vmem>>, vector<16xf32>,
      tpu.vector_store %arg11[%parallel_loop3A_549, %parallel_loop3A_550, %parallel_loop3A_551], %parallel_loop3A_545 {strides = array<i32>} : memref<32x8x128xf32, #tpu.memory_space<vmem>>, vector<16xf32>,
    } {sc.loop_unroll_factor = 4 : i64, sc.parallel_access}
    %add3A_456 = arith.constant 224 : i32
    %add3A_457 = arith.addi %mul3A_2, %add3A_456 : i32
    %dma_wait3A_458 = arith.constant 0 : i32
    %dma_wait3A_459 = arith.constant 4 : i32
    %dma_wait3A_460 = arith.constant 0 : i32
    %dma_wait3A_461 = tpu.memref_slice %arg11[%dma_wait3A_458, %dma_wait3A_459, %dma_wait3A_460] : memref<32x8x128xf32, #tpu.memory_space<vmem>> -> memref<32x2x128xf32, #tpu.memory_space<vmem>>
    %dma_wait3A_462 = arith.constant 0 : i32
    %dma_wait3A_463 = arith.constant 0 : i32
    %dma_wait3A_464 = tpu.memref_slice %arg3[%add3A_457, %dma_wait3A_462, %dma_wait3A_463] : memref<8192x2x128xf32, #tpu.memory_space<hbm>> -> memref<32x2x128xf32, #tpu.memory_space<hbm>>
    %dma_wait3A_465 = arith.constant 0 : i32
    %dma_wait3A_466 = arith.constant 4 : i32
    %dma_wait3A_467 = arith.constant 0 : i32
    %dma_wait3A_468 = tpu.memref_slice %arg11[%dma_wait3A_465, %dma_wait3A_466, %dma_wait3A_467] : memref<32x8x128xf32, #tpu.memory_space<vmem>> -> memref<32x2x128xf32, #tpu.memory_space<vmem>>
    %dma_wait3A_469 = arith.constant 0 : i32
    %dma_wait3A_470 = arith.constant 0 : i32
    %dma_wait3A_471 = tpu.memref_slice %arg3[%add3A_457, %dma_wait3A_469, %dma_wait3A_470] : memref<8192x2x128xf32, #tpu.memory_space<hbm>> -> memref<32x2x128xf32, #tpu.memory_space<hbm>>
    tpu.wait_dma2 semaphore(%arg17 : memref<!tpu.dma_semaphore, #tpu.memory_space<semaphore_mem>>) src(%dma_wait3A_471 : memref<32x2x128xf32, #tpu.memory_space<hbm>>) dst(%dma_wait3A_468 : memref<32x2x128xf32, #tpu.memory_space<vmem>>)
    %add3A_472 = arith.constant 224 : i32
    %add3A_473 = arith.addi %mul3A_2, %add3A_472 : i32
    %dma_start3A_474 = arith.constant 0 : i32
    %dma_start3A_475 = arith.constant 0 : i32
    %dma_start3A_476 = tpu.memref_slice %arg5[%add3A_473, %dma_start3A_474, %dma_start3A_475] : memref<8192x8x128xf32, #tpu.memory_space<hbm>> -> memref<32x8x128xf32, #tpu.memory_space<hbm>>
    %dma_start3A_477 = arith.constant 0 : i32
    %dma_start3A_478 = arith.constant 0 : i32
    %dma_start3A_479 = tpu.memref_slice %arg5[%add3A_473, %dma_start3A_477, %dma_start3A_478] : memref<8192x8x128xf32, #tpu.memory_space<hbm>> -> memref<32x8x128xf32, #tpu.memory_space<hbm>>
    tpu.enqueue_dma source(%arg11 : memref<32x8x128xf32, #tpu.memory_space<vmem>>) target(%dma_start3A_479 : memref<32x8x128xf32, #tpu.memory_space<hbm>>) target_semaphore(%arg20 : memref<!tpu.dma_semaphore, #tpu.memory_space<semaphore_mem>>)
    %add3A_480 = arith.constant 160 : i32
    %add3A_481 = arith.addi %mul3A_2, %add3A_480 : i32
    %dma_wait3A_482 = arith.constant 0 : i32
    %dma_wait3A_483 = arith.constant 0 : i32
    %dma_wait3A_484 = tpu.memref_slice %arg5[%add3A_481, %dma_wait3A_482, %dma_wait3A_483] : memref<8192x8x128xf32, #tpu.memory_space<hbm>> -> memref<32x8x128xf32, #tpu.memory_space<hbm>>
    %dma_wait3A_485 = arith.constant 0 : i32
    %dma_wait3A_486 = arith.constant 0 : i32
    %dma_wait3A_487 = tpu.memref_slice %arg5[%add3A_481, %dma_wait3A_485, %dma_wait3A_486] : memref<8192x8x128xf32, #tpu.memory_space<hbm>> -> memref<32x8x128xf32, #tpu.memory_space<hbm>>
    tpu.wait_dma2 semaphore(%arg21 : memref<!tpu.dma_semaphore, #tpu.memory_space<semaphore_mem>>) src(%arg12 : memref<32x8x128xf32, #tpu.memory_space<vmem>>) dst(%dma_wait3A_487 : memref<32x8x128xf32, #tpu.memory_space<hbm>>)
    %add3A_488 = arith.constant 192 : i32
    %add3A_489 = arith.addi %mul3A_2, %add3A_488 : i32
    %dma_wait3A_490 = arith.constant 0 : i32
    %dma_wait3A_491 = arith.constant 0 : i32
    %dma_wait3A_492 = tpu.memref_slice %arg5[%add3A_489, %dma_wait3A_490, %dma_wait3A_491] : memref<8192x8x128xf32, #tpu.memory_space<hbm>> -> memref<32x8x128xf32, #tpu.memory_space<hbm>>
    %dma_wait3A_493 = arith.constant 0 : i32
    %dma_wait3A_494 = arith.constant 0 : i32
    %dma_wait3A_495 = tpu.memref_slice %arg5[%add3A_489, %dma_wait3A_493, %dma_wait3A_494] : memref<8192x8x128xf32, #tpu.memory_space<hbm>> -> memref<32x8x128xf32, #tpu.memory_space<hbm>>
    tpu.wait_dma2 semaphore(%arg19 : memref<!tpu.dma_semaphore, #tpu.memory_space<semaphore_mem>>) src(%arg10 : memref<32x8x128xf32, #tpu.memory_space<vmem>>) dst(%dma_wait3A_495 : memref<32x8x128xf32, #tpu.memory_space<hbm>>)
    %add3A_496 = arith.constant 224 : i32
    %add3A_497 = arith.addi %mul3A_2, %add3A_496 : i32
    %dma_wait3A_498 = arith.constant 0 : i32
    %dma_wait3A_499 = arith.constant 0 : i32
    %dma_wait3A_500 = tpu.memref_slice %arg5[%add3A_497, %dma_wait3A_498, %dma_wait3A_499] : memref<8192x8x128xf32, #tpu.memory_space<hbm>> -> memref<32x8x128xf32, #tpu.memory_space<hbm>>
    %dma_wait3A_501 = arith.constant 0 : i32
    %dma_wait3A_502 = arith.constant 0 : i32
    %dma_wait3A_503 = tpu.memref_slice %arg5[%add3A_497, %dma_wait3A_501, %dma_wait3A_502] : memref<8192x8x128xf32, #tpu.memory_space<hbm>> -> memref<32x8x128xf32, #tpu.memory_space<hbm>>
    tpu.wait_dma2 semaphore(%arg20 : memref<!tpu.dma_semaphore, #tpu.memory_space<semaphore_mem>>) src(%arg11 : memref<32x8x128xf32, #tpu.memory_space<vmem>>) dst(%dma_wait3A_503 : memref<32x8x128xf32, #tpu.memory_space<hbm>>)
    return
  }
}

</mosaic_0001>

<sc_bundles>
// kernel: kernel.3.cloned.1.call-start
scs
__scs_entry_jumppad:
0x0: {  	(pc) =	sbr.rel $0x88, $3  }
0x1: {  	(tag) =	ssettag $0x0;
	lr =	simm.s32 $0x1  }
0x2: {  	[smem:$0x3F9E] =	sst lr;
	_ =	strace $0xD0000000  }
0x3: {  	_ = 	snop  }
0x4: {  	_ = 	snop  }
0x5: {  	_ = 	snop  }
0x6: {  	_ = 	snop  }
0x7: {  	_ = 	snop  }
__scs_overlays_trampoline_lowered:
0x8: {  	[smem:$0x3FAD] =	sst s0  }
0x9: {  	[smem:$0x3FAE] =	sst s1  }
0xa: {  	[smem:$0x3FAF] =	sst s2  }
0xb: {  	[smem:$0x3FB0] =	sst s3  }
0xc: {  	[smem:$0x3FB1] =	sst s4  }
0xd: {  	[smem:$0x3FB2] =	sst s5  }
0xe: {  	[smem:$0x3FB3] =	sst s6  }
0xf: {  	[smem:$0x3FB4] =	sst s7  }
0x10: {  	[smem:$0x3FB5] =	sst s8  }
0x11: {  	[smem:$0x3FB6] =	sst s9;
	s0 =	simm.s32 @!p0 $0x0  }
0x12: {  	s1 =	sld [smem:$0x3F9C];
	s0 =	simm.s32 @p0 $0x1  }
0x13: {  	[smem:$0x3FB7] =	sst s0;
	s0 =	simm.s32 @!p1 $0x0  }
0x14: {  	s2 =	sld [smem:$0x3F9B];
	s0 =	simm.s32 @p1 $0x1  }
0x15: {  	[smem:$0x3FB8] =	sst s0;
	s0 =	simm.s32 @!p2 $0x0  }
0x16: {  	s3 =	sld [smem:$0x3FDB];
	s0 =	simm.s32 @p2 $0x1  }
0x17: {  	s4 =	simm.s32 $0x1BF5;
	[smem:$0x3FBA] =	sst s0  }
0x18: {  	s0 =	sld [smem:$0x3F9D];
	_ =	swait.ge [sflag:s4], $0x0  }
0x19: {  	s7 =	sld [smem:$0x3F9E]  }
0x1a: {  	s8 =	sadd.s32 $0xFFFFE003, lr  }
0x1b: {  	s9 =	sadd.s32 $0xFFFFFEF7, lr;
	s5 =	simm.s32 $0xFFFFFFFF;
	p2 =	slt.u32 s8, $0xFFFFF086  }
0x1c: {  	p1 =	slt.u32 s9, $0xF7A;
	s5 =	simm.s32 @!p2 $0x0  }
0x1d: {  	s5 =	simm.s32 @p1 $0x1;
	p0 =	seq.s32 s7, s2  }
0x1e: {  	s7 =	smul.u32 @!p0 $0xF7A, s2;
	p2 =	seq.s32 @!p0 s5, $0x0  }
0x1f: {  	s9 =	smul.u32 $0xF7A, s1;
	s8 =	simm.s32 @!p0 $0x1BF5;
	p2 =	por !p2, p0  }
0x20: {  	[sflag:s8] =	ssyncset.s32 @!p0 $0xFFFFF086;
	s6 =	sadd.s32 @!p0 s3, s7;
	s7 =	simm.s32 @!p0 $0x108  }
0x21: {  	s3 =	sadd.s32 s3, s9;
	s6 =	sadd.s32 @!p0 $0x88, s6;
	s7 =	simm.s32 @p2 $0x1082  }
0x22: {  	[simem:s7], [sflag:s8] =	dma.local @!p0 [hbm:s6], $0xF7A  }
0x23: {  	s9 =	sor.u32 $0xD0000000, s2;
	s6 =	simm.s32 $0x108;
	_ =	swait.ge @!p0 [sflag:s8], $0x0  }
0x24: {  	s3 =	sadd.s32 $0x88, s3;
	s6 =	simm.s32 @!p1 $0x1082;
	[sflag:s4] =	ssyncset.s32 $0xFFFFF086  }
0x25: {  	[simem:s6], [sflag:s4] =	dma.local [hbm:s3], $0xF7A  }
0x26: {  	[smem:$0x3F9E] =	sst s1;
	(tag) =	ssettag s2;
	_ =	strace s9  }
0x27: {  	s1 =	sld [smem:$0x3FAE]  }
0x28: {  	s2 =	sld [smem:$0x3FAF]  }
0x29: {  	s4 =	sld [smem:$0x3FB1]  }
0x2a: {  	p0 =	seq.s32 s5, $0x0;
	s5 =	sld [smem:$0x3FB2]  }
0x2b: {  	s6 =	sld [smem:$0x3FB3]  }
0x2c: {  	s7 =	sld [smem:$0x3FB4]  }
0x2d: {  	s3 =	simm.s32 $0x108;
	s8 =	sld [smem:$0x3FB5]  }
0x2e: {  	s3 =	simm.s32 @!p0 $0x1082;
	s9 =	sld [smem:$0x3FB6]  }
0x2f: {  	lr =	sadd.s32 s0, s3;
	s0 =	sld [smem:$0x3FAD]  }
0x30: {  	s3 =	sld [smem:$0x3FB0]  }
0x31: {  	[smem:$0x3FB9] =	sst s10  }
0x32: {  	s10 =	sld [smem:$0x3FB7];
	_ =	sdelay $0x3  }
0x33: {  	p0 =	seq.s32 s10, $0x1;
	s10 =	sld [smem:$0x3FB9];
	_ =	sdelay $0x3  }
0x34: {  	[smem:$0x3FB9] =	sst s10  }
0x35: {  	s10 =	sld [smem:$0x3FB8];
	_ =	sdelay $0x3  }
0x36: {  	p1 =	seq.s32 s10, $0x1;
	s10 =	sld [smem:$0x3FB9];
	_ =	sdelay $0x3  }
0x37: {  	[smem:$0x3FB9] =	sst s10  }
0x38: {  	s10 =	sld [smem:$0x3FBA]  }
0x39: {  	_ = 	snop;
	(pc) =	sbr.ind lr, $3  }
0x3a: {  	_ = 	snop  }
0x3b: {  	_ = 	snop  }
0x3c: {  	p2 =	seq.s32 s10, $0x1;
	s10 =	sld [smem:$0x3FB9]  }
0x3d: {  	_ =	shalt  }
0x3e: {  	_ =	shalt  }
0x3f: {  	_ =	shalt  }
0x40: {  	_ =	shalt  }
0x41: {  	_ =	shalt  }
0x42: {  	_ =	shalt  }
0x43: {  	_ =	shalt  }
0x44: {  	_ =	shalt  }
0x45: {  	_ =	shalt  }
0x46: {  	_ =	shalt  }
0x47: {  	_ =	shalt  }
0x48: {  	_ =	shalt  }
0x49: {  	_ =	shalt  }
0x4a: {  	_ =	shalt  }
0x4b: {  	_ =	shalt  }
0x4c: {  	_ =	shalt  }
0x4d: {  	_ =	shalt  }
0x4e: {  	_ =	shalt  }
0x4f: {  	_ =	shalt  }
0x50: {  	_ =	shalt  }
0x51: {  	_ =	shalt  }
0x52: {  	_ =	shalt  }
0x53: {  	_ =	shalt  }
0x54: {  	_ =	shalt  }
0x55: {  	_ =	shalt  }
0x56: {  	_ =	shalt  }
0x57: {  	_ =	shalt  }
0x58: {  	_ =	shalt  }
0x59: {  	_ =	shalt  }
0x5a: {  	_ =	shalt  }
0x5b: {  	_ =	shalt  }
0x5c: {  	_ =	shalt  }
0x5d: {  	_ =	shalt  }
0x5e: {  	_ =	shalt  }
0x5f: {  	_ =	shalt  }
0x60: {  	_ =	shalt  }
0x61: {  	_ =	shalt  }
0x62: {  	_ =	shalt  }
0x63: {  	_ =	shalt  }
0x64: {  	_ =	shalt  }
0x65: {  	_ =	shalt  }
0x66: {  	_ =	shalt  }
0x67: {  	_ =	shalt  }
0x68: {  	_ =	shalt  }
0x69: {  	_ =	shalt  }
0x6a: {  	_ =	shalt  }
0x6b: {  	_ =	shalt  }
0x6c: {  	_ =	shalt  }
0x6d: {  	_ =	shalt  }
0x6e: {  	_ =	shalt  }
0x6f: {  	_ =	shalt  }
0x70: {  	_ =	shalt  }
0x71: {  	_ =	shalt  }
0x72: {  	_ =	shalt  }
0x73: {  	_ =	shalt  }
0x74: {  	_ =	shalt  }
0x75: {  	_ =	shalt  }
0x76: {  	_ =	shalt  }
0x77: {  	_ =	shalt  }
0x78: {  	_ =	shalt  }
0x79: {  	_ =	shalt  }
0x7a: {  	_ =	shalt  }
0x7b: {  	_ =	shalt  }
0x7c: {  	_ =	shalt  }
0x7d: {  	_ =	shalt  }
0x7e: {  	_ =	shalt  }
0x7f: {  	_ =	shalt  }
0x80: {  	_ =	shalt  }
0x81: {  	_ =	shalt  }
0x82: {  	_ =	shalt  }
0x83: {  	_ =	shalt  }
0x84: {  	_ =	shalt  }
0x85: {  	_ =	shalt  }
0x86: {  	_ =	shalt  }
0x87: {  	_ =	shalt  }
.Lfunc_end0:
.L_simem_size_0:
called_computation_lowered:
.L_overlay_start_0:
0x88: {  	s2 =	sld [smem:$0x3FD9]  }
0x89: {  	s3 =	sld [smem:$0x3FFE];
	_ =	sdelay $0x1  }
0x8a: {  	s1 =	srdreg.scid  }
0x8b: {  	s0 =	sand.u32 $0x1, s1  }
0x8c: {  	s17 =	sshll.u32 s0, $0xA;
	s2 =	sadd.s32 s3, s2  }
0x8d: {  	s2 =	sadd.s32 s2, s17  }
0x8e: {  	[smem:$0x3FC5] =	sst s2  }
0x8f: {  	_ = 	snop  }
0x90: {  	s2 =	sld [smem:$0x3FC8]  }
0x91: {  	s18 =	sld [smem:$0x3FC7]  }
0x92: {  	s4 =	sld [smem:$0x3FD0];
	(tm) =	ssettm $0x1  }
0x93: {  	s5 =	sld [smem:$0x3FFB];
	_ =	sdelay $0x3  }
0x94: {  	_ =	strace s5  }
0x95: {  	s5 =	sld [smem:$0x3FFC];
	_ =	sdelay $0x3  }
0x96: {  	_ =	strace s5  }
0x97: {  	s5 =	sld [smem:$0x3FFD];
	_ =	sdelay $0x3  }
0x98: {  	_ =	strace s5  }
0x99: {  	_ =	strace $0x8FFFFFFF  }
0x9a: {  	s19 =	sld [smem:$0x3FDB];
	_ =	sdelay $0x1  }
0x9b: {  	s6 =	simm.s32 $_scs_section_size  }
0x9c: {  	s7 =	simm.s32 $_size__tile_overlayer_lowered;
	s8 =	simm.s32 $_tile_overlayer_lowered  }
0x9d: {  	s22 =	simm.s32 $0x1BFF;
	s21 =	sshll.u32 s8, $0x1;
	s5 =	sadd.s32 s6, s19  }
0x9e: {  	s9 =	simm.s32 $0x0;
	s20 =	sshll.u32 s7, $0x1;
	s7 =	sadd.s32 s21, s5  }
0x9f: {  	[timem:s9], [sflag:s22] =	dma.local [hbm:s7], s20  }
0xa0: {  	_ =	swait.ge [sflag:s22], s20  }
0xa1: {  	s6 =	ssub.s32 $0x0, s20;
	[sflag:s22] =	ssyncset.done $0x0  }
0xa2: {  	[sflag:s22] =	ssyncadd.s32 s6;
	_ =	sdelay $0x1  }
0xa3: {  	s23 =	simm.s32 $0x1B8B  }
0xa4: {  	_ =	swait.ge [sflag:s23], $0x1  }
0xa5: {  	[sflag:s23] =	ssyncset.done $0x0  }
0xa6: {  	s25 =	simm.s32 $0x1B8E;
	s24 =	sld [smem:$0x3FFE];
	[sflag:s23] =	ssyncadd.s32 $0xFFFFFFFF  }
0xa7: {  	s26 =	simm.s32 $execute0_lowered;
	[smem:$0x3FD2] =	sst s25  }
0xa8: {  	s7 =	sshll.u32 s26, $0x1;
	_ =	strace $0x80000046;
	[dreg:$0x1] =	wrdreg $0xFFFFFFFF  }
0xa9: {  	s28 =	simm.s32 $_size_execute0_lowered;
	s5 =	sadd.s32 s5, s7;
	[dreg:$0x0] =	wrdreg $0x0  }
0xaa: {  	s7 =	sshll.u32 s28, $0x1;
	[dreg:$0x2] =	wrdreg s5  }
0xab: {  	[dreg:$0x3] =	wrdreg s7  }
0xac: {  	[dreg:$0x4] =	wrdreg $0xC0  }
0xad: {  	_ =	task [dreg:s9], $0x5FFFF  }
0xae: {  	[dreg:$0x1] =	wrdreg $0xFFFFFFFF  }
0xaf: {  	[dreg:$0x0] =	wrdreg $0x60  }
0xb0: {  	[dreg:$0x2] =	wrdreg s24  }
0xb1: {  	[dreg:$0x3] =	wrdreg s2  }
0xb2: {  	[dreg:$0x4] =	wrdreg s18  }
0xb3: {  	[dreg:$0x5] =	wrdreg s4  }
0xb4: {  	[dreg:$0x6] =	wrdreg $0x9  }
0xb5: {  	_ =	task.clear_ibuf [dreg:s9], $0x7FFFF;
	_ =	strace $0x90000046  }
0xb6: {  	s29 =	simm.s32 $0x9;
	_ =	strace $0x80000048  }
0xb7: {  	_ =	swait.ge [sflag:s29], $0x1  }
0xb8: {  	[sflag:s29] =	ssyncadd.s32 $0xFFFFFFFF  }
0xb9: {  	_ =	strace $0x90000048  }
0xba: {  	_ =	sfence  }
0xbb: {  	s30 =	sld [smem:$0x0];
	_ =	sdelay $0x2  }
0xbc: {  	s31 =	sshll.u32 s1, $0xD;
	s1 =	sshrl.u32 s1, $0x2  }
0xbd: {  	s3 =	sand.u32 $0x4000, s31;
	s1 =	sadd.s32 s1, s30  }
0xbe: {  	s0 =	sor.u32 s3, s0;
	s1 =	sshll.u32 s1, $0x11  }
0xbf: {  	s0 =	sor.u32 s1, s0  }
0xc0: {  	s0 =	sadd.s32 $0x8F2B, s0  }
0xc1: {  	[sflag:s0] =	ssyncadd.remote.s32 $0x1  }
0xc2: {  	_ =	sfence.sel $0xFFFF  }
0xc3: {  	[dreg:$0x0] =	wrdreg $0xFFFFFFFF;
	(pc) =	sbr.abs _section_cstart, $3  }
0xc4: {  	[dreg:$0x1] =	wrdreg $0xFFFFFFFF  }
0xc5: {  	_ =	task.clear_ibuf [dreg:s9], $0x2FFFF;
	_ =	strace $0x9FFFFFFF  }
0xc6: {  	(tm) =	ssettm $0x7FFFFFFF  }
0xc7: {  	_ =	shalt  }
tec
execute0_lowered:
.L_overlay_start_1:
0x0: {  	(tag) =	ssettag $0x1  }
0x1: {  	s0 =	srdreg.scid  }
0x2: {  	s1 =	stileid.u32;
	s2 =	rddreg [dreg:$0x1]  }
0x3: {  	s3 =	rddreg [dreg:$0x2];
	s0 =	sand.u32 $0x1, s0;
	s1 =	sshll.u32 s1, $0x1  }
0x4: {  	s20 =	rddreg [dreg:$0x3];
	s6 =	sor.u32 s0, s1  }
0x5: {  	s1 =	simm.s32 $0x0;
	s0 =	ssub.s32 $0x2, s0;
	s8 =	sshll.u32 s6, $0x8  }
0x6: {  	s4 =	sshrl.u32 s0, $0x1;
	s5 =	sshll.u32 s6, $0xC;
	s23 =	sshll.u32 s6, $0xD  }
0x7: {  	[smem:$0x7FF] =	sst s1;
	s6 =	sshll.u32 s6, $0xF;
	s10 =	sor.u32 $0x20, s8  }
0x8: {  	s0 =	ssub.s32 s0, s4;
	s21 =	sadd.s32 s3, s5;
	s12 =	sor.u32 $0x40, s8  }
0x9: {  	s13 =	sor.u32 $0x60, s8;
	s14 =	sor.u32 $0x80, s8;
	s18 =	sor.u32 $0xA0, s8  }
0xa: {  	s19 =	sor.u32 $0xC0, s8;
	s8 =	sor.u32 $0xE0, s8;
	[dreg:$0x5] =	wrdreg s21  }
0xb: {  	s22 =	sshll.u32 s10, $0x4;
	s24 =	sshll.u32 s10, $0x5;
	s7 =	sshll.u32 s12, $0x4  }
0xc: {  	s9 =	sshll.u32 s12, $0x5;
	s25 =	sshll.u32 s13, $0x4;
	s26 =	sshll.u32 s13, $0x5  }
0xd: {  	s11 =	sshll.u32 s14, $0x4;
	s15 =	sshll.u32 s14, $0x5;
	s28 =	sshll.u32 s18, $0x4  }
0xe: {  	s29 =	sshll.u32 s19, $0x4;
	s16 =	sshll.u32 s8, $0x4;
	s30 =	sshll.u32 s18, $0x5  }
0xf: {  	s31 =	sshll.u32 s19, $0x5;
	s17 =	sshll.u32 s8, $0x5;
	s10 =	sshll.u32 s10, $0x7  }
0x10: {  	s0 =	smax.u32 s0, $0x1;
	s4 =	sadd.s32 s3, s22;
	s5 =	sadd.s32 s2, s24  }
0x11: {  	s7 =	sadd.s32 s3, s7;
	s11 =	sadd.s32 s3, s11;
	[dreg:$0x6] =	wrdreg s4  }
0x12: {  	s17 =	sadd.s32 s2, s17;
	s21 =	sadd.s32 s20, s10;
	[dreg:$0x7] =	wrdreg s7  }
0x13: {  	s22 =	sshll.u32 s12, $0x7;
	s24 =	sshll.u32 s14, $0x7;
	[dreg:$0x9] =	wrdreg s11  }
0x14: {  	s7 =	sadd.s32 s2, s9;
	s9 =	sadd.s32 s3, s25;
	[dreg:$0xe] =	wrdreg s21  }
0x15: {  	s11 =	sadd.s32 s2, s15;
	s15 =	sadd.s32 s3, s28;
	[dreg:$0x8] =	wrdreg s9  }
0x16: {  	s10 =	simm.s32 $0x5;
	s25 =	sadd.s32 s20, s24;
	[dreg:$0xa] =	wrdreg s15  }
0x17: {  	s14 =	simm.s32 $0x7;
	s4 =	sadd.s32 s2, s23;
	[dreg:$0x11] =	wrdreg s25  }
0x18: {  	s9 =	sadd.s32 s2, s26;
	s15 =	sadd.s32 s3, s29;
	s29 =	rddreg [dreg:$0x0]  }
0x19: {  	s3 =	sadd.s32 s3, s16;
	s16 =	sadd.s32 s2, s31;
	[dreg:$0xb] =	wrdreg s15  }
0x1a: {  	[dreg:$0xc] =	wrdreg s3;
	s15 =	sadd.s32 s2, s30;
	s2 =	sadd.s32 s20, s6  }
0x1b: {  	s23 =	sshll.u32 s13, $0x7;
	[dreg:$0xd] =	wrdreg s2;
	s2 =	sadd.s32 s20, s22  }
0x1c: {  	s26 =	sshll.u32 s18, $0x7;
	[dreg:$0xf] =	wrdreg s2;
	s2 =	sadd.s32 s20, s23  }
0x1d: {  	s28 =	sshll.u32 s19, $0x7;
	[dreg:$0x10] =	wrdreg s2;
	s2 =	sadd.s32 s20, s26  }
0x1e: {  	s30 =	sshll.u32 s8, $0x7;
	[dreg:$0x12] =	wrdreg s2;
	s2 =	sadd.s32 s20, s28  }
0x1f: {  	s18 =	simm.s32 $0x8;
	[dreg:$0x13] =	wrdreg s2;
	s2 =	sadd.s32 s20, s30  }
0x20: {  	s31 =	sadd.s32 $0x400, s29;
	s3 =	simm.s32 $0x4;
	[dreg:$0x14] =	wrdreg s2  }
0x21: {  	s8 =	simm.s32 $0x2;
	_ =	strace $0x80000047;
	[dreg:$0x15] =	wrdreg s31  }
0x22: {  	s20 =	simm.s32 $0x0;
	[dreg:$0x16] =	wrdreg s0;
	s0 =	simm.s32 $0x1  }
.LBB2_1:
0x23: {  	s2 =	rddreg [dreg:$0x5];
	s6 =	simm.s32 $0x200  }
0x24: {  	s30 =	rddreg [dreg:$0x6];
	s31 =	simm.s32 $0x1200;
	s21 =	simm.s32 $0x20  }
0x25: {  	[tilespmem:s6], [sflag:$0x1] =	stream.linear.gather [hbm4b:s2+s1], $0x1000, $0x38;
	[tilespmem:$0x1B200] =	vst v63  }
0x26: {  	s23 =	sadd.s32 $0x0, s4;
	s22 =	simm.s32 $0x3800;
	s6 =	simm.s32 $0x3400  }
0x27: {  	[tilespmem:s31], [sflag:$0x2] =	stream.linear.gather [hbm4b:s30+s1], $0x1000, $0x38;
	[tilespmem:$0x1B200] =	vst v63  }
.LBB2_2:
0x28: {  	[tilespmem:s6], [sflag:$0x4] =	stream.linear.gather [hbm4b:s23+s1], $0x100, $0x38;
	[tilespmem:$0x1B200] =	vst v63  }
0x29: {  	s23 =	smov.u32 s21;
	s6 =	smov.u32 s22;
	p0 =	sne.s32 s21, $0x3E0  }
.Ltmp0:
0x2a: {  	s21 =	sadd.s32 $0x20, s21;
	(pc) =	sbr.rel @p0 .LBB2_2-.Ltmp0, $2  }
0x2b: {  	_ =	sdelay $0x2  }
0x2c: {  	s22 =	sadd.s32 $0x400, s22;
	s23 =	sadd.s32 s23, s4  }
0x2d: {  	[tilespmem:s6], [sflag:$0x4] =	stream.linear.gather [hbm4b:s23+s1], $0x100, $0x38;
	[tilespmem:$0x1B200] =	vst v63  }
0x2e: {  	s30 =	simm.s32 $0x0;
	s2 =	rddreg [dreg:$0x15];
	s31 =	simm.s32 $0xA  }
0x2f: {  	[tilespmem:s30], [sflag:$0xA] =	stream.linear.gather [hbm4b:s2+s30], $0x200, $0x38;
	[tilespmem:$0x1B200] =	vst v63  }
0x30: {  	_ =	swait.ge [sflag:s31], $0x200  }
0x31: {  	[sflag:s31] =	ssyncset.done $0x0  }
0x32: {  	[sflag:s31] =	ssyncadd.s32 $0xFFFFFE00  }
0x33: {  	_ =	swait.ge [sflag:s0], $0x1000  }
0x34: {  	s6 =	simm.s32 $0xB400;
	s21 =	simm.s32 $0x20;
	[sflag:s0] =	ssyncset.done $0x0  }
0x35: {  	s23 =	sadd.s32 $0x0, s5;
	s22 =	simm.s32 $0xB800;
	[sflag:s0] =	ssyncadd.s32 $0xFFFFF000  }
.LBB2_4:
0x36: {  	[tilespmem:s6], [sflag:$0x5] =	stream.linear.gather [hbm4b:s23+s1], $0x100, $0x38;
	[tilespmem:$0x1B200] =	vst v63  }
0x37: {  	s23 =	smov.u32 s21;
	s6 =	smov.u32 s22;
	p0 =	sne.s32 s21, $0x3E0  }
.Ltmp1:
0x38: {  	s21 =	sadd.s32 $0x20, s21;
	(pc) =	sbr.rel @p0 .LBB2_4-.Ltmp1, $2  }
0x39: {  	_ =	sdelay $0x2  }
0x3a: {  	s22 =	sadd.s32 $0x400, s22;
	s23 =	sadd.s32 s23, s5  }
0x3b: {  	[tilespmem:s6], [sflag:$0x5] =	stream.linear.gather [hbm4b:s23+s1], $0x100, $0x38;
	[tilespmem:$0x1B200] =	vst v63  }
0x3c: {  	s26 =	simm.s32 $0x0  }
0x3d: {  	s2 =	rddreg [dreg:$0x7];
	s12 =	simm.s32 $0x2200;
	s21 =	simm.s32 $0x220  }
0x3e: {  	[tilespmem:s12], [sflag:$0x3] =	stream.linear.gather [hbm4b:s2+s26], $0x1000, $0x38;
	[tilespmem:$0x1B200] =	vst v63  }
0x3f: {  	v1 =	vld [tilespmem:s21+$0x10]  }
0x40: {  	v2 =	vld [tilespmem:s21+$0xFFFFFFF0]  }
0x41: {  	v3 =	vld [tilespmem:s21+$0x0]  }
0x42: {  	v4 =	vld [tilespmem:s21+$0xFFFFFFE0];
	_ =	sdelay $0x2  }
0x43: {  	s6 =	sand.u32 $0x7C00, s26;
	s26 =	simm.s32 $0x260  }
0x44: {  	v12 =	vld [tilespmem:s26+$0xFFFFFFF0]  }
0x45: {  	v0 =	vld.idx.msk [tilespmem:v1+s1+$0x0], $0xffff  }
0x46: {  	v6 =	vadd.s32 $0x80, v1;
	v5 =	vld.idx.msk [tilespmem:v2+s1+$0x0], $0xffff  }
0x47: {  	s13 =	simm.s32 $0x30;
	v7 =	vadd.s32 $0x80, v2;
	v8 =	vld.idx.msk [tilespmem:v3+s1+$0x0], $0xffff  }
0x48: {  	s22 =	simm.s32 $0x10;
	s6 =	sadd.s32 $0x3200, s6;
	s21 =	sand.u32 $0x70, s13;
	v9 =	vadd.s32 $0x80, v3;
	v10 =	vld.idx.msk [tilespmem:v4+s1+$0x0], $0xffff  }
0x49: {  	s19 =	simm.s32 $0x20;
	s24 =	sand.u32 $0x50, s22;
	v13 =	vld [tilespmem:s26+$0x0];
	s28 =	sor.u32 s21, s6;
	v11 =	vadd.s32 $0x80, v4  }
0x4a: {  	s25 =	simm.s32 $0x0;
	s23 =	sand.u32 $0x60, s19;
	s21 =	sor.u32 s24, s6;
	[tilespmem:s28+$0x0] =	vst v0;
	v0 =	vld [tilespmem:s26+$0x10]  }
0x4b: {  	s22 =	sor.u32 s23, s6;
	s24 =	sand.u32 $0x40, s25;
	[tilespmem:s21+$0x0] =	vst v5;
	v6 =	vld.idx.msk [tilespmem:v6+s1+$0x0], $0xffff  }
0x4c: {  	s23 =	sor.u32 s24, s6;
	[tilespmem:s22+$0x0] =	vst v8;
	v5 =	vld.idx.msk [tilespmem:v7+s1+$0x0], $0xffff  }
0x4d: {  	[tilespmem:s23+$0x0] =	vst v10;
	v7 =	vadd.s32 $0x100, v1;
	v8 =	vld.idx.msk [tilespmem:v9+s1+$0x0], $0xffff  }
0x4e: {  	v10 =	vadd.s32 $0x100, v2;
	v9 =	vld.idx.msk [tilespmem:v11+s1+$0x0], $0xffff  }
0x4f: {  	v11 =	vadd.s32 $0x100, v4  }
0x50: {  	v14 =	vld [tilespmem:s26+$0xFFFFFFE0]  }
0x51: {  	v15 =	vld.idx.msk [tilespmem:v13+s1+$0x0], $0xffff;
	[tilespmem:s28+$0x80] =	vst v6  }
0x52: {  	v6 =	vadd.s32 $0x100, v3;
	[tilespmem:s21+$0x80] =	vst v5;
	v7 =	vld.idx.msk [tilespmem:v7+s1+$0x0], $0xffff  }
0x53: {  	v1 =	vadd.s32 $0x180, v1;
	[tilespmem:s23+$0x80] =	vst v9;
	v5 =	vld.idx.msk [tilespmem:v10+s1+$0x0], $0xffff  }
0x54: {  	[tilespmem:s22+$0x80] =	vst v8;
	v8 =	vld.idx.msk [tilespmem:v11+s1+$0x0], $0xffff  }
0x55: {  	v4 =	vadd.s32 $0x180, v4;
	v10 =	vld.idx.msk [tilespmem:v12+s1+$0x0], $0xffff  }
0x56: {  	s25 =	simm.s32 $0x200;
	v2 =	vadd.s32 $0x180, v2;
	v9 =	vld.idx.msk [tilespmem:v0+s1+$0x0], $0xffff  }
0x57: {  	s30 =	simm.s32 $0x50;
	s2 =	sand.u32 $0x7C00, s25;
	v11 =	vadd.s32 $0x80, v0;
	v6 =	vld.idx.msk [tilespmem:v6+s1+$0x0], $0xffff;
	[tilespmem:s28+$0x100] =	vst v7  }
0x58: {  	s30 =	sand.u32 $0x50, s30;
	s29 =	sadd.s32 $0x3200, s2;
	s26 =	simm.s32 $0x70;
	v3 =	vadd.s32 $0x180, v3;
	[tilespmem:s21+$0x100] =	vst v5;
	v1 =	vld.idx.msk [tilespmem:v1+s1+$0x0], $0xffff  }
0x59: {  	s6 =	sor.u32 s30, s29;
	v16 =	vld.idx.msk [tilespmem:v14+s1+$0x0], $0xffff;
	s12 =	sand.u32 $0x70, s26;
	v5 =	vadd.s32 $0x80, v12;
	[tilespmem:s23+$0x100] =	vst v8  }
0x5a: {  	v17 =	vadd.s32 $0x80, v13;
	s24 =	sor.u32 s12, s29;
	[tilespmem:s6+$0x0] =	vst v10;
	v18 =	vld.idx.msk [tilespmem:v4+s1+$0x0], $0xffff  }
0x5b: {  	s13 =	simm.s32 $0x60;
	v19 =	vadd.s32 $0x80, v14;
	[tilespmem:s24+$0x0] =	vst v9;
	v7 =	vld.idx.msk [tilespmem:v2+s1+$0x0], $0xffff  }
0x5c: {  	s31 =	simm.s32 $0x40;
	s19 =	sand.u32 $0x60, s13;
	v9 =	vld.idx.msk [tilespmem:v11+s1+$0x0], $0xffff;
	[tilespmem:s22+$0x100] =	vst v6  }
0x5d: {  	v8 =	vld.idx.msk [tilespmem:v3+s1+$0x0], $0xffff;
	[tilespmem:s28+$0x180] =	vst v1;
	s28 =	sand.u32 $0x40, s31;
	s31 =	sor.u32 s19, s29  }
0x5e: {  	v2 =	vadd.s32 $0x180, v13;
	v10 =	vld.idx.msk [tilespmem:v5+s1+$0x0], $0xffff;
	v5 =	vadd.s32 $0x100, v13;
	v13 =	vadd.s32 $0x100, v0;
	s28 =	sor.u32 s28, s29;
	[tilespmem:s31+$0x0] =	vst v15  }
0x5f: {  	v4 =	vadd.s32 $0x180, v14;
	[tilespmem:s28+$0x0] =	vst v16;
	v11 =	vld.idx.msk [tilespmem:v17+s1+$0x0], $0xffff  }
0x60: {  	s30 =	simm.s32 $0x2A0;
	v6 =	vadd.s32 $0x100, v14;
	v3 =	vadd.s32 $0x100, v12;
	v1 =	vadd.s32 $0x180, v12;
	[tilespmem:s23+$0x180] =	vst v18;
	s29 =	simm.s32 $0x4;
	v12 =	vld.idx.msk [tilespmem:v19+s1+$0x0], $0xffff  }
.LBB2_6:
0x61: {  	v14 =	vld [tilespmem:s30+$0x10];
	s29 =	sadd.s32 $0x4, s29;
	[tilespmem:s21+$0x180] =	vst v7;
	s21 =	smov.u32 s6  }
0x62: {  	v7 =	vld [tilespmem:s30+$0xFFFFFFF0];
	p0 =	slt.u32 s29, $0xFC;
	[tilespmem:s24+$0x80] =	vst v9  }
0x63: {  	v9 =	vld.idx.msk [tilespmem:v13+s1+$0x0], $0xffff;
	[tilespmem:s22+$0x180] =	vst v8;
	s22 =	smov.u32 s31  }
0x64: {  	v8 =	vld [tilespmem:s30+$0x0];
	[tilespmem:s21+$0x80] =	vst v10  }
0x65: {  	v10 =	vld [tilespmem:s30+$0xFFFFFFE0];
	[tilespmem:s22+$0x80] =	vst v11;
	v11 =	vadd.s32 $0x180, v0  }
0x66: {  	[tilespmem:s28+$0x80] =	vst v12;
	v12 =	vld.idx.msk [tilespmem:v3+s1+$0x0], $0xffff;
	v0 =	vmov v14  }
0x67: {  	v13 =	vadd.s32 $0x80, v7;
	v3 =	vadd.s32 $0x100, v7;
	v15 =	vadd.s32 $0x180, v7;
	v16 =	vld.idx.msk [tilespmem:v6+s1+$0x0], $0xffff  }
0x68: {  	v17 =	vld.idx.msk [tilespmem:v5+s1+$0x0], $0xffff  }
0x69: {  	v18 =	vadd.s32 $0x80, v8;
	v5 =	vadd.s32 $0x100, v8;
	v19 =	vadd.s32 $0x180, v8;
	v14 =	vld.idx.msk [tilespmem:v14+s1+$0x0], $0xffff;
	[tilespmem:s24+$0x100] =	vst v9  }
0x6a: {  	v20 =	vadd.s32 $0x80, v10;
	v6 =	vadd.s32 $0x100, v10;
	v9 =	vadd.s32 $0x180, v10;
	v11 =	vld.idx.msk [tilespmem:v11+s1+$0x0], $0xffff  }
0x6b: {  	s25 =	sadd.s32 $0x200, s25;
	s26 =	sadd.s32 $0x40, s26;
	v22 =	vadd.s32 $0x80, v0;
	v21 =	vld.idx.msk [tilespmem:v7+s1+$0x0], $0xffff  }
0x6c: {  	s6 =	sand.u32 $0x7C00, s25;
	s12 =	sadd.s32 $0xFFFFFFD0, s26;
	v23 =	vld.idx.msk [tilespmem:v8+s1+$0x0], $0xffff;
	[tilespmem:s21+$0x100] =	vst v12  }
0x6d: {  	s13 =	sadd.s32 $0xFFFFFFF0, s26;
	s23 =	sadd.s32 $0x3200, s6;
	s6 =	sand.u32 $0x70, s26;
	v12 =	vld.idx.msk [tilespmem:v10+s1+$0x0], $0xffff;
	[tilespmem:s28+$0x100] =	vst v16  }
0x6e: {  	s31 =	sadd.s32 $0xFFFFFFE0, s26;
	s13 =	sand.u32 $0x60, s13;
	s2 =	sor.u32 s6, s23;
	v16 =	vld.idx.msk [tilespmem:v4+s1+$0x0], $0xffff;
	[tilespmem:s22+$0x100] =	vst v17;
	v4 =	vmov v9  }
0x6f: {  	s6 =	sand.u32 $0x40, s12;
	s12 =	sand.u32 $0x50, s31;
	s31 =	sor.u32 s13, s23;
	[tilespmem:s2+$0x0] =	vst v14;
	v7 =	vld.idx.msk [tilespmem:v1+s1+$0x0], $0xffff;
	v1 =	vmov v15  }
.Ltmp2:
0x70: {  	s19 =	sor.u32 s6, s23;
	s6 =	sor.u32 s12, s23;
	v9 =	vld.idx.msk [tilespmem:v22+s1+$0x0], $0xffff;
	[tilespmem:s24+$0x180] =	vst v11;
	(pc) =	sbr.rel @p0 .LBB2_6-.Ltmp2, $4  }
0x71: {  	s24 =	smov.u32 s2;
	[tilespmem:s6+$0x0] =	vst v21;
	v8 =	vld.idx.msk [tilespmem:v2+s1+$0x0], $0xffff;
	v2 =	vmov v19  }
0x72: {  	v10 =	vld.idx.msk [tilespmem:v13+s1+$0x0], $0xffff;
	[tilespmem:s31+$0x0] =	vst v23;
	v13 =	vadd.s32 $0x100, v0  }
0x73: {  	[tilespmem:s19+$0x0] =	vst v12;
	v11 =	vld.idx.msk [tilespmem:v18+s1+$0x0], $0xffff  }
0x74: {  	s30 =	sadd.s32 $0x40, s30;
	v12 =	vld.idx.msk [tilespmem:v20+s1+$0x0], $0xffff;
	[tilespmem:s28+$0x180] =	vst v16;
	s28 =	smov.u32 s19  }
0x75: {  	_ =	sdelay $0x2  }
0x76: {  	[tilespmem:s24+$0x80] =	vst v9  }
0x77: {  	v9 =	vld.idx.msk [tilespmem:v13+s1+$0x0], $0xffff;
	[tilespmem:s6+$0x80] =	vst v10  }
0x78: {  	v0 =	vadd.s32 $0x180, v0;
	[tilespmem:s31+$0x80] =	vst v11;
	v3 =	vld.idx.msk [tilespmem:v3+s1+$0x0], $0xffff  }
0x79: {  	[tilespmem:s28+$0x80] =	vst v12;
	v5 =	vld.idx.msk [tilespmem:v5+s1+$0x0], $0xffff  }
0x7a: {  	v6 =	vld.idx.msk [tilespmem:v6+s1+$0x0], $0xffff;
	_ =	sdelay $0x1  }
0x7b: {  	[tilespmem:s24+$0x100] =	vst v9  }
0x7c: {  	v0 =	vld.idx.msk [tilespmem:v0+s1+$0x0], $0xffff;
	[tilespmem:s6+$0x100] =	vst v3  }
0x7d: {  	[tilespmem:s31+$0x100] =	vst v5;
	v1 =	vld.idx.msk [tilespmem:v1+s1+$0x0], $0xffff  }
0x7e: {  	[tilespmem:s28+$0x100] =	vst v6;
	v2 =	vld.idx.msk [tilespmem:v2+s1+$0x0], $0xffff  }
0x7f: {  	[tilespmem:s21+$0x180] =	vst v7;
	v63 =	vld.idx.msk [tilespmem:v4+s1+$0x0], $0xffff  }
0x80: {  	[tilespmem:s22+$0x180] =	vst v8  }
0x81: {  	[tilespmem:s24+$0x180] =	vst v0  }
0x82: {  	[tilespmem:s6+$0x180] =	vst v1  }
0x83: {  	[tilespmem:s31+$0x180] =	vst v2  }
0x84: {  	[tilespmem:s28+$0x180] =	vst v63  }
0x85: {  	_ =	swait.ge [sflag:s3], $0x2000  }
0x86: {  	s2 =	simm.s32 $0x0;
	[sflag:s3] =	ssyncset.done $0x0  }
0x87: {  	s12 =	simm.s32 $0x3200;
	s31 =	rddreg [dreg:$0xd];
	[sflag:s3] =	ssyncadd.s32 $0xFFFFE000  }
0x88: {  	[hbm4b:s31+s2] =	stream.linear.scatter [tilespmem:s12], [sflag:$0x7], $0x8000, $0x38;
	[tilespmem:$0x1B200] =	vst v63  }
0x89: {  	_ =	swait.ge [sflag:s8], $0x1000  }
0x8a: {  	s21 =	simm.s32 $0x20;
	s23 =	sadd.s32 $0x0, s7;
	[sflag:s8] =	ssyncset.done $0x0  }
0x8b: {  	s22 =	simm.s32 $0x13800;
	s6 =	simm.s32 $0x13400;
	[sflag:s8] =	ssyncadd.s32 $0xFFFFF000  }
.LBB2_8:
0x8c: {  	[tilespmem:s6], [sflag:$0x6] =	stream.linear.gather [hbm4b:s23+s1], $0x100, $0x38;
	[tilespmem:$0x1B200] =	vst v63  }
0x8d: {  	s2 =	smov.u32 s21;
	s6 =	smov.u32 s22;
	p0 =	sne.s32 s21, $0x3E0  }
.Ltmp3:
0x8e: {  	s21 =	sadd.s32 $0x20, s21;
	(pc) =	sbr.rel @p0 .LBB2_8-.Ltmp3, $2  }
0x8f: {  	_ =	sdelay $0x2  }
0x90: {  	s22 =	sadd.s32 $0x400, s22;
	s23 =	sadd.s32 s2, s7  }
0x91: {  	[tilespmem:s6], [sflag:$0x6] =	stream.linear.gather [hbm4b:s23+s1], $0x100, $0x38;
	[tilespmem:$0x1B200] =	vst v63  }
0x92: {  	s2 =	simm.s32 $0x0  }
0x93: {  	s13 =	rddreg [dreg:$0x8];
	s12 =	simm.s32 $0x200;
	s19 =	simm.s32 $0x1220  }
0x94: {  	[tilespmem:s12], [sflag:$0x1] =	stream.linear.gather [hbm4b:s13+s2], $0x1000, $0x38;
	[tilespmem:$0x1B200] =	vst v63  }
0x95: {  	v1 =	vld [tilespmem:s19+$0x10]  }
0x96: {  	v2 =	vld [tilespmem:s19+$0xFFFFFFF0]  }
0x97: {  	v3 =	vld [tilespmem:s19+$0x0]  }
0x98: {  	v4 =	vld [tilespmem:s19+$0xFFFFFFE0];
	_ =	sdelay $0x2  }
0x99: {  	s26 =	simm.s32 $0x1260  }
0x9a: {  	v13 =	vld [tilespmem:s26+$0x0]  }
0x9b: {  	v0 =	vld.idx.msk [tilespmem:v1+s1+$0x0], $0xffff  }
0x9c: {  	v6 =	vadd.s32 $0x80, v1;
	v5 =	vld.idx.msk [tilespmem:v2+s1+$0x0], $0xffff  }
0x9d: {  	s21 =	simm.s32 $0x30;
	s2 =	sand.u32 $0x7C00, s2;
	v7 =	vadd.s32 $0x80, v2;
	v8 =	vld.idx.msk [tilespmem:v3+s1+$0x0], $0xffff  }
0x9e: {  	s22 =	simm.s32 $0x10;
	s6 =	sand.u32 $0x70, s21;
	s2 =	sadd.s32 $0xB200, s2;
	v9 =	vadd.s32 $0x80, v3;
	v10 =	vld.idx.msk [tilespmem:v4+s1+$0x0], $0xffff  }
0x9f: {  	s23 =	sand.u32 $0x50, s22;
	s13 =	simm.s32 $0x20;
	v14 =	vld [tilespmem:s26+$0xFFFFFFE0];
	s28 =	sor.u32 s6, s2;
	v11 =	vadd.s32 $0x80, v4  }
0xa0: {  	s24 =	simm.s32 $0x0;
	s13 =	sand.u32 $0x60, s13;
	s21 =	sor.u32 s23, s2;
	[tilespmem:s28+$0x0] =	vst v0;
	v0 =	vld [tilespmem:s26+$0x10]  }
0xa1: {  	s25 =	sand.u32 $0x40, s24;
	s22 =	sor.u32 s13, s2;
	[tilespmem:s21+$0x0] =	vst v5;
	v6 =	vld.idx.msk [tilespmem:v6+s1+$0x0], $0xffff  }
0xa2: {  	s23 =	sor.u32 s25, s2;
	[tilespmem:s22+$0x0] =	vst v8;
	v5 =	vld.idx.msk [tilespmem:v7+s1+$0x0], $0xffff  }
0xa3: {  	[tilespmem:s23+$0x0] =	vst v10;
	v7 =	vadd.s32 $0x100, v1;
	v8 =	vld.idx.msk [tilespmem:v9+s1+$0x0], $0xffff  }
0xa4: {  	v10 =	vadd.s32 $0x100, v2;
	v9 =	vld.idx.msk [tilespmem:v11+s1+$0x0], $0xffff  }
0xa5: {  	v11 =	vadd.s32 $0x100, v4  }
0xa6: {  	v12 =	vld [tilespmem:s26+$0xFFFFFFF0]  }
0xa7: {  	v15 =	vld.idx.msk [tilespmem:v13+s1+$0x0], $0xffff;
	[tilespmem:s28+$0x80] =	vst v6  }
0xa8: {  	v6 =	vadd.s32 $0x100, v3;
	[tilespmem:s21+$0x80] =	vst v5;
	v7 =	vld.idx.msk [tilespmem:v7+s1+$0x0], $0xffff  }
0xa9: {  	[tilespmem:s23+$0x80] =	vst v9;
	v5 =	vld.idx.msk [tilespmem:v10+s1+$0x0], $0xffff  }
0xaa: {  	v1 =	vadd.s32 $0x180, v1;
	[tilespmem:s22+$0x80] =	vst v8;
	v8 =	vld.idx.msk [tilespmem:v11+s1+$0x0], $0xffff  }
0xab: {  	v16 =	vld.idx.msk [tilespmem:v14+s1+$0x0], $0xffff;
	v4 =	vadd.s32 $0x180, v4  }
0xac: {  	s25 =	simm.s32 $0x200;
	v2 =	vadd.s32 $0x180, v2;
	v9 =	vld.idx.msk [tilespmem:v0+s1+$0x0], $0xffff  }
0xad: {  	s19 =	simm.s32 $0x60;
	s6 =	sand.u32 $0x7C00, s25;
	v11 =	vadd.s32 $0x80, v0;
	v6 =	vld.idx.msk [tilespmem:v6+s1+$0x0], $0xffff;
	[tilespmem:s28+$0x100] =	vst v7  }
0xae: {  	s19 =	sand.u32 $0x60, s19;
	s2 =	sadd.s32 $0xB200, s6;
	s26 =	simm.s32 $0x70;
	v3 =	vadd.s32 $0x180, v3;
	v10 =	vld.idx.msk [tilespmem:v12+s1+$0x0], $0xffff;
	[tilespmem:s21+$0x100] =	vst v5  }
0xaf: {  	s31 =	sor.u32 s19, s2;
	s12 =	sand.u32 $0x70, s26;
	v5 =	vadd.s32 $0x80, v12;
	[tilespmem:s23+$0x100] =	vst v8;
	v1 =	vld.idx.msk [tilespmem:v1+s1+$0x0], $0xffff  }
0xb0: {  	s13 =	simm.s32 $0x50;
	v17 =	vadd.s32 $0x80, v13;
	[tilespmem:s31+$0x0] =	vst v15;
	s24 =	sor.u32 s12, s2;
	v18 =	vld.idx.msk [tilespmem:v4+s1+$0x0], $0xffff  }
0xb1: {  	v19 =	vadd.s32 $0x80, v14;
	s12 =	sand.u32 $0x50, s13;
	[tilespmem:s24+$0x0] =	vst v9;
	v7 =	vld.idx.msk [tilespmem:v2+s1+$0x0], $0xffff  }
0xb2: {  	s13 =	simm.s32 $0x40;
	s6 =	sor.u32 s12, s2;
	v9 =	vld.idx.msk [tilespmem:v11+s1+$0x0], $0xffff;
	[tilespmem:s22+$0x100] =	vst v6  }
0xb3: {  	s13 =	sand.u32 $0x40, s13;
	[tilespmem:s6+$0x0] =	vst v10;
	v8 =	vld.idx.msk [tilespmem:v3+s1+$0x0], $0xffff  }
0xb4: {  	v2 =	vadd.s32 $0x180, v13;
	v10 =	vld.idx.msk [tilespmem:v5+s1+$0x0], $0xffff;
	v5 =	vadd.s32 $0x100, v13;
	v13 =	vadd.s32 $0x100, v0;
	[tilespmem:s28+$0x180] =	vst v1;
	s28 =	sor.u32 s13, s2  }
0xb5: {  	v4 =	vadd.s32 $0x180, v14;
	v11 =	vld.idx.msk [tilespmem:v17+s1+$0x0], $0xffff;
	[tilespmem:s28+$0x0] =	vst v16  }
0xb6: {  	s29 =	simm.s32 $0x4;
	s30 =	simm.s32 $0x12A0;
	v6 =	vadd.s32 $0x100, v14;
	v3 =	vadd.s32 $0x100, v12;
	v1 =	vadd.s32 $0x180, v12;
	[tilespmem:s23+$0x180] =	vst v18;
	v12 =	vld.idx.msk [tilespmem:v19+s1+$0x0], $0xffff  }
.LBB2_10:
0xb7: {  	v14 =	vld [tilespmem:s30+$0x10];
	s29 =	sadd.s32 $0x4, s29;
	[tilespmem:s21+$0x180] =	vst v7;
	s21 =	smov.u32 s6  }
0xb8: {  	v7 =	vld [tilespmem:s30+$0xFFFFFFF0];
	p0 =	slt.u32 s29, $0xFC;
	[tilespmem:s24+$0x80] =	vst v9  }
0xb9: {  	v9 =	vld.idx.msk [tilespmem:v13+s1+$0x0], $0xffff;
	[tilespmem:s22+$0x180] =	vst v8;
	s22 =	smov.u32 s31  }
0xba: {  	v8 =	vld [tilespmem:s30+$0x0];
	[tilespmem:s21+$0x80] =	vst v10  }
0xbb: {  	v10 =	vld [tilespmem:s30+$0xFFFFFFE0];
	[tilespmem:s22+$0x80] =	vst v11;
	v11 =	vadd.s32 $0x180, v0  }
0xbc: {  	[tilespmem:s28+$0x80] =	vst v12;
	v12 =	vld.idx.msk [tilespmem:v3+s1+$0x0], $0xffff;
	v0 =	vmov v14  }
0xbd: {  	v13 =	vadd.s32 $0x80, v7;
	v3 =	vadd.s32 $0x100, v7;
	v15 =	vadd.s32 $0x180, v7;
	v16 =	vld.idx.msk [tilespmem:v6+s1+$0x0], $0xffff  }
0xbe: {  	v17 =	vld.idx.msk [tilespmem:v5+s1+$0x0], $0xffff  }
0xbf: {  	v18 =	vadd.s32 $0x80, v8;
	v5 =	vadd.s32 $0x100, v8;
	v19 =	vadd.s32 $0x180, v8;
	v14 =	vld.idx.msk [tilespmem:v14+s1+$0x0], $0xffff;
	[tilespmem:s24+$0x100] =	vst v9  }
0xc0: {  	v20 =	vadd.s32 $0x80, v10;
	v6 =	vadd.s32 $0x100, v10;
	v9 =	vadd.s32 $0x180, v10;
	v11 =	vld.idx.msk [tilespmem:v11+s1+$0x0], $0xffff  }
0xc1: {  	s25 =	sadd.s32 $0x200, s25;
	s26 =	sadd.s32 $0x40, s26;
	v22 =	vadd.s32 $0x80, v0;
	v21 =	vld.idx.msk [tilespmem:v7+s1+$0x0], $0xffff  }
0xc2: {  	s2 =	sand.u32 $0x7C00, s25;
	s6 =	sadd.s32 $0xFFFFFFD0, s26;
	v23 =	vld.idx.msk [tilespmem:v8+s1+$0x0], $0xffff;
	[tilespmem:s21+$0x100] =	vst v12  }
0xc3: {  	s12 =	sand.u32 $0x70, s26;
	s13 =	sadd.s32 $0xFFFFFFE0, s26;
	s2 =	sadd.s32 $0xB200, s2;
	v12 =	vld.idx.msk [tilespmem:v10+s1+$0x0], $0xffff;
	[tilespmem:s28+$0x100] =	vst v16  }
0xc4: {  	s19 =	sadd.s32 $0xFFFFFFF0, s26;
	s6 =	sand.u32 $0x40, s6;
	s12 =	sor.u32 s12, s2;
	v16 =	vld.idx.msk [tilespmem:v4+s1+$0x0], $0xffff;
	[tilespmem:s22+$0x100] =	vst v17;
	v4 =	vmov v9  }
0xc5: {  	s13 =	sand.u32 $0x50, s13;
	s19 =	sand.u32 $0x60, s19;
	s23 =	sor.u32 s6, s2;
	[tilespmem:s12+$0x0] =	vst v14;
	v7 =	vld.idx.msk [tilespmem:v1+s1+$0x0], $0xffff;
	v1 =	vmov v15  }
.Ltmp4:
0xc6: {  	s6 =	sor.u32 s13, s2;
	s31 =	sor.u32 s19, s2;
	v9 =	vld.idx.msk [tilespmem:v22+s1+$0x0], $0xffff;
	[tilespmem:s24+$0x180] =	vst v11;
	(pc) =	sbr.rel @p0 .LBB2_10-.Ltmp4, $4  }
0xc7: {  	s24 =	smov.u32 s12;
	[tilespmem:s6+$0x0] =	vst v21;
	v8 =	vld.idx.msk [tilespmem:v2+s1+$0x0], $0xffff;
	v2 =	vmov v19  }
0xc8: {  	v10 =	vld.idx.msk [tilespmem:v13+s1+$0x0], $0xffff;
	[tilespmem:s31+$0x0] =	vst v23;
	v13 =	vadd.s32 $0x100, v0  }
0xc9: {  	[tilespmem:s23+$0x0] =	vst v12;
	v11 =	vld.idx.msk [tilespmem:v18+s1+$0x0], $0xffff  }
0xca: {  	s30 =	sadd.s32 $0x40, s30;
	v12 =	vld.idx.msk [tilespmem:v20+s1+$0x0], $0xffff;
	[tilespmem:s28+$0x180] =	vst v16;
	s28 =	smov.u32 s23  }
0xcb: {  	_ =	sdelay $0x2  }
0xcc: {  	[tilespmem:s24+$0x80] =	vst v9  }
0xcd: {  	v9 =	vld.idx.msk [tilespmem:v13+s1+$0x0], $0xffff;
	[tilespmem:s6+$0x80] =	vst v10  }
0xce: {  	v0 =	vadd.s32 $0x180, v0;
	[tilespmem:s31+$0x80] =	vst v11;
	v3 =	vld.idx.msk [tilespmem:v3+s1+$0x0], $0xffff  }
0xcf: {  	[tilespmem:s28+$0x80] =	vst v12;
	v5 =	vld.idx.msk [tilespmem:v5+s1+$0x0], $0xffff  }
0xd0: {  	v6 =	vld.idx.msk [tilespmem:v6+s1+$0x0], $0xffff;
	_ =	sdelay $0x1  }
0xd1: {  	[tilespmem:s24+$0x100] =	vst v9  }
0xd2: {  	v0 =	vld.idx.msk [tilespmem:v0+s1+$0x0], $0xffff;
	[tilespmem:s6+$0x100] =	vst v3  }
0xd3: {  	[tilespmem:s31+$0x100] =	vst v5;
	v1 =	vld.idx.msk [tilespmem:v1+s1+$0x0], $0xffff  }
0xd4: {  	[tilespmem:s28+$0x100] =	vst v6;
	v2 =	vld.idx.msk [tilespmem:v2+s1+$0x0], $0xffff  }
0xd5: {  	[tilespmem:s21+$0x180] =	vst v7;
	v63 =	vld.idx.msk [tilespmem:v4+s1+$0x0], $0xffff  }
0xd6: {  	[tilespmem:s22+$0x180] =	vst v8  }
0xd7: {  	[tilespmem:s24+$0x180] =	vst v0  }
0xd8: {  	[tilespmem:s6+$0x180] =	vst v1  }
0xd9: {  	[tilespmem:s31+$0x180] =	vst v2  }
0xda: {  	[tilespmem:s28+$0x180] =	vst v63  }
0xdb: {  	_ =	swait.ge [sflag:s10], $0x2000  }
0xdc: {  	s2 =	simm.s32 $0x0;
	s12 =	simm.s32 $0xB200;
	[sflag:s10] =	ssyncset.done $0x0  }
0xdd: {  	s31 =	simm.s32 $0x3;
	s30 =	rddreg [dreg:$0xe];
	[sflag:s10] =	ssyncadd.s32 $0xFFFFE000  }
0xde: {  	[hbm4b:s30+s2] =	stream.linear.scatter [tilespmem:s12], [sflag:$0x8], $0x8000, $0x38;
	[tilespmem:$0x1B200] =	vst v63  }
0xdf: {  	_ =	swait.ge [sflag:s31], $0x1000  }
0xe0: {  	[sflag:s31] =	ssyncset.done $0x0  }
0xe1: {  	[sflag:s31] =	ssyncadd.s32 $0xFFFFF000  }
0xe2: {  	_ =	swait.ge [sflag:s14], $0x8000  }
0xe3: {  	s21 =	simm.s32 $0x20;
	s23 =	sadd.s32 $0x0, s9;
	[sflag:s14] =	ssyncset.done $0x0  }
0xe4: {  	s22 =	simm.s32 $0x3800;
	s6 =	simm.s32 $0x3400;
	[sflag:s14] =	ssyncadd.s32 $0xFFFF8000  }
.LBB2_12:
0xe5: {  	[tilespmem:s6], [sflag:$0x4] =	stream.linear.gather [hbm4b:s23+s1], $0x100, $0x38;
	[tilespmem:$0x1B200] =	vst v63  }
0xe6: {  	s2 =	smov.u32 s21;
	s6 =	smov.u32 s22;
	p0 =	sne.s32 s21, $0x3E0  }
.Ltmp5:
0xe7: {  	s21 =	sadd.s32 $0x20, s21;
	(pc) =	sbr.rel @p0 .LBB2_12-.Ltmp5, $2  }
0xe8: {  	_ =	sdelay $0x2  }
0xe9: {  	s22 =	sadd.s32 $0x400, s22;
	s23 =	sadd.s32 s2, s9  }
0xea: {  	[tilespmem:s6], [sflag:$0x4] =	stream.linear.gather [hbm4b:s23+s1], $0x100, $0x38;
	[tilespmem:$0x1B200] =	vst v63  }
0xeb: {  	s2 =	simm.s32 $0x0  }
0xec: {  	s13 =	rddreg [dreg:$0x9];
	s12 =	simm.s32 $0x1200;
	s19 =	simm.s32 $0x2220  }
0xed: {  	[tilespmem:s12], [sflag:$0x2] =	stream.linear.gather [hbm4b:s13+s2], $0x1000, $0x38;
	[tilespmem:$0x1B200] =	vst v63  }
0xee: {  	v1 =	vld [tilespmem:s19+$0x10]  }
0xef: {  	v2 =	vld [tilespmem:s19+$0xFFFFFFF0]  }
0xf0: {  	v3 =	vld [tilespmem:s19+$0x0]  }
0xf1: {  	v4 =	vld [tilespmem:s19+$0xFFFFFFE0];
	_ =	sdelay $0x2  }
0xf2: {  	s26 =	simm.s32 $0x2260  }
0xf3: {  	v13 =	vld [tilespmem:s26+$0x0]  }
0xf4: {  	v0 =	vld.idx.msk [tilespmem:v1+s1+$0x0], $0xffff  }
0xf5: {  	v6 =	vadd.s32 $0x80, v1;
	v5 =	vld.idx.msk [tilespmem:v2+s1+$0x0], $0xffff  }
0xf6: {  	s21 =	simm.s32 $0x30;
	s2 =	sand.u32 $0x7C00, s2;
	v7 =	vadd.s32 $0x80, v2;
	v8 =	vld.idx.msk [tilespmem:v3+s1+$0x0], $0xffff  }
0xf7: {  	s22 =	simm.s32 $0x10;
	s6 =	sand.u32 $0x70, s21;
	s2 =	sadd.s32 $0x13200, s2;
	v9 =	vadd.s32 $0x80, v3;
	v10 =	vld.idx.msk [tilespmem:v4+s1+$0x0], $0xffff  }
0xf8: {  	s23 =	sand.u32 $0x50, s22;
	s13 =	simm.s32 $0x20;
	v14 =	vld [tilespmem:s26+$0xFFFFFFE0];
	s28 =	sor.u32 s6, s2;
	v11 =	vadd.s32 $0x80, v4  }
0xf9: {  	s24 =	simm.s32 $0x0;
	s13 =	sand.u32 $0x60, s13;
	s21 =	sor.u32 s23, s2;
	[tilespmem:s28+$0x0] =	vst v0;
	v0 =	vld [tilespmem:s26+$0x10]  }
0xfa: {  	s25 =	sand.u32 $0x40, s24;
	s22 =	sor.u32 s13, s2;
	[tilespmem:s21+$0x0] =	vst v5;
	v6 =	vld.idx.msk [tilespmem:v6+s1+$0x0], $0xffff  }
0xfb: {  	s23 =	sor.u32 s25, s2;
	[tilespmem:s22+$0x0] =	vst v8;
	v5 =	vld.idx.msk [tilespmem:v7+s1+$0x0], $0xffff  }
0xfc: {  	[tilespmem:s23+$0x0] =	vst v10;
	v7 =	vadd.s32 $0x100, v1;
	v8 =	vld.idx.msk [tilespmem:v9+s1+$0x0], $0xffff  }
0xfd: {  	v10 =	vadd.s32 $0x100, v2;
	v9 =	vld.idx.msk [tilespmem:v11+s1+$0x0], $0xffff  }
0xfe: {  	v11 =	vadd.s32 $0x100, v4  }
0xff: {  	v12 =	vld [tilespmem:s26+$0xFFFFFFF0]  }
0x100: {  	v15 =	vld.idx.msk [tilespmem:v13+s1+$0x0], $0xffff;
	[tilespmem:s28+$0x80] =	vst v6  }
0x101: {  	v6 =	vadd.s32 $0x100, v3;
	[tilespmem:s21+$0x80] =	vst v5;
	v7 =	vld.idx.msk [tilespmem:v7+s1+$0x0], $0xffff  }
0x102: {  	[tilespmem:s23+$0x80] =	vst v9;
	v5 =	vld.idx.msk [tilespmem:v10+s1+$0x0], $0xffff  }
0x103: {  	v1 =	vadd.s32 $0x180, v1;
	[tilespmem:s22+$0x80] =	vst v8;
	v8 =	vld.idx.msk [tilespmem:v11+s1+$0x0], $0xffff  }
0x104: {  	v16 =	vld.idx.msk [tilespmem:v14+s1+$0x0], $0xffff;
	v4 =	vadd.s32 $0x180, v4  }
0x105: {  	s25 =	simm.s32 $0x200;
	v2 =	vadd.s32 $0x180, v2;
	v9 =	vld.idx.msk [tilespmem:v0+s1+$0x0], $0xffff  }
0x106: {  	s19 =	simm.s32 $0x60;
	s6 =	sand.u32 $0x7C00, s25;
	v11 =	vadd.s32 $0x80, v0;
	v6 =	vld.idx.msk [tilespmem:v6+s1+$0x0], $0xffff;
	[tilespmem:s28+$0x100] =	vst v7  }
0x107: {  	s19 =	sand.u32 $0x60, s19;
	s2 =	sadd.s32 $0x13200, s6;
	s26 =	simm.s32 $0x70;
	v3 =	vadd.s32 $0x180, v3;
	v10 =	vld.idx.msk [tilespmem:v12+s1+$0x0], $0xffff;
	[tilespmem:s21+$0x100] =	vst v5  }
0x108: {  	s31 =	sor.u32 s19, s2;
	s12 =	sand.u32 $0x70, s26;
	v5 =	vadd.s32 $0x80, v12;
	[tilespmem:s23+$0x100] =	vst v8;
	v1 =	vld.idx.msk [tilespmem:v1+s1+$0x0], $0xffff  }
0x109: {  	s13 =	simm.s32 $0x50;
	v17 =	vadd.s32 $0x80, v13;
	[tilespmem:s31+$0x0] =	vst v15;
	s24 =	sor.u32 s12, s2;
	v18 =	vld.idx.msk [tilespmem:v4+s1+$0x0], $0xffff  }
0x10a: {  	v19 =	vadd.s32 $0x80, v14;
	s12 =	sand.u32 $0x50, s13;
	[tilespmem:s24+$0x0] =	vst v9;
	v7 =	vld.idx.msk [tilespmem:v2+s1+$0x0], $0xffff  }
0x10b: {  	s13 =	simm.s32 $0x40;
	s6 =	sor.u32 s12, s2;
	v9 =	vld.idx.msk [tilespmem:v11+s1+$0x0], $0xffff;
	[tilespmem:s22+$0x100] =	vst v6  }
0x10c: {  	s13 =	sand.u32 $0x40, s13;
	[tilespmem:s6+$0x0] =	vst v10;
	v8 =	vld.idx.msk [tilespmem:v3+s1+$0x0], $0xffff  }
0x10d: {  	v2 =	vadd.s32 $0x180, v13;
	v10 =	vld.idx.msk [tilespmem:v5+s1+$0x0], $0xffff;
	v5 =	vadd.s32 $0x100, v13;
	v13 =	vadd.s32 $0x100, v0;
	[tilespmem:s28+$0x180] =	vst v1;
	s28 =	sor.u32 s13, s2  }
0x10e: {  	v4 =	vadd.s32 $0x180, v14;
	v11 =	vld.idx.msk [tilespmem:v17+s1+$0x0], $0xffff;
	[tilespmem:s28+$0x0] =	vst v16  }
0x10f: {  	s29 =	simm.s32 $0x4;
	s30 =	simm.s32 $0x22A0;
	v6 =	vadd.s32 $0x100, v14;
	v3 =	vadd.s32 $0x100, v12;
	v1 =	vadd.s32 $0x180, v12;
	[tilespmem:s23+$0x180] =	vst v18;
	v12 =	vld.idx.msk [tilespmem:v19+s1+$0x0], $0xffff  }
.LBB2_14:
0x110: {  	v14 =	vld [tilespmem:s30+$0x10];
	s29 =	sadd.s32 $0x4, s29;
	[tilespmem:s21+$0x180] =	vst v7;
	s21 =	smov.u32 s6  }
0x111: {  	v7 =	vld [tilespmem:s30+$0xFFFFFFF0];
	p0 =	slt.u32 s29, $0xFC;
	[tilespmem:s24+$0x80] =	vst v9  }
0x112: {  	v9 =	vld.idx.msk [tilespmem:v13+s1+$0x0], $0xffff;
	[tilespmem:s22+$0x180] =	vst v8;
	s22 =	smov.u32 s31  }
0x113: {  	v8 =	vld [tilespmem:s30+$0x0];
	[tilespmem:s21+$0x80] =	vst v10  }
0x114: {  	v10 =	vld [tilespmem:s30+$0xFFFFFFE0];
	[tilespmem:s22+$0x80] =	vst v11;
	v11 =	vadd.s32 $0x180, v0  }
0x115: {  	[tilespmem:s28+$0x80] =	vst v12;
	v12 =	vld.idx.msk [tilespmem:v3+s1+$0x0], $0xffff;
	v0 =	vmov v14  }
0x116: {  	v13 =	vadd.s32 $0x80, v7;
	v3 =	vadd.s32 $0x100, v7;
	v15 =	vadd.s32 $0x180, v7;
	v16 =	vld.idx.msk [tilespmem:v6+s1+$0x0], $0xffff  }
0x117: {  	v17 =	vld.idx.msk [tilespmem:v5+s1+$0x0], $0xffff  }
0x118: {  	v18 =	vadd.s32 $0x80, v8;
	v5 =	vadd.s32 $0x100, v8;
	v19 =	vadd.s32 $0x180, v8;
	v14 =	vld.idx.msk [tilespmem:v14+s1+$0x0], $0xffff;
	[tilespmem:s24+$0x100] =	vst v9  }
0x119: {  	v20 =	vadd.s32 $0x80, v10;
	v6 =	vadd.s32 $0x100, v10;
	v9 =	vadd.s32 $0x180, v10;
	v11 =	vld.idx.msk [tilespmem:v11+s1+$0x0], $0xffff  }
0x11a: {  	s25 =	sadd.s32 $0x200, s25;
	s26 =	sadd.s32 $0x40, s26;
	v22 =	vadd.s32 $0x80, v0;
	v21 =	vld.idx.msk [tilespmem:v7+s1+$0x0], $0xffff  }
0x11b: {  	s2 =	sand.u32 $0x7C00, s25;
	s6 =	sadd.s32 $0xFFFFFFD0, s26;
	v23 =	vld.idx.msk [tilespmem:v8+s1+$0x0], $0xffff;
	[tilespmem:s21+$0x100] =	vst v12  }
0x11c: {  	s12 =	sand.u32 $0x70, s26;
	s13 =	sadd.s32 $0xFFFFFFE0, s26;
	s2 =	sadd.s32 $0x13200, s2;
	v12 =	vld.idx.msk [tilespmem:v10+s1+$0x0], $0xffff;
	[tilespmem:s28+$0x100] =	vst v16  }
0x11d: {  	s19 =	sadd.s32 $0xFFFFFFF0, s26;
	s6 =	sand.u32 $0x40, s6;
	s12 =	sor.u32 s12, s2;
	v16 =	vld.idx.msk [tilespmem:v4+s1+$0x0], $0xffff;
	[tilespmem:s22+$0x100] =	vst v17;
	v4 =	vmov v9  }
0x11e: {  	s13 =	sand.u32 $0x50, s13;
	s19 =	sand.u32 $0x60, s19;
	s23 =	sor.u32 s6, s2;
	[tilespmem:s12+$0x0] =	vst v14;
	v7 =	vld.idx.msk [tilespmem:v1+s1+$0x0], $0xffff;
	v1 =	vmov v15  }
.Ltmp6:
0x11f: {  	s6 =	sor.u32 s13, s2;
	s31 =	sor.u32 s19, s2;
	v9 =	vld.idx.msk [tilespmem:v22+s1+$0x0], $0xffff;
	[tilespmem:s24+$0x180] =	vst v11;
	(pc) =	sbr.rel @p0 .LBB2_14-.Ltmp6, $4  }
0x120: {  	s24 =	smov.u32 s12;
	[tilespmem:s6+$0x0] =	vst v21;
	v8 =	vld.idx.msk [tilespmem:v2+s1+$0x0], $0xffff;
	v2 =	vmov v19  }
0x121: {  	v10 =	vld.idx.msk [tilespmem:v13+s1+$0x0], $0xffff;
	[tilespmem:s31+$0x0] =	vst v23;
	v13 =	vadd.s32 $0x100, v0  }
0x122: {  	[tilespmem:s23+$0x0] =	vst v12;
	v11 =	vld.idx.msk [tilespmem:v18+s1+$0x0], $0xffff  }
0x123: {  	s30 =	sadd.s32 $0x40, s30;
	v12 =	vld.idx.msk [tilespmem:v20+s1+$0x0], $0xffff;
	[tilespmem:s28+$0x180] =	vst v16;
	s28 =	smov.u32 s23  }
0x124: {  	_ =	sdelay $0x2  }
0x125: {  	[tilespmem:s24+$0x80] =	vst v9  }
0x126: {  	v9 =	vld.idx.msk [tilespmem:v13+s1+$0x0], $0xffff;
	[tilespmem:s6+$0x80] =	vst v10  }
0x127: {  	v0 =	vadd.s32 $0x180, v0;
	[tilespmem:s31+$0x80] =	vst v11;
	v3 =	vld.idx.msk [tilespmem:v3+s1+$0x0], $0xffff  }
0x128: {  	[tilespmem:s28+$0x80] =	vst v12;
	v5 =	vld.idx.msk [tilespmem:v5+s1+$0x0], $0xffff  }
0x129: {  	v6 =	vld.idx.msk [tilespmem:v6+s1+$0x0], $0xffff;
	_ =	sdelay $0x1  }
0x12a: {  	[tilespmem:s24+$0x100] =	vst v9  }
0x12b: {  	v0 =	vld.idx.msk [tilespmem:v0+s1+$0x0], $0xffff;
	[tilespmem:s6+$0x100] =	vst v3  }
0x12c: {  	[tilespmem:s31+$0x100] =	vst v5;
	v1 =	vld.idx.msk [tilespmem:v1+s1+$0x0], $0xffff  }
0x12d: {  	[tilespmem:s28+$0x100] =	vst v6;
	v2 =	vld.idx.msk [tilespmem:v2+s1+$0x0], $0xffff  }
0x12e: {  	[tilespmem:s21+$0x180] =	vst v7;
	v63 =	vld.idx.msk [tilespmem:v4+s1+$0x0], $0xffff  }
0x12f: {  	[tilespmem:s22+$0x180] =	vst v8  }
0x130: {  	[tilespmem:s24+$0x180] =	vst v0  }
0x131: {  	[tilespmem:s6+$0x180] =	vst v1  }
0x132: {  	[tilespmem:s31+$0x180] =	vst v2  }
0x133: {  	s2 =	simm.s32 $0x6;
	[tilespmem:s28+$0x180] =	vst v63  }
0x134: {  	_ =	swait.ge [sflag:s2], $0x2000  }
0x135: {  	s30 =	simm.s32 $0x0;
	[sflag:s2] =	ssyncset.done $0x0  }
0x136: {  	s12 =	simm.s32 $0x13200;
	s31 =	rddreg [dreg:$0xf];
	[sflag:s2] =	ssyncadd.s32 $0xFFFFE000  }
0x137: {  	[hbm4b:s31+s30] =	stream.linear.scatter [tilespmem:s12], [sflag:$0x9], $0x8000, $0x38;
	[tilespmem:$0x1B200] =	vst v63  }
0x138: {  	_ =	swait.ge [sflag:s0], $0x1000  }
0x139: {  	[sflag:s0] =	ssyncset.done $0x0  }
0x13a: {  	[sflag:s0] =	ssyncadd.s32 $0xFFFFF000  }
0x13b: {  	_ =	swait.ge [sflag:s18], $0x8000  }
0x13c: {  	s21 =	simm.s32 $0x20;
	s23 =	sadd.s32 $0x0, s11;
	[sflag:s18] =	ssyncset.done $0x0  }
0x13d: {  	s22 =	simm.s32 $0xB800;
	s6 =	simm.s32 $0xB400;
	[sflag:s18] =	ssyncadd.s32 $0xFFFF8000  }
.LBB2_16:
0x13e: {  	[tilespmem:s6], [sflag:$0x5] =	stream.linear.gather [hbm4b:s23+s1], $0x100, $0x38;
	[tilespmem:$0x1B200] =	vst v63  }
0x13f: {  	s2 =	smov.u32 s21;
	s6 =	smov.u32 s22;
	p0 =	sne.s32 s21, $0x3E0  }
.Ltmp7:
0x140: {  	s21 =	sadd.s32 $0x20, s21;
	(pc) =	sbr.rel @p0 .LBB2_16-.Ltmp7, $2  }
0x141: {  	_ =	sdelay $0x2  }
0x142: {  	s22 =	sadd.s32 $0x400, s22;
	s23 =	sadd.s32 s2, s11  }
0x143: {  	[tilespmem:s6], [sflag:$0x5] =	stream.linear.gather [hbm4b:s23+s1], $0x100, $0x38;
	[tilespmem:$0x1B200] =	vst v63  }
0x144: {  	s2 =	simm.s32 $0x0  }
0x145: {  	s13 =	rddreg [dreg:$0xa];
	s12 =	simm.s32 $0x2200;
	s19 =	simm.s32 $0x220  }
0x146: {  	[tilespmem:s12], [sflag:$0x3] =	stream.linear.gather [hbm4b:s13+s2], $0x1000, $0x38;
	[tilespmem:$0x1B200] =	vst v63  }
0x147: {  	v1 =	vld [tilespmem:s19+$0x10]  }
0x148: {  	v2 =	vld [tilespmem:s19+$0xFFFFFFF0]  }
0x149: {  	v3 =	vld [tilespmem:s19+$0x0]  }
0x14a: {  	v4 =	vld [tilespmem:s19+$0xFFFFFFE0];
	_ =	sdelay $0x2  }
0x14b: {  	s26 =	simm.s32 $0x260  }
0x14c: {  	v13 =	vld [tilespmem:s26+$0x0]  }
0x14d: {  	v0 =	vld.idx.msk [tilespmem:v1+s1+$0x0], $0xffff  }
0x14e: {  	v6 =	vadd.s32 $0x80, v1;
	v5 =	vld.idx.msk [tilespmem:v2+s1+$0x0], $0xffff  }
0x14f: {  	s21 =	simm.s32 $0x30;
	s2 =	sand.u32 $0x7C00, s2;
	v7 =	vadd.s32 $0x80, v2;
	v8 =	vld.idx.msk [tilespmem:v3+s1+$0x0], $0xffff  }
0x150: {  	s22 =	simm.s32 $0x10;
	s6 =	sand.u32 $0x70, s21;
	s2 =	sadd.s32 $0x3200, s2;
	v9 =	vadd.s32 $0x80, v3;
	v10 =	vld.idx.msk [tilespmem:v4+s1+$0x0], $0xffff  }
0x151: {  	s23 =	sand.u32 $0x50, s22;
	s13 =	simm.s32 $0x20;
	v14 =	vld [tilespmem:s26+$0xFFFFFFE0];
	s28 =	sor.u32 s6, s2;
	v11 =	vadd.s32 $0x80, v4  }
0x152: {  	s24 =	simm.s32 $0x0;
	s13 =	sand.u32 $0x60, s13;
	s21 =	sor.u32 s23, s2;
	[tilespmem:s28+$0x0] =	vst v0;
	v0 =	vld [tilespmem:s26+$0x10]  }
0x153: {  	s25 =	sand.u32 $0x40, s24;
	s22 =	sor.u32 s13, s2;
	[tilespmem:s21+$0x0] =	vst v5;
	v6 =	vld.idx.msk [tilespmem:v6+s1+$0x0], $0xffff  }
0x154: {  	s23 =	sor.u32 s25, s2;
	[tilespmem:s22+$0x0] =	vst v8;
	v5 =	vld.idx.msk [tilespmem:v7+s1+$0x0], $0xffff  }
0x155: {  	[tilespmem:s23+$0x0] =	vst v10;
	v7 =	vadd.s32 $0x100, v1;
	v8 =	vld.idx.msk [tilespmem:v9+s1+$0x0], $0xffff  }
0x156: {  	v10 =	vadd.s32 $0x100, v2;
	v9 =	vld.idx.msk [tilespmem:v11+s1+$0x0], $0xffff  }
0x157: {  	v11 =	vadd.s32 $0x100, v4  }
0x158: {  	v12 =	vld [tilespmem:s26+$0xFFFFFFF0]  }
0x159: {  	v15 =	vld.idx.msk [tilespmem:v13+s1+$0x0], $0xffff;
	[tilespmem:s28+$0x80] =	vst v6  }
0x15a: {  	v6 =	vadd.s32 $0x100, v3;
	[tilespmem:s21+$0x80] =	vst v5;
	v7 =	vld.idx.msk [tilespmem:v7+s1+$0x0], $0xffff  }
0x15b: {  	[tilespmem:s23+$0x80] =	vst v9;
	v5 =	vld.idx.msk [tilespmem:v10+s1+$0x0], $0xffff  }
0x15c: {  	v1 =	vadd.s32 $0x180, v1;
	[tilespmem:s22+$0x80] =	vst v8;
	v8 =	vld.idx.msk [tilespmem:v11+s1+$0x0], $0xffff  }
0x15d: {  	v16 =	vld.idx.msk [tilespmem:v14+s1+$0x0], $0xffff;
	v4 =	vadd.s32 $0x180, v4  }
0x15e: {  	s25 =	simm.s32 $0x200;
	v2 =	vadd.s32 $0x180, v2;
	v9 =	vld.idx.msk [tilespmem:v0+s1+$0x0], $0xffff  }
0x15f: {  	s19 =	simm.s32 $0x60;
	s6 =	sand.u32 $0x7C00, s25;
	v11 =	vadd.s32 $0x80, v0;
	v6 =	vld.idx.msk [tilespmem:v6+s1+$0x0], $0xffff;
	[tilespmem:s28+$0x100] =	vst v7  }
0x160: {  	s19 =	sand.u32 $0x60, s19;
	s2 =	sadd.s32 $0x3200, s6;
	s26 =	simm.s32 $0x70;
	v3 =	vadd.s32 $0x180, v3;
	v10 =	vld.idx.msk [tilespmem:v12+s1+$0x0], $0xffff;
	[tilespmem:s21+$0x100] =	vst v5  }
0x161: {  	s31 =	sor.u32 s19, s2;
	s12 =	sand.u32 $0x70, s26;
	v5 =	vadd.s32 $0x80, v12;
	[tilespmem:s23+$0x100] =	vst v8;
	v1 =	vld.idx.msk [tilespmem:v1+s1+$0x0], $0xffff  }
0x162: {  	s13 =	simm.s32 $0x50;
	v17 =	vadd.s32 $0x80, v13;
	[tilespmem:s31+$0x0] =	vst v15;
	s24 =	sor.u32 s12, s2;
	v18 =	vld.idx.msk [tilespmem:v4+s1+$0x0], $0xffff  }
0x163: {  	v19 =	vadd.s32 $0x80, v14;
	s12 =	sand.u32 $0x50, s13;
	[tilespmem:s24+$0x0] =	vst v9;
	v7 =	vld.idx.msk [tilespmem:v2+s1+$0x0], $0xffff  }
0x164: {  	s13 =	simm.s32 $0x40;
	s6 =	sor.u32 s12, s2;
	v9 =	vld.idx.msk [tilespmem:v11+s1+$0x0], $0xffff;
	[tilespmem:s22+$0x100] =	vst v6  }
0x165: {  	s13 =	sand.u32 $0x40, s13;
	[tilespmem:s6+$0x0] =	vst v10;
	v8 =	vld.idx.msk [tilespmem:v3+s1+$0x0], $0xffff  }
0x166: {  	v2 =	vadd.s32 $0x180, v13;
	v10 =	vld.idx.msk [tilespmem:v5+s1+$0x0], $0xffff;
	v5 =	vadd.s32 $0x100, v13;
	v13 =	vadd.s32 $0x100, v0;
	[tilespmem:s28+$0x180] =	vst v1;
	s28 =	sor.u32 s13, s2  }
0x167: {  	v4 =	vadd.s32 $0x180, v14;
	v11 =	vld.idx.msk [tilespmem:v17+s1+$0x0], $0xffff;
	[tilespmem:s28+$0x0] =	vst v16  }
0x168: {  	s29 =	simm.s32 $0x4;
	s30 =	simm.s32 $0x2A0;
	v6 =	vadd.s32 $0x100, v14;
	v3 =	vadd.s32 $0x100, v12;
	v1 =	vadd.s32 $0x180, v12;
	[tilespmem:s23+$0x180] =	vst v18;
	v12 =	vld.idx.msk [tilespmem:v19+s1+$0x0], $0xffff  }
.LBB2_18:
0x169: {  	v14 =	vld [tilespmem:s30+$0x10];
	s29 =	sadd.s32 $0x4, s29;
	[tilespmem:s21+$0x180] =	vst v7;
	s21 =	smov.u32 s6  }
0x16a: {  	v7 =	vld [tilespmem:s30+$0xFFFFFFF0];
	p0 =	slt.u32 s29, $0xFC;
	[tilespmem:s24+$0x80] =	vst v9  }
0x16b: {  	v9 =	vld.idx.msk [tilespmem:v13+s1+$0x0], $0xffff;
	[tilespmem:s22+$0x180] =	vst v8;
	s22 =	smov.u32 s31  }
0x16c: {  	v8 =	vld [tilespmem:s30+$0x0];
	[tilespmem:s21+$0x80] =	vst v10  }
0x16d: {  	v10 =	vld [tilespmem:s30+$0xFFFFFFE0];
	[tilespmem:s22+$0x80] =	vst v11;
	v11 =	vadd.s32 $0x180, v0  }
0x16e: {  	[tilespmem:s28+$0x80] =	vst v12;
	v12 =	vld.idx.msk [tilespmem:v3+s1+$0x0], $0xffff;
	v0 =	vmov v14  }
0x16f: {  	v13 =	vadd.s32 $0x80, v7;
	v3 =	vadd.s32 $0x100, v7;
	v15 =	vadd.s32 $0x180, v7;
	v16 =	vld.idx.msk [tilespmem:v6+s1+$0x0], $0xffff  }
0x170: {  	v17 =	vld.idx.msk [tilespmem:v5+s1+$0x0], $0xffff  }
0x171: {  	v18 =	vadd.s32 $0x80, v8;
	v5 =	vadd.s32 $0x100, v8;
	v19 =	vadd.s32 $0x180, v8;
	v14 =	vld.idx.msk [tilespmem:v14+s1+$0x0], $0xffff;
	[tilespmem:s24+$0x100] =	vst v9  }
0x172: {  	v20 =	vadd.s32 $0x80, v10;
	v6 =	vadd.s32 $0x100, v10;
	v9 =	vadd.s32 $0x180, v10;
	v11 =	vld.idx.msk [tilespmem:v11+s1+$0x0], $0xffff  }
0x173: {  	s25 =	sadd.s32 $0x200, s25;
	s26 =	sadd.s32 $0x40, s26;
	v22 =	vadd.s32 $0x80, v0;
	v21 =	vld.idx.msk [tilespmem:v7+s1+$0x0], $0xffff  }
0x174: {  	s2 =	sand.u32 $0x7C00, s25;
	s6 =	sadd.s32 $0xFFFFFFD0, s26;
	v23 =	vld.idx.msk [tilespmem:v8+s1+$0x0], $0xffff;
	[tilespmem:s21+$0x100] =	vst v12  }
0x175: {  	s12 =	sand.u32 $0x70, s26;
	s13 =	sadd.s32 $0xFFFFFFE0, s26;
	s2 =	sadd.s32 $0x3200, s2;
	v12 =	vld.idx.msk [tilespmem:v10+s1+$0x0], $0xffff;
	[tilespmem:s28+$0x100] =	vst v16  }
0x176: {  	s19 =	sadd.s32 $0xFFFFFFF0, s26;
	s6 =	sand.u32 $0x40, s6;
	s12 =	sor.u32 s12, s2;
	v16 =	vld.idx.msk [tilespmem:v4+s1+$0x0], $0xffff;
	[tilespmem:s22+$0x100] =	vst v17;
	v4 =	vmov v9  }
0x177: {  	s13 =	sand.u32 $0x50, s13;
	s19 =	sand.u32 $0x60, s19;
	s23 =	sor.u32 s6, s2;
	[tilespmem:s12+$0x0] =	vst v14;
	v7 =	vld.idx.msk [tilespmem:v1+s1+$0x0], $0xffff;
	v1 =	vmov v15  }
.Ltmp8:
0x178: {  	s6 =	sor.u32 s13, s2;
	s31 =	sor.u32 s19, s2;
	v9 =	vld.idx.msk [tilespmem:v22+s1+$0x0], $0xffff;
	[tilespmem:s24+$0x180] =	vst v11;
	(pc) =	sbr.rel @p0 .LBB2_18-.Ltmp8, $4  }
0x179: {  	s24 =	smov.u32 s12;
	[tilespmem:s6+$0x0] =	vst v21;
	v8 =	vld.idx.msk [tilespmem:v2+s1+$0x0], $0xffff;
	v2 =	vmov v19  }
0x17a: {  	v10 =	vld.idx.msk [tilespmem:v13+s1+$0x0], $0xffff;
	[tilespmem:s31+$0x0] =	vst v23;
	v13 =	vadd.s32 $0x100, v0  }
0x17b: {  	[tilespmem:s23+$0x0] =	vst v12;
	v11 =	vld.idx.msk [tilespmem:v18+s1+$0x0], $0xffff  }
0x17c: {  	s30 =	sadd.s32 $0x40, s30;
	v12 =	vld.idx.msk [tilespmem:v20+s1+$0x0], $0xffff;
	[tilespmem:s28+$0x180] =	vst v16;
	s28 =	smov.u32 s23  }
0x17d: {  	_ =	sdelay $0x2  }
0x17e: {  	[tilespmem:s24+$0x80] =	vst v9  }
0x17f: {  	v9 =	vld.idx.msk [tilespmem:v13+s1+$0x0], $0xffff;
	[tilespmem:s6+$0x80] =	vst v10  }
0x180: {  	v0 =	vadd.s32 $0x180, v0;
	[tilespmem:s31+$0x80] =	vst v11;
	v3 =	vld.idx.msk [tilespmem:v3+s1+$0x0], $0xffff  }
0x181: {  	[tilespmem:s28+$0x80] =	vst v12;
	v5 =	vld.idx.msk [tilespmem:v5+s1+$0x0], $0xffff  }
0x182: {  	v6 =	vld.idx.msk [tilespmem:v6+s1+$0x0], $0xffff;
	_ =	sdelay $0x1  }
0x183: {  	[tilespmem:s24+$0x100] =	vst v9  }
0x184: {  	v0 =	vld.idx.msk [tilespmem:v0+s1+$0x0], $0xffff;
	[tilespmem:s6+$0x100] =	vst v3  }
0x185: {  	[tilespmem:s31+$0x100] =	vst v5;
	v1 =	vld.idx.msk [tilespmem:v1+s1+$0x0], $0xffff  }
0x186: {  	[tilespmem:s28+$0x100] =	vst v6;
	v2 =	vld.idx.msk [tilespmem:v2+s1+$0x0], $0xffff  }
0x187: {  	[tilespmem:s21+$0x180] =	vst v7;
	v63 =	vld.idx.msk [tilespmem:v4+s1+$0x0], $0xffff  }
0x188: {  	[tilespmem:s22+$0x180] =	vst v8  }
0x189: {  	[tilespmem:s24+$0x180] =	vst v0  }
0x18a: {  	[tilespmem:s6+$0x180] =	vst v1  }
0x18b: {  	[tilespmem:s31+$0x180] =	vst v2  }
0x18c: {  	[tilespmem:s28+$0x180] =	vst v63  }
0x18d: {  	_ =	swait.ge [sflag:s3], $0x2000  }
0x18e: {  	s2 =	simm.s32 $0x0;
	[sflag:s3] =	ssyncset.done $0x0  }
0x18f: {  	s12 =	simm.s32 $0x3200;
	s30 =	rddreg [dreg:$0x10];
	[sflag:s3] =	ssyncadd.s32 $0xFFFFE000  }
0x190: {  	[hbm4b:s30+s2] =	stream.linear.scatter [tilespmem:s12], [sflag:$0x7], $0x8000, $0x38;
	[tilespmem:$0x1B200] =	vst v63  }
0x191: {  	_ =	swait.ge [sflag:s8], $0x1000  }
0x192: {  	[sflag:s8] =	ssyncset.done $0x0  }
0x193: {  	s31 =	simm.s32 $0x9;
	[sflag:s8] =	ssyncadd.s32 $0xFFFFF000  }
0x194: {  	_ =	swait.ge [sflag:s31], $0x8000  }
0x195: {  	s21 =	simm.s32 $0x20;
	s23 =	sadd.s32 $0x0, s15;
	[sflag:s31] =	ssyncset.done $0x0  }
0x196: {  	s22 =	simm.s32 $0x13800;
	s6 =	simm.s32 $0x13400;
	[sflag:s31] =	ssyncadd.s32 $0xFFFF8000  }
.LBB2_20:
0x197: {  	[tilespmem:s6], [sflag:$0x6] =	stream.linear.gather [hbm4b:s23+s1], $0x100, $0x38;
	[tilespmem:$0x1B200] =	vst v63  }
0x198: {  	s2 =	smov.u32 s21;
	s6 =	smov.u32 s22;
	p0 =	sne.s32 s21, $0x3E0  }
.Ltmp9:
0x199: {  	s21 =	sadd.s32 $0x20, s21;
	(pc) =	sbr.rel @p0 .LBB2_20-.Ltmp9, $2  }
0x19a: {  	_ =	sdelay $0x2  }
0x19b: {  	s22 =	sadd.s32 $0x400, s22;
	s23 =	sadd.s32 s2, s15  }
0x19c: {  	[tilespmem:s6], [sflag:$0x6] =	stream.linear.gather [hbm4b:s23+s1], $0x100, $0x38;
	[tilespmem:$0x1B200] =	vst v63  }
0x19d: {  	s2 =	simm.s32 $0x0  }
0x19e: {  	s13 =	rddreg [dreg:$0xb];
	s12 =	simm.s32 $0x200;
	s19 =	simm.s32 $0x1220  }
0x19f: {  	[tilespmem:s12], [sflag:$0x1] =	stream.linear.gather [hbm4b:s13+s2], $0x1000, $0x38;
	[tilespmem:$0x1B200] =	vst v63  }
0x1a0: {  	v1 =	vld [tilespmem:s19+$0x10]  }
0x1a1: {  	v2 =	vld [tilespmem:s19+$0xFFFFFFF0]  }
0x1a2: {  	v3 =	vld [tilespmem:s19+$0x0]  }
0x1a3: {  	v4 =	vld [tilespmem:s19+$0xFFFFFFE0];
	_ =	sdelay $0x2  }
0x1a4: {  	s26 =	simm.s32 $0x1260  }
0x1a5: {  	v13 =	vld [tilespmem:s26+$0x0]  }
0x1a6: {  	v0 =	vld.idx.msk [tilespmem:v1+s1+$0x0], $0xffff  }
0x1a7: {  	v6 =	vadd.s32 $0x80, v1;
	v5 =	vld.idx.msk [tilespmem:v2+s1+$0x0], $0xffff  }
0x1a8: {  	s21 =	simm.s32 $0x30;
	s2 =	sand.u32 $0x7C00, s2;
	v7 =	vadd.s32 $0x80, v2;
	v8 =	vld.idx.msk [tilespmem:v3+s1+$0x0], $0xffff  }
0x1a9: {  	s22 =	simm.s32 $0x10;
	s6 =	sand.u32 $0x70, s21;
	s2 =	sadd.s32 $0xB200, s2;
	v9 =	vadd.s32 $0x80, v3;
	v10 =	vld.idx.msk [tilespmem:v4+s1+$0x0], $0xffff  }
0x1aa: {  	s23 =	sand.u32 $0x50, s22;
	s13 =	simm.s32 $0x20;
	v14 =	vld [tilespmem:s26+$0xFFFFFFE0];
	s28 =	sor.u32 s6, s2;
	v11 =	vadd.s32 $0x80, v4  }
0x1ab: {  	s24 =	simm.s32 $0x0;
	s13 =	sand.u32 $0x60, s13;
	s21 =	sor.u32 s23, s2;
	[tilespmem:s28+$0x0] =	vst v0;
	v0 =	vld [tilespmem:s26+$0x10]  }
0x1ac: {  	s25 =	sand.u32 $0x40, s24;
	s22 =	sor.u32 s13, s2;
	[tilespmem:s21+$0x0] =	vst v5;
	v6 =	vld.idx.msk [tilespmem:v6+s1+$0x0], $0xffff  }
0x1ad: {  	s23 =	sor.u32 s25, s2;
	[tilespmem:s22+$0x0] =	vst v8;
	v5 =	vld.idx.msk [tilespmem:v7+s1+$0x0], $0xffff  }
0x1ae: {  	[tilespmem:s23+$0x0] =	vst v10;
	v7 =	vadd.s32 $0x100, v1;
	v8 =	vld.idx.msk [tilespmem:v9+s1+$0x0], $0xffff  }
0x1af: {  	v10 =	vadd.s32 $0x100, v2;
	v9 =	vld.idx.msk [tilespmem:v11+s1+$0x0], $0xffff  }
0x1b0: {  	v11 =	vadd.s32 $0x100, v4  }
0x1b1: {  	v12 =	vld [tilespmem:s26+$0xFFFFFFF0]  }
0x1b2: {  	v15 =	vld.idx.msk [tilespmem:v13+s1+$0x0], $0xffff;
	[tilespmem:s28+$0x80] =	vst v6  }
0x1b3: {  	v6 =	vadd.s32 $0x100, v3;
	[tilespmem:s21+$0x80] =	vst v5;
	v7 =	vld.idx.msk [tilespmem:v7+s1+$0x0], $0xffff  }
0x1b4: {  	[tilespmem:s23+$0x80] =	vst v9;
	v5 =	vld.idx.msk [tilespmem:v10+s1+$0x0], $0xffff  }
0x1b5: {  	v1 =	vadd.s32 $0x180, v1;
	[tilespmem:s22+$0x80] =	vst v8;
	v8 =	vld.idx.msk [tilespmem:v11+s1+$0x0], $0xffff  }
0x1b6: {  	v16 =	vld.idx.msk [tilespmem:v14+s1+$0x0], $0xffff;
	v4 =	vadd.s32 $0x180, v4  }
0x1b7: {  	s25 =	simm.s32 $0x200;
	v2 =	vadd.s32 $0x180, v2;
	v9 =	vld.idx.msk [tilespmem:v0+s1+$0x0], $0xffff  }
0x1b8: {  	s19 =	simm.s32 $0x60;
	s6 =	sand.u32 $0x7C00, s25;
	v11 =	vadd.s32 $0x80, v0;
	v6 =	vld.idx.msk [tilespmem:v6+s1+$0x0], $0xffff;
	[tilespmem:s28+$0x100] =	vst v7  }
0x1b9: {  	s19 =	sand.u32 $0x60, s19;
	s2 =	sadd.s32 $0xB200, s6;
	s26 =	simm.s32 $0x70;
	v3 =	vadd.s32 $0x180, v3;
	v10 =	vld.idx.msk [tilespmem:v12+s1+$0x0], $0xffff;
	[tilespmem:s21+$0x100] =	vst v5  }
0x1ba: {  	s31 =	sor.u32 s19, s2;
	s12 =	sand.u32 $0x70, s26;
	v5 =	vadd.s32 $0x80, v12;
	[tilespmem:s23+$0x100] =	vst v8;
	v1 =	vld.idx.msk [tilespmem:v1+s1+$0x0], $0xffff  }
0x1bb: {  	s13 =	simm.s32 $0x50;
	v17 =	vadd.s32 $0x80, v13;
	[tilespmem:s31+$0x0] =	vst v15;
	s24 =	sor.u32 s12, s2;
	v18 =	vld.idx.msk [tilespmem:v4+s1+$0x0], $0xffff  }
0x1bc: {  	v19 =	vadd.s32 $0x80, v14;
	s12 =	sand.u32 $0x50, s13;
	[tilespmem:s24+$0x0] =	vst v9;
	v7 =	vld.idx.msk [tilespmem:v2+s1+$0x0], $0xffff  }
0x1bd: {  	s13 =	simm.s32 $0x40;
	s6 =	sor.u32 s12, s2;
	v9 =	vld.idx.msk [tilespmem:v11+s1+$0x0], $0xffff;
	[tilespmem:s22+$0x100] =	vst v6  }
0x1be: {  	s13 =	sand.u32 $0x40, s13;
	[tilespmem:s6+$0x0] =	vst v10;
	v8 =	vld.idx.msk [tilespmem:v3+s1+$0x0], $0xffff  }
0x1bf: {  	v2 =	vadd.s32 $0x180, v13;
	v10 =	vld.idx.msk [tilespmem:v5+s1+$0x0], $0xffff;
	v5 =	vadd.s32 $0x100, v13;
	v13 =	vadd.s32 $0x100, v0;
	[tilespmem:s28+$0x180] =	vst v1;
	s28 =	sor.u32 s13, s2  }
0x1c0: {  	v4 =	vadd.s32 $0x180, v14;
	v11 =	vld.idx.msk [tilespmem:v17+s1+$0x0], $0xffff;
	[tilespmem:s28+$0x0] =	vst v16  }
0x1c1: {  	s29 =	simm.s32 $0x4;
	s30 =	simm.s32 $0x12A0;
	v6 =	vadd.s32 $0x100, v14;
	v3 =	vadd.s32 $0x100, v12;
	v1 =	vadd.s32 $0x180, v12;
	[tilespmem:s23+$0x180] =	vst v18;
	v12 =	vld.idx.msk [tilespmem:v19+s1+$0x0], $0xffff  }
.LBB2_22:
0x1c2: {  	v14 =	vld [tilespmem:s30+$0x10];
	s29 =	sadd.s32 $0x4, s29;
	[tilespmem:s21+$0x180] =	vst v7;
	s21 =	smov.u32 s6  }
0x1c3: {  	v7 =	vld [tilespmem:s30+$0xFFFFFFF0];
	p0 =	slt.u32 s29, $0xFC;
	[tilespmem:s24+$0x80] =	vst v9  }
0x1c4: {  	v9 =	vld.idx.msk [tilespmem:v13+s1+$0x0], $0xffff;
	[tilespmem:s22+$0x180] =	vst v8;
	s22 =	smov.u32 s31  }
0x1c5: {  	v8 =	vld [tilespmem:s30+$0x0];
	[tilespmem:s21+$0x80] =	vst v10  }
0x1c6: {  	v10 =	vld [tilespmem:s30+$0xFFFFFFE0];
	[tilespmem:s22+$0x80] =	vst v11;
	v11 =	vadd.s32 $0x180, v0  }
0x1c7: {  	[tilespmem:s28+$0x80] =	vst v12;
	v12 =	vld.idx.msk [tilespmem:v3+s1+$0x0], $0xffff;
	v0 =	vmov v14  }
0x1c8: {  	v13 =	vadd.s32 $0x80, v7;
	v3 =	vadd.s32 $0x100, v7;
	v15 =	vadd.s32 $0x180, v7;
	v16 =	vld.idx.msk [tilespmem:v6+s1+$0x0], $0xffff  }
0x1c9: {  	v17 =	vld.idx.msk [tilespmem:v5+s1+$0x0], $0xffff  }
0x1ca: {  	v18 =	vadd.s32 $0x80, v8;
	v5 =	vadd.s32 $0x100, v8;
	v19 =	vadd.s32 $0x180, v8;
	v14 =	vld.idx.msk [tilespmem:v14+s1+$0x0], $0xffff;
	[tilespmem:s24+$0x100] =	vst v9  }
0x1cb: {  	v20 =	vadd.s32 $0x80, v10;
	v6 =	vadd.s32 $0x100, v10;
	v9 =	vadd.s32 $0x180, v10;
	v11 =	vld.idx.msk [tilespmem:v11+s1+$0x0], $0xffff  }
0x1cc: {  	s25 =	sadd.s32 $0x200, s25;
	s26 =	sadd.s32 $0x40, s26;
	v22 =	vadd.s32 $0x80, v0;
	v21 =	vld.idx.msk [tilespmem:v7+s1+$0x0], $0xffff  }
0x1cd: {  	s2 =	sand.u32 $0x7C00, s25;
	s6 =	sadd.s32 $0xFFFFFFD0, s26;
	v23 =	vld.idx.msk [tilespmem:v8+s1+$0x0], $0xffff;
	[tilespmem:s21+$0x100] =	vst v12  }
0x1ce: {  	s12 =	sand.u32 $0x70, s26;
	s13 =	sadd.s32 $0xFFFFFFE0, s26;
	s2 =	sadd.s32 $0xB200, s2;
	v12 =	vld.idx.msk [tilespmem:v10+s1+$0x0], $0xffff;
	[tilespmem:s28+$0x100] =	vst v16  }
0x1cf: {  	s19 =	sadd.s32 $0xFFFFFFF0, s26;
	s6 =	sand.u32 $0x40, s6;
	s12 =	sor.u32 s12, s2;
	v16 =	vld.idx.msk [tilespmem:v4+s1+$0x0], $0xffff;
	[tilespmem:s22+$0x100] =	vst v17;
	v4 =	vmov v9  }
0x1d0: {  	s13 =	sand.u32 $0x50, s13;
	s19 =	sand.u32 $0x60, s19;
	s23 =	sor.u32 s6, s2;
	[tilespmem:s12+$0x0] =	vst v14;
	v7 =	vld.idx.msk [tilespmem:v1+s1+$0x0], $0xffff;
	v1 =	vmov v15  }
.Ltmp10:
0x1d1: {  	s6 =	sor.u32 s13, s2;
	s31 =	sor.u32 s19, s2;
	v9 =	vld.idx.msk [tilespmem:v22+s1+$0x0], $0xffff;
	[tilespmem:s24+$0x180] =	vst v11;
	(pc) =	sbr.rel @p0 .LBB2_22-.Ltmp10, $4  }
0x1d2: {  	s24 =	smov.u32 s12;
	[tilespmem:s6+$0x0] =	vst v21;
	v8 =	vld.idx.msk [tilespmem:v2+s1+$0x0], $0xffff;
	v2 =	vmov v19  }
0x1d3: {  	v10 =	vld.idx.msk [tilespmem:v13+s1+$0x0], $0xffff;
	[tilespmem:s31+$0x0] =	vst v23;
	v13 =	vadd.s32 $0x100, v0  }
0x1d4: {  	[tilespmem:s23+$0x0] =	vst v12;
	v11 =	vld.idx.msk [tilespmem:v18+s1+$0x0], $0xffff  }
0x1d5: {  	s30 =	sadd.s32 $0x40, s30;
	v12 =	vld.idx.msk [tilespmem:v20+s1+$0x0], $0xffff;
	[tilespmem:s28+$0x180] =	vst v16;
	s28 =	smov.u32 s23  }
0x1d6: {  	_ =	sdelay $0x2  }
0x1d7: {  	[tilespmem:s24+$0x80] =	vst v9  }
0x1d8: {  	v9 =	vld.idx.msk [tilespmem:v13+s1+$0x0], $0xffff;
	[tilespmem:s6+$0x80] =	vst v10  }
0x1d9: {  	v0 =	vadd.s32 $0x180, v0;
	[tilespmem:s31+$0x80] =	vst v11;
	v3 =	vld.idx.msk [tilespmem:v3+s1+$0x0], $0xffff  }
0x1da: {  	[tilespmem:s28+$0x80] =	vst v12;
	v5 =	vld.idx.msk [tilespmem:v5+s1+$0x0], $0xffff  }
0x1db: {  	v6 =	vld.idx.msk [tilespmem:v6+s1+$0x0], $0xffff;
	_ =	sdelay $0x1  }
0x1dc: {  	[tilespmem:s24+$0x100] =	vst v9  }
0x1dd: {  	v0 =	vld.idx.msk [tilespmem:v0+s1+$0x0], $0xffff;
	[tilespmem:s6+$0x100] =	vst v3  }
0x1de: {  	[tilespmem:s31+$0x100] =	vst v5;
	v1 =	vld.idx.msk [tilespmem:v1+s1+$0x0], $0xffff  }
0x1df: {  	[tilespmem:s28+$0x100] =	vst v6;
	v2 =	vld.idx.msk [tilespmem:v2+s1+$0x0], $0xffff  }
0x1e0: {  	[tilespmem:s21+$0x180] =	vst v7;
	v63 =	vld.idx.msk [tilespmem:v4+s1+$0x0], $0xffff  }
0x1e1: {  	[tilespmem:s22+$0x180] =	vst v8  }
0x1e2: {  	[tilespmem:s24+$0x180] =	vst v0  }
0x1e3: {  	[tilespmem:s6+$0x180] =	vst v1  }
0x1e4: {  	[tilespmem:s31+$0x180] =	vst v2  }
0x1e5: {  	[tilespmem:s28+$0x180] =	vst v63  }
0x1e6: {  	_ =	swait.ge [sflag:s10], $0x2000  }
0x1e7: {  	s2 =	simm.s32 $0x0;
	s12 =	simm.s32 $0xB200;
	[sflag:s10] =	ssyncset.done $0x0  }
0x1e8: {  	s31 =	simm.s32 $0x3;
	s30 =	rddreg [dreg:$0x11];
	[sflag:s10] =	ssyncadd.s32 $0xFFFFE000  }
0x1e9: {  	[hbm4b:s30+s2] =	stream.linear.scatter [tilespmem:s12], [sflag:$0x8], $0x8000, $0x38;
	[tilespmem:$0x1B200] =	vst v63  }
0x1ea: {  	_ =	swait.ge [sflag:s31], $0x1000  }
0x1eb: {  	[sflag:s31] =	ssyncset.done $0x0  }
0x1ec: {  	[sflag:s31] =	ssyncadd.s32 $0xFFFFF000  }
0x1ed: {  	_ =	swait.ge [sflag:s14], $0x8000  }
0x1ee: {  	s21 =	simm.s32 $0x20;
	s23 =	sadd.s32 $0x0, s16;
	[sflag:s14] =	ssyncset.done $0x0  }
0x1ef: {  	s22 =	simm.s32 $0x3800;
	s6 =	simm.s32 $0x3400;
	[sflag:s14] =	ssyncadd.s32 $0xFFFF8000  }
.LBB2_24:
0x1f0: {  	[tilespmem:s6], [sflag:$0x4] =	stream.linear.gather [hbm4b:s23+s1], $0x100, $0x38;
	[tilespmem:$0x1B200] =	vst v63  }
0x1f1: {  	s2 =	smov.u32 s21;
	s6 =	smov.u32 s22;
	p0 =	sne.s32 s21, $0x3E0  }
.Ltmp11:
0x1f2: {  	s21 =	sadd.s32 $0x20, s21;
	(pc) =	sbr.rel @p0 .LBB2_24-.Ltmp11, $2  }
0x1f3: {  	_ =	sdelay $0x2  }
0x1f4: {  	s22 =	sadd.s32 $0x400, s22;
	s23 =	sadd.s32 s2, s16  }
0x1f5: {  	[tilespmem:s6], [sflag:$0x4] =	stream.linear.gather [hbm4b:s23+s1], $0x100, $0x38;
	[tilespmem:$0x1B200] =	vst v63  }
0x1f6: {  	s2 =	simm.s32 $0x0  }
0x1f7: {  	s13 =	rddreg [dreg:$0xc];
	s12 =	simm.s32 $0x1200;
	s19 =	simm.s32 $0x2220  }
0x1f8: {  	[tilespmem:s12], [sflag:$0x2] =	stream.linear.gather [hbm4b:s13+s2], $0x1000, $0x38;
	[tilespmem:$0x1B200] =	vst v63  }
0x1f9: {  	v1 =	vld [tilespmem:s19+$0x10]  }
0x1fa: {  	v2 =	vld [tilespmem:s19+$0xFFFFFFF0]  }
0x1fb: {  	v3 =	vld [tilespmem:s19+$0x0]  }
0x1fc: {  	v4 =	vld [tilespmem:s19+$0xFFFFFFE0];
	_ =	sdelay $0x2  }
0x1fd: {  	s26 =	simm.s32 $0x2260  }
0x1fe: {  	v13 =	vld [tilespmem:s26+$0x0]  }
0x1ff: {  	v0 =	vld.idx.msk [tilespmem:v1+s1+$0x0], $0xffff  }
0x200: {  	v6 =	vadd.s32 $0x80, v1;
	v5 =	vld.idx.msk [tilespmem:v2+s1+$0x0], $0xffff  }
0x201: {  	s21 =	simm.s32 $0x30;
	s2 =	sand.u32 $0x7C00, s2;
	v7 =	vadd.s32 $0x80, v2;
	v8 =	vld.idx.msk [tilespmem:v3+s1+$0x0], $0xffff  }
0x202: {  	s22 =	simm.s32 $0x10;
	s6 =	sand.u32 $0x70, s21;
	s2 =	sadd.s32 $0x13200, s2;
	v9 =	vadd.s32 $0x80, v3;
	v10 =	vld.idx.msk [tilespmem:v4+s1+$0x0], $0xffff  }
0x203: {  	s23 =	sand.u32 $0x50, s22;
	s13 =	simm.s32 $0x20;
	v14 =	vld [tilespmem:s26+$0xFFFFFFE0];
	s28 =	sor.u32 s6, s2;
	v11 =	vadd.s32 $0x80, v4  }
0x204: {  	s24 =	simm.s32 $0x0;
	s13 =	sand.u32 $0x60, s13;
	s21 =	sor.u32 s23, s2;
	[tilespmem:s28+$0x0] =	vst v0;
	v0 =	vld [tilespmem:s26+$0x10]  }
0x205: {  	s25 =	sand.u32 $0x40, s24;
	s22 =	sor.u32 s13, s2;
	[tilespmem:s21+$0x0] =	vst v5;
	v6 =	vld.idx.msk [tilespmem:v6+s1+$0x0], $0xffff  }
0x206: {  	s23 =	sor.u32 s25, s2;
	[tilespmem:s22+$0x0] =	vst v8;
	v5 =	vld.idx.msk [tilespmem:v7+s1+$0x0], $0xffff  }
0x207: {  	[tilespmem:s23+$0x0] =	vst v10;
	v7 =	vadd.s32 $0x100, v1;
	v8 =	vld.idx.msk [tilespmem:v9+s1+$0x0], $0xffff  }
0x208: {  	v10 =	vadd.s32 $0x100, v2;
	v9 =	vld.idx.msk [tilespmem:v11+s1+$0x0], $0xffff  }
0x209: {  	v11 =	vadd.s32 $0x100, v4  }
0x20a: {  	v12 =	vld [tilespmem:s26+$0xFFFFFFF0]  }
0x20b: {  	v15 =	vld.idx.msk [tilespmem:v13+s1+$0x0], $0xffff;
	[tilespmem:s28+$0x80] =	vst v6  }
0x20c: {  	v6 =	vadd.s32 $0x100, v3;
	[tilespmem:s21+$0x80] =	vst v5;
	v7 =	vld.idx.msk [tilespmem:v7+s1+$0x0], $0xffff  }
0x20d: {  	[tilespmem:s23+$0x80] =	vst v9;
	v5 =	vld.idx.msk [tilespmem:v10+s1+$0x0], $0xffff  }
0x20e: {  	v1 =	vadd.s32 $0x180, v1;
	[tilespmem:s22+$0x80] =	vst v8;
	v8 =	vld.idx.msk [tilespmem:v11+s1+$0x0], $0xffff  }
0x20f: {  	v16 =	vld.idx.msk [tilespmem:v14+s1+$0x0], $0xffff;
	v4 =	vadd.s32 $0x180, v4  }
0x210: {  	s25 =	simm.s32 $0x200;
	v2 =	vadd.s32 $0x180, v2;
	v9 =	vld.idx.msk [tilespmem:v0+s1+$0x0], $0xffff  }
0x211: {  	s19 =	simm.s32 $0x60;
	s6 =	sand.u32 $0x7C00, s25;
	v11 =	vadd.s32 $0x80, v0;
	v6 =	vld.idx.msk [tilespmem:v6+s1+$0x0], $0xffff;
	[tilespmem:s28+$0x100] =	vst v7  }
0x212: {  	s19 =	sand.u32 $0x60, s19;
	s2 =	sadd.s32 $0x13200, s6;
	s26 =	simm.s32 $0x70;
	v3 =	vadd.s32 $0x180, v3;
	v10 =	vld.idx.msk [tilespmem:v12+s1+$0x0], $0xffff;
	[tilespmem:s21+$0x100] =	vst v5  }
0x213: {  	s31 =	sor.u32 s19, s2;
	s12 =	sand.u32 $0x70, s26;
	v5 =	vadd.s32 $0x80, v12;
	[tilespmem:s23+$0x100] =	vst v8;
	v1 =	vld.idx.msk [tilespmem:v1+s1+$0x0], $0xffff  }
0x214: {  	s13 =	simm.s32 $0x50;
	v17 =	vadd.s32 $0x80, v13;
	[tilespmem:s31+$0x0] =	vst v15;
	s24 =	sor.u32 s12, s2;
	v18 =	vld.idx.msk [tilespmem:v4+s1+$0x0], $0xffff  }
0x215: {  	v19 =	vadd.s32 $0x80, v14;
	s12 =	sand.u32 $0x50, s13;
	[tilespmem:s24+$0x0] =	vst v9;
	v7 =	vld.idx.msk [tilespmem:v2+s1+$0x0], $0xffff  }
0x216: {  	s13 =	simm.s32 $0x40;
	s6 =	sor.u32 s12, s2;
	v9 =	vld.idx.msk [tilespmem:v11+s1+$0x0], $0xffff;
	[tilespmem:s22+$0x100] =	vst v6  }
0x217: {  	s13 =	sand.u32 $0x40, s13;
	[tilespmem:s6+$0x0] =	vst v10;
	v8 =	vld.idx.msk [tilespmem:v3+s1+$0x0], $0xffff  }
0x218: {  	v2 =	vadd.s32 $0x180, v13;
	v10 =	vld.idx.msk [tilespmem:v5+s1+$0x0], $0xffff;
	v5 =	vadd.s32 $0x100, v13;
	v13 =	vadd.s32 $0x100, v0;
	[tilespmem:s28+$0x180] =	vst v1;
	s28 =	sor.u32 s13, s2  }
0x219: {  	v4 =	vadd.s32 $0x180, v14;
	v11 =	vld.idx.msk [tilespmem:v17+s1+$0x0], $0xffff;
	[tilespmem:s28+$0x0] =	vst v16  }
0x21a: {  	s29 =	simm.s32 $0x4;
	s30 =	simm.s32 $0x22A0;
	v6 =	vadd.s32 $0x100, v14;
	v3 =	vadd.s32 $0x100, v12;
	v1 =	vadd.s32 $0x180, v12;
	[tilespmem:s23+$0x180] =	vst v18;
	v12 =	vld.idx.msk [tilespmem:v19+s1+$0x0], $0xffff  }
.LBB2_26:
0x21b: {  	v14 =	vld [tilespmem:s30+$0x10];
	s29 =	sadd.s32 $0x4, s29;
	[tilespmem:s21+$0x180] =	vst v7;
	s21 =	smov.u32 s6  }
0x21c: {  	v7 =	vld [tilespmem:s30+$0xFFFFFFF0];
	p0 =	slt.u32 s29, $0xFC;
	[tilespmem:s24+$0x80] =	vst v9  }
0x21d: {  	v9 =	vld.idx.msk [tilespmem:v13+s1+$0x0], $0xffff;
	[tilespmem:s22+$0x180] =	vst v8;
	s22 =	smov.u32 s31  }
0x21e: {  	v8 =	vld [tilespmem:s30+$0x0];
	[tilespmem:s21+$0x80] =	vst v10  }
0x21f: {  	v10 =	vld [tilespmem:s30+$0xFFFFFFE0];
	[tilespmem:s22+$0x80] =	vst v11;
	v11 =	vadd.s32 $0x180, v0  }
0x220: {  	[tilespmem:s28+$0x80] =	vst v12;
	v12 =	vld.idx.msk [tilespmem:v3+s1+$0x0], $0xffff;
	v0 =	vmov v14  }
0x221: {  	v13 =	vadd.s32 $0x80, v7;
	v3 =	vadd.s32 $0x100, v7;
	v15 =	vadd.s32 $0x180, v7;
	v16 =	vld.idx.msk [tilespmem:v6+s1+$0x0], $0xffff  }
0x222: {  	v17 =	vld.idx.msk [tilespmem:v5+s1+$0x0], $0xffff  }
0x223: {  	v18 =	vadd.s32 $0x80, v8;
	v5 =	vadd.s32 $0x100, v8;
	v19 =	vadd.s32 $0x180, v8;
	v14 =	vld.idx.msk [tilespmem:v14+s1+$0x0], $0xffff;
	[tilespmem:s24+$0x100] =	vst v9  }
0x224: {  	v20 =	vadd.s32 $0x80, v10;
	v6 =	vadd.s32 $0x100, v10;
	v9 =	vadd.s32 $0x180, v10;
	v11 =	vld.idx.msk [tilespmem:v11+s1+$0x0], $0xffff  }
0x225: {  	s25 =	sadd.s32 $0x200, s25;
	s26 =	sadd.s32 $0x40, s26;
	v22 =	vadd.s32 $0x80, v0;
	v21 =	vld.idx.msk [tilespmem:v7+s1+$0x0], $0xffff  }
0x226: {  	s2 =	sand.u32 $0x7C00, s25;
	s6 =	sadd.s32 $0xFFFFFFD0, s26;
	v23 =	vld.idx.msk [tilespmem:v8+s1+$0x0], $0xffff;
	[tilespmem:s21+$0x100] =	vst v12  }
0x227: {  	s12 =	sand.u32 $0x70, s26;
	s13 =	sadd.s32 $0xFFFFFFE0, s26;
	s2 =	sadd.s32 $0x13200, s2;
	v12 =	vld.idx.msk [tilespmem:v10+s1+$0x0], $0xffff;
	[tilespmem:s28+$0x100] =	vst v16  }
0x228: {  	s19 =	sadd.s32 $0xFFFFFFF0, s26;
	s6 =	sand.u32 $0x40, s6;
	s12 =	sor.u32 s12, s2;
	v16 =	vld.idx.msk [tilespmem:v4+s1+$0x0], $0xffff;
	[tilespmem:s22+$0x100] =	vst v17;
	v4 =	vmov v9  }
0x229: {  	s13 =	sand.u32 $0x50, s13;
	s19 =	sand.u32 $0x60, s19;
	s23 =	sor.u32 s6, s2;
	[tilespmem:s12+$0x0] =	vst v14;
	v7 =	vld.idx.msk [tilespmem:v1+s1+$0x0], $0xffff;
	v1 =	vmov v15  }
.Ltmp12:
0x22a: {  	s6 =	sor.u32 s13, s2;
	s31 =	sor.u32 s19, s2;
	v9 =	vld.idx.msk [tilespmem:v22+s1+$0x0], $0xffff;
	[tilespmem:s24+$0x180] =	vst v11;
	(pc) =	sbr.rel @p0 .LBB2_26-.Ltmp12, $4  }
0x22b: {  	s24 =	smov.u32 s12;
	[tilespmem:s6+$0x0] =	vst v21;
	v8 =	vld.idx.msk [tilespmem:v2+s1+$0x0], $0xffff;
	v2 =	vmov v19  }
0x22c: {  	v10 =	vld.idx.msk [tilespmem:v13+s1+$0x0], $0xffff;
	[tilespmem:s31+$0x0] =	vst v23;
	v13 =	vadd.s32 $0x100, v0  }
0x22d: {  	[tilespmem:s23+$0x0] =	vst v12;
	v11 =	vld.idx.msk [tilespmem:v18+s1+$0x0], $0xffff  }
0x22e: {  	s30 =	sadd.s32 $0x40, s30;
	v12 =	vld.idx.msk [tilespmem:v20+s1+$0x0], $0xffff;
	[tilespmem:s28+$0x180] =	vst v16;
	s28 =	smov.u32 s23  }
0x22f: {  	_ =	sdelay $0x2  }
0x230: {  	[tilespmem:s24+$0x80] =	vst v9  }
0x231: {  	v9 =	vld.idx.msk [tilespmem:v13+s1+$0x0], $0xffff;
	[tilespmem:s6+$0x80] =	vst v10  }
0x232: {  	v0 =	vadd.s32 $0x180, v0;
	[tilespmem:s31+$0x80] =	vst v11;
	v3 =	vld.idx.msk [tilespmem:v3+s1+$0x0], $0xffff  }
0x233: {  	[tilespmem:s28+$0x80] =	vst v12;
	v5 =	vld.idx.msk [tilespmem:v5+s1+$0x0], $0xffff  }
0x234: {  	v6 =	vld.idx.msk [tilespmem:v6+s1+$0x0], $0xffff;
	_ =	sdelay $0x1  }
0x235: {  	[tilespmem:s24+$0x100] =	vst v9  }
0x236: {  	v0 =	vld.idx.msk [tilespmem:v0+s1+$0x0], $0xffff;
	[tilespmem:s6+$0x100] =	vst v3  }
0x237: {  	[tilespmem:s31+$0x100] =	vst v5;
	v1 =	vld.idx.msk [tilespmem:v1+s1+$0x0], $0xffff  }
0x238: {  	[tilespmem:s28+$0x100] =	vst v6;
	v2 =	vld.idx.msk [tilespmem:v2+s1+$0x0], $0xffff  }
0x239: {  	[tilespmem:s21+$0x180] =	vst v7;
	v63 =	vld.idx.msk [tilespmem:v4+s1+$0x0], $0xffff  }
0x23a: {  	[tilespmem:s22+$0x180] =	vst v8  }
0x23b: {  	[tilespmem:s24+$0x180] =	vst v0  }
0x23c: {  	[tilespmem:s6+$0x180] =	vst v1  }
0x23d: {  	[tilespmem:s31+$0x180] =	vst v2  }
0x23e: {  	s2 =	simm.s32 $0x6;
	[tilespmem:s28+$0x180] =	vst v63  }
0x23f: {  	_ =	swait.ge [sflag:s2], $0x2000  }
0x240: {  	s12 =	simm.s32 $0x13200;
	[sflag:s2] =	ssyncset.done $0x0  }
0x241: {  	s6 =	simm.s32 $0x0;
	s31 =	rddreg [dreg:$0x12];
	[sflag:s2] =	ssyncadd.s32 $0xFFFFE000  }
0x242: {  	[hbm4b:s31+s6] =	stream.linear.scatter [tilespmem:s12], [sflag:$0x9], $0x8000, $0x38;
	[tilespmem:$0x1B200] =	vst v63  }
0x243: {  	_ =	swait.ge [sflag:s0], $0x1000  }
0x244: {  	[sflag:s0] =	ssyncset.done $0x0  }
0x245: {  	[sflag:s0] =	ssyncadd.s32 $0xFFFFF000  }
0x246: {  	_ =	swait.ge [sflag:s18], $0x8000  }
0x247: {  	[sflag:s18] =	ssyncset.done $0x0  }
0x248: {  	s21 =	simm.s32 $0xB400;
	s22 =	simm.s32 $0x0;
	[sflag:s18] =	ssyncadd.s32 $0xFFFF8000  }
.LBB2_28:
0x249: {  	p0 =	sne.s32 s22, $0x3E0  }
.Ltmp13:
0x24a: {  	_ = 	snop;
	(pc) =	sbr.rel @p0 .LBB2_28-.Ltmp13, $4  }
0x24b: {  	_ = 	snop  }
0x24c: {  	s2 =	sadd.s32 s22, s17  }
0x24d: {  	[tilespmem:s21], [sflag:$0x5] =	stream.linear.gather [hbm4b:s2+s6], $0x100, $0x38;
	[tilespmem:$0x1B200] =	vst v63  }
0x24e: {  	s22 =	sadd.s32 $0x20, s22;
	s21 =	sadd.s32 $0x400, s21  }
0x24f: {  	s2 =	simm.s32 $0x220  }
0x250: {  	v1 =	vld [tilespmem:s2+$0x10]  }
0x251: {  	v2 =	vld [tilespmem:s2+$0xFFFFFFF0]  }
0x252: {  	v3 =	vld [tilespmem:s2+$0x0]  }
0x253: {  	v4 =	vld [tilespmem:s2+$0xFFFFFFE0];
	_ =	sdelay $0x2  }
0x254: {  	s26 =	simm.s32 $0x260  }
0x255: {  	v13 =	vld [tilespmem:s26+$0x0]  }
0x256: {  	v0 =	vld.idx.msk [tilespmem:v1+s1+$0x0], $0xffff  }
0x257: {  	v6 =	vadd.s32 $0x80, v1;
	v5 =	vld.idx.msk [tilespmem:v2+s1+$0x0], $0xffff  }
0x258: {  	s22 =	simm.s32 $0x30;
	s6 =	sand.u32 $0x7C00, s6;
	v7 =	vadd.s32 $0x80, v2;
	v8 =	vld.idx.msk [tilespmem:v3+s1+$0x0], $0xffff  }
0x259: {  	s12 =	simm.s32 $0x10;
	s6 =	sadd.s32 $0x3200, s6;
	s2 =	sand.u32 $0x70, s22;
	v9 =	vadd.s32 $0x80, v3;
	v10 =	vld.idx.msk [tilespmem:v4+s1+$0x0], $0xffff  }
0x25a: {  	s13 =	simm.s32 $0x20;
	s23 =	sand.u32 $0x50, s12;
	v14 =	vld [tilespmem:s26+$0xFFFFFFE0];
	s28 =	sor.u32 s2, s6;
	v11 =	vadd.s32 $0x80, v4  }
0x25b: {  	s24 =	simm.s32 $0x0;
	s13 =	sand.u32 $0x60, s13;
	s21 =	sor.u32 s23, s6;
	[tilespmem:s28+$0x0] =	vst v0;
	v0 =	vld [tilespmem:s26+$0x10]  }
0x25c: {  	s25 =	sand.u32 $0x40, s24;
	s22 =	sor.u32 s13, s6;
	[tilespmem:s21+$0x0] =	vst v5;
	v6 =	vld.idx.msk [tilespmem:v6+s1+$0x0], $0xffff  }
0x25d: {  	s23 =	sor.u32 s25, s6;
	[tilespmem:s22+$0x0] =	vst v8;
	v5 =	vld.idx.msk [tilespmem:v7+s1+$0x0], $0xffff  }
0x25e: {  	[tilespmem:s23+$0x0] =	vst v10;
	v7 =	vadd.s32 $0x100, v1;
	v8 =	vld.idx.msk [tilespmem:v9+s1+$0x0], $0xffff  }
0x25f: {  	v10 =	vadd.s32 $0x100, v2;
	v9 =	vld.idx.msk [tilespmem:v11+s1+$0x0], $0xffff  }
0x260: {  	v11 =	vadd.s32 $0x100, v4  }
0x261: {  	v12 =	vld [tilespmem:s26+$0xFFFFFFF0]  }
0x262: {  	v15 =	vld.idx.msk [tilespmem:v13+s1+$0x0], $0xffff;
	[tilespmem:s28+$0x80] =	vst v6  }
0x263: {  	v6 =	vadd.s32 $0x100, v3;
	[tilespmem:s21+$0x80] =	vst v5;
	v7 =	vld.idx.msk [tilespmem:v7+s1+$0x0], $0xffff  }
0x264: {  	[tilespmem:s23+$0x80] =	vst v9;
	v5 =	vld.idx.msk [tilespmem:v10+s1+$0x0], $0xffff  }
0x265: {  	v1 =	vadd.s32 $0x180, v1;
	[tilespmem:s22+$0x80] =	vst v8;
	v8 =	vld.idx.msk [tilespmem:v11+s1+$0x0], $0xffff  }
0x266: {  	v16 =	vld.idx.msk [tilespmem:v14+s1+$0x0], $0xffff;
	v4 =	vadd.s32 $0x180, v4  }
0x267: {  	s25 =	simm.s32 $0x200;
	v2 =	vadd.s32 $0x180, v2;
	v9 =	vld.idx.msk [tilespmem:v0+s1+$0x0], $0xffff  }
0x268: {  	s19 =	simm.s32 $0x60;
	s6 =	sand.u32 $0x7C00, s25;
	v11 =	vadd.s32 $0x80, v0;
	v6 =	vld.idx.msk [tilespmem:v6+s1+$0x0], $0xffff;
	[tilespmem:s28+$0x100] =	vst v7  }
0x269: {  	s19 =	sand.u32 $0x60, s19;
	s2 =	sadd.s32 $0x3200, s6;
	s26 =	simm.s32 $0x70;
	v3 =	vadd.s32 $0x180, v3;
	v10 =	vld.idx.msk [tilespmem:v12+s1+$0x0], $0xffff;
	[tilespmem:s21+$0x100] =	vst v5  }
0x26a: {  	s31 =	sor.u32 s19, s2;
	s12 =	sand.u32 $0x70, s26;
	v5 =	vadd.s32 $0x80, v12;
	[tilespmem:s23+$0x100] =	vst v8;
	v1 =	vld.idx.msk [tilespmem:v1+s1+$0x0], $0xffff  }
0x26b: {  	s13 =	simm.s32 $0x50;
	v17 =	vadd.s32 $0x80, v13;
	[tilespmem:s31+$0x0] =	vst v15;
	s24 =	sor.u32 s12, s2;
	v18 =	vld.idx.msk [tilespmem:v4+s1+$0x0], $0xffff  }
0x26c: {  	v19 =	vadd.s32 $0x80, v14;
	s12 =	sand.u32 $0x50, s13;
	[tilespmem:s24+$0x0] =	vst v9;
	v7 =	vld.idx.msk [tilespmem:v2+s1+$0x0], $0xffff  }
0x26d: {  	s13 =	simm.s32 $0x40;
	s6 =	sor.u32 s12, s2;
	v9 =	vld.idx.msk [tilespmem:v11+s1+$0x0], $0xffff;
	[tilespmem:s22+$0x100] =	vst v6  }
0x26e: {  	s13 =	sand.u32 $0x40, s13;
	[tilespmem:s6+$0x0] =	vst v10;
	v8 =	vld.idx.msk [tilespmem:v3+s1+$0x0], $0xffff  }
0x26f: {  	v2 =	vadd.s32 $0x180, v13;
	v10 =	vld.idx.msk [tilespmem:v5+s1+$0x0], $0xffff;
	v5 =	vadd.s32 $0x100, v13;
	v13 =	vadd.s32 $0x100, v0;
	[tilespmem:s28+$0x180] =	vst v1;
	s28 =	sor.u32 s13, s2  }
0x270: {  	v4 =	vadd.s32 $0x180, v14;
	v11 =	vld.idx.msk [tilespmem:v17+s1+$0x0], $0xffff;
	[tilespmem:s28+$0x0] =	vst v16  }
0x271: {  	s29 =	simm.s32 $0x4;
	s30 =	simm.s32 $0x2A0;
	v6 =	vadd.s32 $0x100, v14;
	v3 =	vadd.s32 $0x100, v12;
	v1 =	vadd.s32 $0x180, v12;
	[tilespmem:s23+$0x180] =	vst v18;
	v12 =	vld.idx.msk [tilespmem:v19+s1+$0x0], $0xffff  }
.LBB2_30:
0x272: {  	v14 =	vld [tilespmem:s30+$0x10];
	s29 =	sadd.s32 $0x4, s29;
	[tilespmem:s21+$0x180] =	vst v7;
	s21 =	smov.u32 s6  }
0x273: {  	v7 =	vld [tilespmem:s30+$0xFFFFFFF0];
	p0 =	slt.u32 s29, $0xFC;
	[tilespmem:s24+$0x80] =	vst v9  }
0x274: {  	v9 =	vld.idx.msk [tilespmem:v13+s1+$0x0], $0xffff;
	[tilespmem:s22+$0x180] =	vst v8;
	s22 =	smov.u32 s31  }
0x275: {  	v8 =	vld [tilespmem:s30+$0x0];
	[tilespmem:s21+$0x80] =	vst v10  }
0x276: {  	v10 =	vld [tilespmem:s30+$0xFFFFFFE0];
	[tilespmem:s22+$0x80] =	vst v11;
	v11 =	vadd.s32 $0x180, v0  }
0x277: {  	[tilespmem:s28+$0x80] =	vst v12;
	v12 =	vld.idx.msk [tilespmem:v3+s1+$0x0], $0xffff;
	v0 =	vmov v14  }
0x278: {  	v13 =	vadd.s32 $0x80, v7;
	v3 =	vadd.s32 $0x100, v7;
	v15 =	vadd.s32 $0x180, v7;
	v16 =	vld.idx.msk [tilespmem:v6+s1+$0x0], $0xffff  }
0x279: {  	v17 =	vld.idx.msk [tilespmem:v5+s1+$0x0], $0xffff  }
0x27a: {  	v18 =	vadd.s32 $0x80, v8;
	v5 =	vadd.s32 $0x100, v8;
	v19 =	vadd.s32 $0x180, v8;
	v14 =	vld.idx.msk [tilespmem:v14+s1+$0x0], $0xffff;
	[tilespmem:s24+$0x100] =	vst v9  }
0x27b: {  	v20 =	vadd.s32 $0x80, v10;
	v6 =	vadd.s32 $0x100, v10;
	v9 =	vadd.s32 $0x180, v10;
	v11 =	vld.idx.msk [tilespmem:v11+s1+$0x0], $0xffff  }
0x27c: {  	s25 =	sadd.s32 $0x200, s25;
	s26 =	sadd.s32 $0x40, s26;
	v22 =	vadd.s32 $0x80, v0;
	v21 =	vld.idx.msk [tilespmem:v7+s1+$0x0], $0xffff  }
0x27d: {  	s2 =	sand.u32 $0x7C00, s25;
	s6 =	sadd.s32 $0xFFFFFFD0, s26;
	v23 =	vld.idx.msk [tilespmem:v8+s1+$0x0], $0xffff;
	[tilespmem:s21+$0x100] =	vst v12  }
0x27e: {  	s12 =	sand.u32 $0x70, s26;
	s13 =	sadd.s32 $0xFFFFFFE0, s26;
	s2 =	sadd.s32 $0x3200, s2;
	v12 =	vld.idx.msk [tilespmem:v10+s1+$0x0], $0xffff;
	[tilespmem:s28+$0x100] =	vst v16  }
0x27f: {  	s19 =	sadd.s32 $0xFFFFFFF0, s26;
	s6 =	sand.u32 $0x40, s6;
	s12 =	sor.u32 s12, s2;
	v16 =	vld.idx.msk [tilespmem:v4+s1+$0x0], $0xffff;
	[tilespmem:s22+$0x100] =	vst v17;
	v4 =	vmov v9  }
0x280: {  	s13 =	sand.u32 $0x50, s13;
	s19 =	sand.u32 $0x60, s19;
	s23 =	sor.u32 s6, s2;
	[tilespmem:s12+$0x0] =	vst v14;
	v7 =	vld.idx.msk [tilespmem:v1+s1+$0x0], $0xffff;
	v1 =	vmov v15  }
.Ltmp14:
0x281: {  	s6 =	sor.u32 s13, s2;
	s31 =	sor.u32 s19, s2;
	v9 =	vld.idx.msk [tilespmem:v22+s1+$0x0], $0xffff;
	[tilespmem:s24+$0x180] =	vst v11;
	(pc) =	sbr.rel @p0 .LBB2_30-.Ltmp14, $4  }
0x282: {  	s24 =	smov.u32 s12;
	[tilespmem:s6+$0x0] =	vst v21;
	v8 =	vld.idx.msk [tilespmem:v2+s1+$0x0], $0xffff;
	v2 =	vmov v19  }
0x283: {  	v10 =	vld.idx.msk [tilespmem:v13+s1+$0x0], $0xffff;
	[tilespmem:s31+$0x0] =	vst v23;
	v13 =	vadd.s32 $0x100, v0  }
0x284: {  	[tilespmem:s23+$0x0] =	vst v12;
	v11 =	vld.idx.msk [tilespmem:v18+s1+$0x0], $0xffff  }
0x285: {  	s30 =	sadd.s32 $0x40, s30;
	v12 =	vld.idx.msk [tilespmem:v20+s1+$0x0], $0xffff;
	[tilespmem:s28+$0x180] =	vst v16;
	s28 =	smov.u32 s23  }
0x286: {  	_ =	sdelay $0x2  }
0x287: {  	[tilespmem:s24+$0x80] =	vst v9  }
0x288: {  	v9 =	vld.idx.msk [tilespmem:v13+s1+$0x0], $0xffff;
	[tilespmem:s6+$0x80] =	vst v10  }
0x289: {  	v0 =	vadd.s32 $0x180, v0;
	[tilespmem:s31+$0x80] =	vst v11;
	v3 =	vld.idx.msk [tilespmem:v3+s1+$0x0], $0xffff  }
0x28a: {  	[tilespmem:s28+$0x80] =	vst v12;
	v5 =	vld.idx.msk [tilespmem:v5+s1+$0x0], $0xffff  }
0x28b: {  	v6 =	vld.idx.msk [tilespmem:v6+s1+$0x0], $0xffff;
	_ =	sdelay $0x1  }
0x28c: {  	[tilespmem:s24+$0x100] =	vst v9  }
0x28d: {  	v0 =	vld.idx.msk [tilespmem:v0+s1+$0x0], $0xffff;
	[tilespmem:s6+$0x100] =	vst v3  }
0x28e: {  	[tilespmem:s31+$0x100] =	vst v5;
	v1 =	vld.idx.msk [tilespmem:v1+s1+$0x0], $0xffff  }
0x28f: {  	[tilespmem:s28+$0x100] =	vst v6;
	v2 =	vld.idx.msk [tilespmem:v2+s1+$0x0], $0xffff  }
0x290: {  	[tilespmem:s21+$0x180] =	vst v7;
	v3 =	vld.idx.msk [tilespmem:v4+s1+$0x0], $0xffff  }
0x291: {  	[tilespmem:s22+$0x180] =	vst v8  }
0x292: {  	[tilespmem:s24+$0x180] =	vst v0  }
0x293: {  	[tilespmem:s6+$0x180] =	vst v1  }
0x294: {  	[tilespmem:s31+$0x180] =	vst v2  }
0x295: {  	[tilespmem:s28+$0x180] =	vst v3  }
0x296: {  	_ =	swait.ge [sflag:s3], $0x2000  }
0x297: {  	s2 =	simm.s32 $0x0;
	[sflag:s3] =	ssyncset.done $0x0  }
0x298: {  	s12 =	simm.s32 $0x3200;
	s13 =	rddreg [dreg:$0x13];
	[sflag:s3] =	ssyncadd.s32 $0xFFFFE000  }
0x299: {  	[hbm4b:s13+s2] =	stream.linear.scatter [tilespmem:s12], [sflag:$0x7], $0x8000, $0x38;
	[tilespmem:$0x1B200] =	vst v63  }
0x29a: {  	_ =	swait.ge [sflag:s8], $0x1000  }
0x29b: {  	[sflag:s8] =	ssyncset.done $0x0  }
0x29c: {  	s19 =	simm.s32 $0x1220;
	[sflag:s8] =	ssyncadd.s32 $0xFFFFF000  }
0x29d: {  	v1 =	vld [tilespmem:s19+$0x10]  }
0x29e: {  	v2 =	vld [tilespmem:s19+$0xFFFFFFF0]  }
0x29f: {  	v3 =	vld [tilespmem:s19+$0x0]  }
0x2a0: {  	v4 =	vld [tilespmem:s19+$0xFFFFFFE0];
	_ =	sdelay $0x2  }
0x2a1: {  	s26 =	simm.s32 $0x1260  }
0x2a2: {  	v13 =	vld [tilespmem:s26+$0x0]  }
0x2a3: {  	v0 =	vld.idx.msk [tilespmem:v1+s1+$0x0], $0xffff  }
0x2a4: {  	v6 =	vadd.s32 $0x80, v1;
	v5 =	vld.idx.msk [tilespmem:v2+s1+$0x0], $0xffff  }
0x2a5: {  	s21 =	simm.s32 $0x30;
	s2 =	sand.u32 $0x7C00, s2;
	v7 =	vadd.s32 $0x80, v2;
	v8 =	vld.idx.msk [tilespmem:v3+s1+$0x0], $0xffff  }
0x2a6: {  	s22 =	simm.s32 $0x10;
	s6 =	sand.u32 $0x70, s21;
	s2 =	sadd.s32 $0xB200, s2;
	v9 =	vadd.s32 $0x80, v3;
	v10 =	vld.idx.msk [tilespmem:v4+s1+$0x0], $0xffff  }
0x2a7: {  	s23 =	sand.u32 $0x50, s22;
	s13 =	simm.s32 $0x20;
	s28 =	sor.u32 s6, s2;
	v14 =	vld [tilespmem:s26+$0xFFFFFFE0];
	v11 =	vadd.s32 $0x80, v4  }
0x2a8: {  	s24 =	simm.s32 $0x0;
	s13 =	sand.u32 $0x60, s13;
	s21 =	sor.u32 s23, s2;
	[tilespmem:s28+$0x0] =	vst v0;
	v0 =	vld [tilespmem:s26+$0x10]  }
0x2a9: {  	s25 =	sand.u32 $0x40, s24;
	s22 =	sor.u32 s13, s2;
	[tilespmem:s21+$0x0] =	vst v5;
	v6 =	vld.idx.msk [tilespmem:v6+s1+$0x0], $0xffff  }
0x2aa: {  	s23 =	sor.u32 s25, s2;
	[tilespmem:s22+$0x0] =	vst v8;
	v5 =	vld.idx.msk [tilespmem:v7+s1+$0x0], $0xffff  }
0x2ab: {  	[tilespmem:s23+$0x0] =	vst v10;
	v7 =	vadd.s32 $0x100, v1;
	v8 =	vld.idx.msk [tilespmem:v9+s1+$0x0], $0xffff  }
0x2ac: {  	v10 =	vadd.s32 $0x100, v2;
	v9 =	vld.idx.msk [tilespmem:v11+s1+$0x0], $0xffff  }
0x2ad: {  	v11 =	vadd.s32 $0x100, v4  }
0x2ae: {  	v12 =	vld [tilespmem:s26+$0xFFFFFFF0]  }
0x2af: {  	v15 =	vld.idx.msk [tilespmem:v13+s1+$0x0], $0xffff;
	[tilespmem:s28+$0x80] =	vst v6  }
0x2b0: {  	v6 =	vadd.s32 $0x100, v3;
	[tilespmem:s21+$0x80] =	vst v5;
	v7 =	vld.idx.msk [tilespmem:v7+s1+$0x0], $0xffff  }
0x2b1: {  	[tilespmem:s23+$0x80] =	vst v9;
	v5 =	vld.idx.msk [tilespmem:v10+s1+$0x0], $0xffff  }
0x2b2: {  	v1 =	vadd.s32 $0x180, v1;
	[tilespmem:s22+$0x80] =	vst v8;
	v8 =	vld.idx.msk [tilespmem:v11+s1+$0x0], $0xffff  }
0x2b3: {  	v16 =	vld.idx.msk [tilespmem:v14+s1+$0x0], $0xffff;
	v4 =	vadd.s32 $0x180, v4  }
0x2b4: {  	s25 =	simm.s32 $0x200;
	v2 =	vadd.s32 $0x180, v2;
	v9 =	vld.idx.msk [tilespmem:v0+s1+$0x0], $0xffff  }
0x2b5: {  	s6 =	sand.u32 $0x7C00, s25;
	s19 =	simm.s32 $0x60;
	v11 =	vadd.s32 $0x80, v0;
	v6 =	vld.idx.msk [tilespmem:v6+s1+$0x0], $0xffff;
	[tilespmem:s28+$0x100] =	vst v7  }
0x2b6: {  	s2 =	sadd.s32 $0xB200, s6;
	s19 =	sand.u32 $0x60, s19;
	s26 =	simm.s32 $0x70;
	v3 =	vadd.s32 $0x180, v3;
	v10 =	vld.idx.msk [tilespmem:v12+s1+$0x0], $0xffff;
	[tilespmem:s21+$0x100] =	vst v5  }
0x2b7: {  	s31 =	sor.u32 s19, s2;
	s12 =	sand.u32 $0x70, s26;
	v5 =	vadd.s32 $0x80, v12;
	[tilespmem:s23+$0x100] =	vst v8;
	v1 =	vld.idx.msk [tilespmem:v1+s1+$0x0], $0xffff  }
0x2b8: {  	s13 =	simm.s32 $0x50;
	v17 =	vadd.s32 $0x80, v13;
	[tilespmem:s31+$0x0] =	vst v15;
	s24 =	sor.u32 s12, s2;
	v18 =	vld.idx.msk [tilespmem:v4+s1+$0x0], $0xffff  }
0x2b9: {  	v19 =	vadd.s32 $0x80, v14;
	s12 =	sand.u32 $0x50, s13;
	[tilespmem:s24+$0x0] =	vst v9;
	v7 =	vld.idx.msk [tilespmem:v2+s1+$0x0], $0xffff  }
0x2ba: {  	s13 =	simm.s32 $0x40;
	s6 =	sor.u32 s12, s2;
	v9 =	vld.idx.msk [tilespmem:v11+s1+$0x0], $0xffff;
	[tilespmem:s22+$0x100] =	vst v6  }
0x2bb: {  	s13 =	sand.u32 $0x40, s13;
	[tilespmem:s6+$0x0] =	vst v10;
	v8 =	vld.idx.msk [tilespmem:v3+s1+$0x0], $0xffff  }
0x2bc: {  	v2 =	vadd.s32 $0x180, v13;
	v10 =	vld.idx.msk [tilespmem:v5+s1+$0x0], $0xffff;
	v5 =	vadd.s32 $0x100, v13;
	v13 =	vadd.s32 $0x100, v0;
	[tilespmem:s28+$0x180] =	vst v1;
	s28 =	sor.u32 s13, s2  }
0x2bd: {  	v4 =	vadd.s32 $0x180, v14;
	v11 =	vld.idx.msk [tilespmem:v17+s1+$0x0], $0xffff;
	[tilespmem:s28+$0x0] =	vst v16  }
0x2be: {  	s29 =	simm.s32 $0x4;
	s30 =	simm.s32 $0x12A0;
	v6 =	vadd.s32 $0x100, v14;
	v3 =	vadd.s32 $0x100, v12;
	v1 =	vadd.s32 $0x180, v12;
	[tilespmem:s23+$0x180] =	vst v18;
	v12 =	vld.idx.msk [tilespmem:v19+s1+$0x0], $0xffff  }
.LBB2_32:
0x2bf: {  	v14 =	vld [tilespmem:s30+$0x10];
	s29 =	sadd.s32 $0x4, s29;
	[tilespmem:s21+$0x180] =	vst v7;
	s21 =	smov.u32 s6  }
0x2c0: {  	v7 =	vld [tilespmem:s30+$0xFFFFFFF0];
	p0 =	slt.u32 s29, $0xFC;
	[tilespmem:s24+$0x80] =	vst v9  }
0x2c1: {  	v9 =	vld.idx.msk [tilespmem:v13+s1+$0x0], $0xffff;
	[tilespmem:s22+$0x180] =	vst v8;
	s22 =	smov.u32 s31  }
0x2c2: {  	v8 =	vld [tilespmem:s30+$0x0];
	[tilespmem:s21+$0x80] =	vst v10  }
0x2c3: {  	v10 =	vld [tilespmem:s30+$0xFFFFFFE0];
	[tilespmem:s22+$0x80] =	vst v11;
	v11 =	vadd.s32 $0x180, v0  }
0x2c4: {  	[tilespmem:s28+$0x80] =	vst v12;
	v12 =	vld.idx.msk [tilespmem:v3+s1+$0x0], $0xffff;
	v0 =	vmov v14  }
0x2c5: {  	v13 =	vadd.s32 $0x80, v7;
	v3 =	vadd.s32 $0x100, v7;
	v15 =	vadd.s32 $0x180, v7;
	v16 =	vld.idx.msk [tilespmem:v6+s1+$0x0], $0xffff  }
0x2c6: {  	v17 =	vld.idx.msk [tilespmem:v5+s1+$0x0], $0xffff  }
0x2c7: {  	v18 =	vadd.s32 $0x80, v8;
	v5 =	vadd.s32 $0x100, v8;
	v19 =	vadd.s32 $0x180, v8;
	v14 =	vld.idx.msk [tilespmem:v14+s1+$0x0], $0xffff;
	[tilespmem:s24+$0x100] =	vst v9  }
0x2c8: {  	v20 =	vadd.s32 $0x80, v10;
	v6 =	vadd.s32 $0x100, v10;
	v9 =	vadd.s32 $0x180, v10;
	v11 =	vld.idx.msk [tilespmem:v11+s1+$0x0], $0xffff  }
0x2c9: {  	s25 =	sadd.s32 $0x200, s25;
	s26 =	sadd.s32 $0x40, s26;
	v22 =	vadd.s32 $0x80, v0;
	v21 =	vld.idx.msk [tilespmem:v7+s1+$0x0], $0xffff  }
0x2ca: {  	s2 =	sand.u32 $0x7C00, s25;
	s6 =	sadd.s32 $0xFFFFFFD0, s26;
	v23 =	vld.idx.msk [tilespmem:v8+s1+$0x0], $0xffff;
	[tilespmem:s21+$0x100] =	vst v12  }
0x2cb: {  	s12 =	sand.u32 $0x70, s26;
	s13 =	sadd.s32 $0xFFFFFFE0, s26;
	s2 =	sadd.s32 $0xB200, s2;
	v12 =	vld.idx.msk [tilespmem:v10+s1+$0x0], $0xffff;
	[tilespmem:s28+$0x100] =	vst v16  }
0x2cc: {  	s19 =	sadd.s32 $0xFFFFFFF0, s26;
	s6 =	sand.u32 $0x40, s6;
	s12 =	sor.u32 s12, s2;
	v16 =	vld.idx.msk [tilespmem:v4+s1+$0x0], $0xffff;
	[tilespmem:s22+$0x100] =	vst v17;
	v4 =	vmov v9  }
0x2cd: {  	s13 =	sand.u32 $0x50, s13;
	s19 =	sand.u32 $0x60, s19;
	s23 =	sor.u32 s6, s2;
	[tilespmem:s12+$0x0] =	vst v14;
	v7 =	vld.idx.msk [tilespmem:v1+s1+$0x0], $0xffff;
	v1 =	vmov v15  }
.Ltmp15:
0x2ce: {  	s6 =	sor.u32 s13, s2;
	s31 =	sor.u32 s19, s2;
	v9 =	vld.idx.msk [tilespmem:v22+s1+$0x0], $0xffff;
	[tilespmem:s24+$0x180] =	vst v11;
	(pc) =	sbr.rel @p0 .LBB2_32-.Ltmp15, $4  }
0x2cf: {  	s24 =	smov.u32 s12;
	[tilespmem:s6+$0x0] =	vst v21;
	v8 =	vld.idx.msk [tilespmem:v2+s1+$0x0], $0xffff;
	v2 =	vmov v19  }
0x2d0: {  	v10 =	vld.idx.msk [tilespmem:v13+s1+$0x0], $0xffff;
	[tilespmem:s31+$0x0] =	vst v23;
	v13 =	vadd.s32 $0x100, v0  }
0x2d1: {  	[tilespmem:s23+$0x0] =	vst v12;
	v11 =	vld.idx.msk [tilespmem:v18+s1+$0x0], $0xffff  }
0x2d2: {  	s30 =	sadd.s32 $0x40, s30;
	v12 =	vld.idx.msk [tilespmem:v20+s1+$0x0], $0xffff;
	[tilespmem:s28+$0x180] =	vst v16;
	s28 =	smov.u32 s23  }
0x2d3: {  	_ =	sdelay $0x2  }
0x2d4: {  	[tilespmem:s24+$0x80] =	vst v9  }
0x2d5: {  	v9 =	vld.idx.msk [tilespmem:v13+s1+$0x0], $0xffff;
	[tilespmem:s6+$0x80] =	vst v10  }
0x2d6: {  	v0 =	vadd.s32 $0x180, v0;
	[tilespmem:s31+$0x80] =	vst v11;
	v3 =	vld.idx.msk [tilespmem:v3+s1+$0x0], $0xffff  }
0x2d7: {  	[tilespmem:s28+$0x80] =	vst v12;
	v5 =	vld.idx.msk [tilespmem:v5+s1+$0x0], $0xffff  }
0x2d8: {  	v6 =	vld.idx.msk [tilespmem:v6+s1+$0x0], $0xffff;
	_ =	sdelay $0x1  }
0x2d9: {  	[tilespmem:s24+$0x100] =	vst v9  }
0x2da: {  	v0 =	vld.idx.msk [tilespmem:v0+s1+$0x0], $0xffff;
	[tilespmem:s6+$0x100] =	vst v3  }
0x2db: {  	[tilespmem:s31+$0x100] =	vst v5;
	v1 =	vld.idx.msk [tilespmem:v1+s1+$0x0], $0xffff  }
0x2dc: {  	[tilespmem:s28+$0x100] =	vst v6;
	v2 =	vld.idx.msk [tilespmem:v2+s1+$0x0], $0xffff  }
0x2dd: {  	[tilespmem:s21+$0x180] =	vst v7;
	v63 =	vld.idx.msk [tilespmem:v4+s1+$0x0], $0xffff  }
0x2de: {  	[tilespmem:s22+$0x180] =	vst v8  }
0x2df: {  	[tilespmem:s24+$0x180] =	vst v0  }
0x2e0: {  	[tilespmem:s6+$0x180] =	vst v1  }
0x2e1: {  	[tilespmem:s31+$0x180] =	vst v2  }
0x2e2: {  	[tilespmem:s28+$0x180] =	vst v63  }
0x2e3: {  	_ =	swait.ge [sflag:s10], $0x2000  }
0x2e4: {  	s29 =	simm.s32 $0xB200;
	[sflag:s10] =	ssyncset.done $0x0  }
0x2e5: {  	s30 =	simm.s32 $0x9;
	s2 =	rddreg [dreg:$0x14];
	[sflag:s10] =	ssyncadd.s32 $0xFFFFE000  }
0x2e6: {  	[hbm4b:s2+s1] =	stream.linear.scatter [tilespmem:s29], [sflag:$0x8], $0x8000, $0x38;
	[tilespmem:$0x1B200] =	vst v63  }
0x2e7: {  	_ =	swait.ge [sflag:s30], $0x8000  }
0x2e8: {  	[sflag:s30] =	ssyncset.done $0x0  }
0x2e9: {  	[sflag:s30] =	ssyncadd.s32 $0xFFFF8000  }
0x2ea: {  	_ =	swait.ge [sflag:s14], $0x8000  }
0x2eb: {  	[sflag:s14] =	ssyncset.done $0x0  }
0x2ec: {  	[sflag:s14] =	ssyncadd.s32 $0xFFFF8000  }
0x2ed: {  	_ =	swait.ge [sflag:s18], $0x8000  }
0x2ee: {  	s20 =	sadd.s32 $0x1, s20;
	s31 =	rddreg [dreg:$0x16]  }
0x2ef: {  	p0 =	sne.s32 s20, s31  }
.Ltmp16:
0x2f0: {  	_ = 	snop;
	(pc) =	sbr.rel @p0 .LBB2_1-.Ltmp16, $3  }
0x2f1: {  	_ =	sdelay $0x1  }
0x2f2: {  	[sflag:s18] =	ssyncset.done $0x0  }
0x2f3: {  	[sflag:s18] =	ssyncadd.s32 $0xFFFF8000  }
0x2f4: {  	_ =	sfence.sel $0x180000  }
0x2f5: {  	[bflag:$0x0] =	sbarrier.arrive $0xFFFF  }
0x2f6: {  	_ =	strace $0x90000047  }
0x2f7: {  	s0 =	stileid.u32;
	[bflag:$0x2] =	sbarrier.arrive $0xFFFF  }
0x2f8: {  	p0 =	sne.s32 s0, $0x0;
	s0 =	rddreg [dreg:$0x4]  }
0x2f9: {  	s0 =	sadd.s32 @!p0 $0x100000, s0  }
0x2fa: {  	[sflag:s0] =	ssyncadd.tile.s32 @!p0 $0x1;
	_ =	shalt  }
.Lfunc_end2:
_tile_overlayer_lowered:
.L_overlay_start_2:
0x2fb: {  	(tag) =	ssettag $0x2  }
0x2fc: {  	s0 =	rddreg [dreg:$0x0];
	s2 =	stileid.u32  }
0x2fd: {  	s1 =	rddreg [dreg:$0x1];
	p0 =	sne.s32 s2, $0x0  }
0x2fe: {  	s3 =	rddreg [dreg:$0x2];
	[bflag:$0x3] =	sbarrier.arrive $0xFFFF;
	s2 =	simm.s32 @!p0 $0x1C0A  }
0x2ff: {  	[timem:s3], [sflag:s2] =	dma.local @!p0 [hbm:s0], s1  }
0x300: {  	s0 =	simm.s32 @!p0 $0xA  }
0x301: {  	_ =	swait.ge @!p0 [sflag:s0], s1  }
0x302: {  	s1 =	ssub.s32 @!p0 $0x0, s1;
	[sflag:s0] =	ssyncset.done @!p0 $0x0  }
0x303: {  	[sflag:s0] =	ssyncadd.s32 @!p0 s1  }
0x304: {  	[bflag:$0x3] =	sbarrier.arrive $0xFFFF  }
0x305: {  	_ =	shalt  }

</sc_bundles>
